<compile_context>
chip_gen: v7x
topology: tpu7x:2x2x1
jax: 0.10.2.dev20260603
libtpu: 0.0.44.dev20260713+nightly
codegen_flags: <defaults>
</compile_context>

<pallas_src>
import functools

import jax
import jax.numpy as jnp
from jax import lax
from jax.experimental import pallas as pl
from jax.experimental.pallas import tpu as pltpu
from jax.experimental.pallas import tpu_sc as plsc

N_VERTS = 5023
N_CROP = 1787
BATCH = 4096
NUM_CORES = 2
NUM_SUBCORES = 16
NW = NUM_CORES * NUM_SUBCORES
JB = 128
BB = 128
N_JBLK = (N_CROP + JB - 1) // JB
IDX_PAD = N_JBLK * JB
LANES = 16
N_TASKS = 3 * N_JBLK


def _make_gather():
    mesh = plsc.VectorSubcoreMesh(core_axis_name="c", subcore_axis_name="s")

    @functools.partial(
        pl.kernel,
        mesh=mesh,
        compiler_params=pltpu.CompilerParams(
            needs_layout_passes=False, disable_bounds_checks=True),
        out_type=jax.ShapeDtypeStruct((3, BATCH, N_CROP), jnp.float32),
        scratch_types=[
            pltpu.VMEM((IDX_PAD,), jnp.int32),
            pltpu.VMEM((2, JB, BB), jnp.float32),
            pltpu.VMEM((2, BB, JB), jnp.float32),
            pltpu.SemaphoreType.DMA((2,)),
            pltpu.SemaphoreType.DMA((2,)),
        ],
    )
    def gather_kernel(xt, vidx_hbm, out_hbm, idx_v, ibufs, obufs,
                      sem_in, sem_out):
        wid = lax.axis_index("s") * NUM_CORES + lax.axis_index("c")
        b0 = wid * BB
        pltpu.sync_copy(vidx_hbm, idx_v)
        iota = lax.iota(jnp.int32, LANES)
        i32 = jnp.int32

        def start_in(par, c, jb):
            pltpu.make_async_copy(
                xt.at[c, :, pl.ds(b0, BB)].at[
                    idx_v.at[pl.ds(jb * JB, JB)]],
                ibufs.at[par], sem_in.at[par]).start()

        def wait_in(par):
            pltpu.make_async_copy(
                xt.at[0, :, pl.ds(b0, BB)].at[idx_v.at[pl.ds(0, JB)]],
                ibufs.at[par], sem_in.at[par]).wait()

        def start_out(par, c, jb):
            joff = pl.multiple_of(jb * JB, JB)
            pltpu.make_async_copy(
                obufs.at[par],
                out_hbm.at[c, pl.ds(b0, BB), pl.ds(joff, JB)],
                sem_out.at[par]).start()

        def wait_out(par):
            pltpu.make_async_copy(
                obufs.at[par],
                out_hbm.at[0, pl.ds(b0, BB), pl.ds(0, JB)],
                sem_out.at[par]).wait()

        bvecs = [iota + (bc * LANES) for bc in range(BB // LANES)]

        def transpose(par):
            ibuf = ibufs.at[par]
            obuf = obufs.at[par]

            @plsc.parallel_loop(0, JB, unroll=2)
            def _(j):
                jv = jnp.full((LANES,), j, i32)
                for bc in range(BB // LANES):
                    vals = ibuf[j, pl.ds(bc * LANES, LANES)]
                    plsc.store_scatter(obuf, [bvecs[bc], jv], vals)

        def bump(c, jb):
            jb_n = jb + 1
            wrap = jb_n == N_JBLK
            return lax.select(wrap, c + 1, c), lax.select(wrap, 0, jb_n)

        start_in(0, 0, 0)
        start_in(1, 0, 1)

        def step(t2, carry):
            c, jb, c2, jb2 = carry
            for par in range(2):
                t = t2 * 2 + par
                wait_in(par)

                @pl.when(t >= 2)
                def _():
                    wait_out(par)

                transpose(par)
                start_out(par, c, jb)

                @pl.when(t + 2 < N_TASKS)
                def _():
                    start_in(par, c2, jb2)

                c, jb = bump(c, jb)
                c2, jb2 = bump(c2, jb2)
            return c, jb, c2, jb2

        lax.fori_loop(0, N_TASKS // 2, step,
                      (i32(0), i32(0), i32(0), i32(2)))
        wait_out(0)
        wait_out(1)

    return gather_kernel


_gather = _make_gather()


def kernel(x, vidx):
    vidx32 = vidx.astype(jnp.int32)
    vpad = jnp.concatenate(
        [vidx32, jnp.zeros((IDX_PAD - N_CROP,), jnp.int32)])
    xt = x.transpose(2, 1, 0)
    out = _gather(xt, vpad)
    return out.transpose(1, 2, 0)

# --- scband reference (transcript-rebuilt; emitter-appended) ---
"""Pipeline reference for scband-flame-mesh-cropper-2808908612147 (READ-ONLY COPY).

The authoritative reference and input builder live on the scoring server;
editing this copy changes nothing except your own understanding.
"""

import jax, jax.numpy as jnp
import numpy as np

N_VERTS = 5023
N_CROP = 1787
BATCH = 4096


def setup_inputs(seed: int = 0) -> dict:
    key = jax.random.key(seed)
    k1, k2 = jax.random.split(key)
    x = jax.random.normal(k1, (BATCH, N_VERTS, 3), dtype=jnp.float32)
    # vidx is a fixed buffer loaded from assets in the original module;
    # emulate with sorted random vertex indices in [0, 5023).
    vidx = jnp.sort(jax.random.randint(k2, (N_CROP,), 0, N_VERTS, dtype=jnp.int32)).astype(jnp.int64)
    return {"x": x, "vidx": vidx}


def reference(x, vidx):
    # forward: assert x.shape[-2] == 5023; return x[..., vidx, :]
    assert x.shape[-2] == N_VERTS
    return jnp.take(x, vidx, axis=-2)

if __name__ == "__main__":
    import jax
    _d = setup_inputs()
    print(jax.jit(kernel)(*tuple(_d.values())))

</pallas_src>

<mosaic_0001>
#map = affine_map<(d0, d1) -> (0, 0, 0)>
#map1 = affine_map<(d0, d1) -> (0)>
module attributes {stable_mosaic.version = 14 : i64} {
  func.func @gather_kernel(%arg0: i32, %arg1: i32, %arg2: memref<3x5023x4096xf32, #tpu.memory_space<hbm>>, %arg3: memref<1792xi32, #tpu.memory_space<hbm>>, %arg4: memref<3x4096x1787xf32, #tpu.memory_space<hbm>>, %arg5: memref<1792xi32, #tpu.memory_space<vmem>>, %arg6: memref<2x128x128xf32, #tpu.memory_space<vmem>>, %arg7: memref<2x128x128xf32, #tpu.memory_space<vmem>>, %arg8: memref<2x!tpu.dma_semaphore, #tpu.memory_space<semaphore_mem>>, %arg9: memref<2x!tpu.dma_semaphore, #tpu.memory_space<semaphore_mem>>) attributes {dimension_semantics = [#tpu.dimension_semantics<core_parallel>, #tpu.dimension_semantics<subcore_parallel>], iteration_bounds = array<i64: 2, 16>, scalar_prefetch = 0 : i64, scratch_operands = 5 : i64, tpu.core_type = #tpu.core_type<sc_vector_subcore>, window_params = [{transform_indices = #map}, {transform_indices = #map1}, {transform_indices = #map}]} {
    %mul3A = arith.constant 2 : i32
    %mul3A_0 = arith.muli %arg1, %mul3A : i32
    %add3A = arith.addi %mul3A_0, %arg0 : i32
    %mul3A_1 = arith.constant 128 : i32
    %mul3A_2 = arith.muli %add3A, %mul3A_1 : i32
    "tpu.region"() ({
      %run_scoped3A = tpu.sem_alloc : memref<!tpu.dma_semaphore, #tpu.memory_space<semaphore_mem>>
      tpu.enqueue_dma source(%arg3 : memref<1792xi32, #tpu.memory_space<hbm>>) target(%arg5 : memref<1792xi32, #tpu.memory_space<vmem>>) target_semaphore(%run_scoped3A : memref<!tpu.dma_semaphore, #tpu.memory_space<semaphore_mem>>)
      tpu.wait_dma2 semaphore(%run_scoped3A : memref<!tpu.dma_semaphore, #tpu.memory_space<semaphore_mem>>) src(%arg3 : memref<1792xi32, #tpu.memory_space<hbm>>) dst(%arg5 : memref<1792xi32, #tpu.memory_space<vmem>>)
      tpu.yield
    }) : () -> ()
    %iota3A = tpu.iota {dimensions = array<i32: 0>} : vector<16xi32>
    %add3A_3 = arith.constant 0 : i32
    %add3A_4 = vector.broadcast %add3A_3 : i32 to vector<16xi32>
    %add3A_5 = arith.addi %iota3A, %add3A_4 : vector<16xi32>
    %add3A_6 = arith.constant 16 : i32
    %add3A_7 = vector.broadcast %add3A_6 : i32 to vector<16xi32>
    %add3A_8 = arith.addi %iota3A, %add3A_7 : vector<16xi32>
    %add3A_9 = arith.constant 32 : i32
    %add3A_10 = vector.broadcast %add3A_9 : i32 to vector<16xi32>
    %add3A_11 = arith.addi %iota3A, %add3A_10 : vector<16xi32>
    %add3A_12 = arith.constant 48 : i32
    %add3A_13 = vector.broadcast %add3A_12 : i32 to vector<16xi32>
    %add3A_14 = arith.addi %iota3A, %add3A_13 : vector<16xi32>
    %add3A_15 = arith.constant 64 : i32
    %add3A_16 = vector.broadcast %add3A_15 : i32 to vector<16xi32>
    %add3A_17 = arith.addi %iota3A, %add3A_16 : vector<16xi32>
    %add3A_18 = arith.constant 80 : i32
    %add3A_19 = vector.broadcast %add3A_18 : i32 to vector<16xi32>
    %add3A_20 = arith.addi %iota3A, %add3A_19 : vector<16xi32>
    %add3A_21 = arith.constant 96 : i32
    %add3A_22 = vector.broadcast %add3A_21 : i32 to vector<16xi32>
    %add3A_23 = arith.addi %iota3A, %add3A_22 : vector<16xi32>
    %add3A_24 = arith.constant 112 : i32
    %add3A_25 = vector.broadcast %add3A_24 : i32 to vector<16xi32>
    %add3A_26 = arith.addi %iota3A, %add3A_25 : vector<16xi32>
    %dma_start3A = arith.constant 0 : i32
    %dma_start3A_27 = arith.constant 0 : i32
    %dma_start3A_28 = arith.constant 0 : i32
    %dma_start3A_29 = arith.constant 0 : i32
    %dma_start3A_30 = arith.constant 0 : i32
    %dma_start3A_31 = tpu.memref_slice %arg6[%dma_start3A_27, %dma_start3A_29, %dma_start3A_30] : memref<2x128x128xf32, #tpu.memory_space<vmem>> -> memref<1x128x128xf32, #tpu.memory_space<vmem>>
    %dma_start3A_32 = tpu.memref_squeeze %dma_start3A_31 : memref<1x128x128xf32, #tpu.memory_space<vmem>> -> memref<128x128xf32, #tpu.memory_space<vmem>>
    %dma_start3A_33 = arith.constant 0 : i32
    %dma_start3A_34 = tpu.memref_slice %arg5[%dma_start3A_33] : memref<1792xi32, #tpu.memory_space<vmem>> -> memref<128xi32, #tpu.memory_space<vmem>>
    %dma_start3A_35 = arith.constant 0 : i32
    %dma_start3A_36 = tpu.memref_slice %arg2[%dma_start3A, %dma_start3A_35, %mul3A_2] : memref<3x5023x4096xf32, #tpu.memory_space<hbm>> -> memref<1x5023x128xf32, #tpu.memory_space<hbm>>
    %dma_start3A_37 = tpu.memref_squeeze %dma_start3A_36 : memref<1x5023x128xf32, #tpu.memory_space<hbm>> -> memref<5023x128xf32, #tpu.memory_space<hbm>>
    %dma_start3A_38 = arith.constant 0 : i32
    %dma_start3A_39 = arith.constant 0 : i32
    %dma_start3A_40 = tpu.memref_slice %dma_start3A_37[%dma_start3A_38, %dma_start3A_39] : memref<5023x128xf32, #tpu.memory_space<hbm>> -> memref<5023x128xf32, #tpu.memory_space<hbm>>
    %dma_start3A_41 = tpu.memref_slice %arg8[%dma_start3A_28] : memref<2x!tpu.dma_semaphore, #tpu.memory_space<semaphore_mem>> -> memref<1x!tpu.dma_semaphore, #tpu.memory_space<semaphore_mem>>
    %dma_start3A_42 = tpu.memref_squeeze %dma_start3A_41 : memref<1x!tpu.dma_semaphore, #tpu.memory_space<semaphore_mem>> -> memref<!tpu.dma_semaphore, #tpu.memory_space<semaphore_mem>>
    tpu.enqueue_indirect_dma source(%dma_start3A_40 : memref<5023x128xf32, #tpu.memory_space<hbm>>) target(%dma_start3A_32 : memref<128x128xf32, #tpu.memory_space<vmem>>) offsets(%dma_start3A_34 : memref<128xi32, #tpu.memory_space<vmem>>) semaphore(%dma_start3A_42 : memref<!tpu.dma_semaphore, #tpu.memory_space<semaphore_mem>>)
    %dma_start3A_43 = arith.constant 0 : i32
    %dma_start3A_44 = arith.constant 1 : i32
    %dma_start3A_45 = arith.constant 1 : i32
    %dma_start3A_46 = arith.constant 0 : i32
    %dma_start3A_47 = arith.constant 0 : i32
    %dma_start3A_48 = tpu.memref_slice %arg6[%dma_start3A_44, %dma_start3A_46, %dma_start3A_47] : memref<2x128x128xf32, #tpu.memory_space<vmem>> -> memref<1x128x128xf32, #tpu.memory_space<vmem>>
    %dma_start3A_49 = tpu.memref_squeeze %dma_start3A_48 : memref<1x128x128xf32, #tpu.memory_space<vmem>> -> memref<128x128xf32, #tpu.memory_space<vmem>>
    %dma_start3A_50 = arith.constant 128 : i32
    %dma_start3A_51 = tpu.memref_slice %arg5[%dma_start3A_50] : memref<1792xi32, #tpu.memory_space<vmem>> -> memref<128xi32, #tpu.memory_space<vmem>>
    %dma_start3A_52 = arith.constant 0 : i32
    %dma_start3A_53 = tpu.memref_slice %arg2[%dma_start3A_43, %dma_start3A_52, %mul3A_2] : memref<3x5023x4096xf32, #tpu.memory_space<hbm>> -> memref<1x5023x128xf32, #tpu.memory_space<hbm>>
    %dma_start3A_54 = tpu.memref_squeeze %dma_start3A_53 : memref<1x5023x128xf32, #tpu.memory_space<hbm>> -> memref<5023x128xf32, #tpu.memory_space<hbm>>
    %dma_start3A_55 = arith.constant 0 : i32
    %dma_start3A_56 = arith.constant 0 : i32
    %dma_start3A_57 = tpu.memref_slice %dma_start3A_54[%dma_start3A_55, %dma_start3A_56] : memref<5023x128xf32, #tpu.memory_space<hbm>> -> memref<5023x128xf32, #tpu.memory_space<hbm>>
    %dma_start3A_58 = tpu.memref_slice %arg8[%dma_start3A_45] : memref<2x!tpu.dma_semaphore, #tpu.memory_space<semaphore_mem>> -> memref<1x!tpu.dma_semaphore, #tpu.memory_space<semaphore_mem>>
    %dma_start3A_59 = tpu.memref_squeeze %dma_start3A_58 : memref<1x!tpu.dma_semaphore, #tpu.memory_space<semaphore_mem>> -> memref<!tpu.dma_semaphore, #tpu.memory_space<semaphore_mem>>
    tpu.enqueue_indirect_dma source(%dma_start3A_57 : memref<5023x128xf32, #tpu.memory_space<hbm>>) target(%dma_start3A_49 : memref<128x128xf32, #tpu.memory_space<vmem>>) offsets(%dma_start3A_51 : memref<128xi32, #tpu.memory_space<vmem>>) semaphore(%dma_start3A_59 : memref<!tpu.dma_semaphore, #tpu.memory_space<semaphore_mem>>)
    %scan3A = arith.constant 0 : i32
    %scan3A_60 = arith.constant 0 : i32
    %scan3A_61 = arith.constant 0 : i32
    %scan3A_62 = arith.constant 2 : i32
    %scan3A_63 = arith.constant 0 : i32
    %scan3A_64 = arith.constant 21 : i32
    %scan3A_65 = arith.addi %scan3A_63, %scan3A_64 : i32
    %scan3A_66 = arith.constant 1 : i32
    %scan3A_67:4 = scf.for %scan3A_106 = %scan3A_63 to %scan3A_65 step %scan3A_66 iter_args(%scan3A_107 = %scan3A, %scan3A_108 = %scan3A_60, %scan3A_109 = %scan3A_61, %scan3A_110 = %scan3A_62) -> (i32, i32, i32, i32)  : i32 {
      %mul3A_111 = arith.constant 2 : i32
      %mul3A_112 = arith.muli %scan3A_106, %mul3A_111 : i32
      %add3A_113 = arith.constant 0 : i32
      %add3A_114 = arith.addi %mul3A_112, %add3A_113 : i32
      %dma_wait3A_115 = arith.constant 0 : i32
      %dma_wait3A_116 = arith.constant 0 : i32
      %dma_wait3A_117 = arith.constant 0 : i32
      %dma_wait3A_118 = arith.constant 0 : i32
      %dma_wait3A_119 = arith.constant 0 : i32
      %dma_wait3A_120 = tpu.memref_slice %arg6[%dma_wait3A_116, %dma_wait3A_118, %dma_wait3A_119] : memref<2x128x128xf32, #tpu.memory_space<vmem>> -> memref<1x128x128xf32, #tpu.memory_space<vmem>>
      %dma_wait3A_121 = tpu.memref_squeeze %dma_wait3A_120 : memref<1x128x128xf32, #tpu.memory_space<vmem>> -> memref<128x128xf32, #tpu.memory_space<vmem>>
      %dma_wait3A_122 = arith.constant 0 : i32
      %dma_wait3A_123 = tpu.memref_slice %arg5[%dma_wait3A_122] : memref<1792xi32, #tpu.memory_space<vmem>> -> memref<128xi32, #tpu.memory_space<vmem>>
      %dma_wait3A_124 = arith.constant 0 : i32
      %dma_wait3A_125 = tpu.memref_slice %arg2[%dma_wait3A_115, %dma_wait3A_124, %mul3A_2] : memref<3x5023x4096xf32, #tpu.memory_space<hbm>> -> memref<1x5023x128xf32, #tpu.memory_space<hbm>>
      %dma_wait3A_126 = tpu.memref_squeeze %dma_wait3A_125 : memref<1x5023x128xf32, #tpu.memory_space<hbm>> -> memref<5023x128xf32, #tpu.memory_space<hbm>>
      %dma_wait3A_127 = arith.constant 0 : i32
      %dma_wait3A_128 = arith.constant 0 : i32
      %dma_wait3A_129 = tpu.memref_slice %dma_wait3A_126[%dma_wait3A_127, %dma_wait3A_128] : memref<5023x128xf32, #tpu.memory_space<hbm>> -> memref<5023x128xf32, #tpu.memory_space<hbm>>
      %dma_wait3A_130 = tpu.memref_slice %arg8[%dma_wait3A_117] : memref<2x!tpu.dma_semaphore, #tpu.memory_space<semaphore_mem>> -> memref<1x!tpu.dma_semaphore, #tpu.memory_space<semaphore_mem>>
      %dma_wait3A_131 = tpu.memref_squeeze %dma_wait3A_130 : memref<1x!tpu.dma_semaphore, #tpu.memory_space<semaphore_mem>> -> memref<!tpu.dma_semaphore, #tpu.memory_space<semaphore_mem>>
      tpu.wait_indirect_dma semaphore(%dma_wait3A_131 : memref<!tpu.dma_semaphore, #tpu.memory_space<semaphore_mem>>) src(%dma_wait3A_129 : memref<5023x128xf32, #tpu.memory_space<hbm>>) dst(%dma_wait3A_121 : memref<128x128xf32, #tpu.memory_space<vmem>>)
      %ge3A = arith.constant 2 : i32
      %ge3A_132 = arith.cmpi sge, %add3A_114, %ge3A : i32
      %convert_element_type3A = arith.extui %ge3A_132 : i1 to i32
      %cond3A = arith.constant 0 : i32
      %cond3A_133 = arith.cmpi ne, %convert_element_type3A, %cond3A : i32
      scf.if %cond3A_133 {
        %dma_wait3A_253 = arith.constant 0 : i32
        %dma_wait3A_254 = arith.constant 0 : i32
        %dma_wait3A_255 = arith.constant 0 : i32
        %dma_wait3A_256 = arith.constant 0 : i32
        %dma_wait3A_257 = arith.constant 0 : i32
        %dma_wait3A_258 = tpu.memref_slice %arg7[%dma_wait3A_253, %dma_wait3A_256, %dma_wait3A_257] : memref<2x128x128xf32, #tpu.memory_space<vmem>> -> memref<1x128x128xf32, #tpu.memory_space<vmem>>
        %dma_wait3A_259 = tpu.memref_squeeze %dma_wait3A_258 : memref<1x128x128xf32, #tpu.memory_space<vmem>> -> memref<128x128xf32, #tpu.memory_space<vmem>>
        %dma_wait3A_260 = arith.constant 0 : i32
        %dma_wait3A_261 = tpu.memref_slice %arg4[%dma_wait3A_254, %mul3A_2, %dma_wait3A_260] : memref<3x4096x1787xf32, #tpu.memory_space<hbm>> -> memref<1x128x128xf32, #tpu.memory_space<hbm>>
        %dma_wait3A_262 = tpu.memref_squeeze %dma_wait3A_261 : memref<1x128x128xf32, #tpu.memory_space<hbm>> -> memref<128x128xf32, #tpu.memory_space<hbm>>
        %dma_wait3A_263 = tpu.memref_slice %arg9[%dma_wait3A_255] : memref<2x!tpu.dma_semaphore, #tpu.memory_space<semaphore_mem>> -> memref<1x!tpu.dma_semaphore, #tpu.memory_space<semaphore_mem>>
        %dma_wait3A_264 = tpu.memref_squeeze %dma_wait3A_263 : memref<1x!tpu.dma_semaphore, #tpu.memory_space<semaphore_mem>> -> memref<!tpu.dma_semaphore, #tpu.memory_space<semaphore_mem>>
        %dma_wait3A_265 = arith.constant 0 : i32
        %dma_wait3A_266 = tpu.memref_slice %arg4[%dma_wait3A_254, %mul3A_2, %dma_wait3A_265] : memref<3x4096x1787xf32, #tpu.memory_space<hbm>> -> memref<1x128x128xf32, #tpu.memory_space<hbm>>
        %dma_wait3A_267 = tpu.memref_squeeze %dma_wait3A_266 : memref<1x128x128xf32, #tpu.memory_space<hbm>> -> memref<128x128xf32, #tpu.memory_space<hbm>>
        %dma_wait3A_268 = arith.constant 0 : i32
        %dma_wait3A_269 = arith.constant 0 : i32
        %dma_wait3A_270 = tpu.memref_slice %arg7[%dma_wait3A_253, %dma_wait3A_268, %dma_wait3A_269] : memref<2x128x128xf32, #tpu.memory_space<vmem>> -> memref<1x128x128xf32, #tpu.memory_space<vmem>>
        %dma_wait3A_271 = tpu.memref_squeeze %dma_wait3A_270 : memref<1x128x128xf32, #tpu.memory_space<vmem>> -> memref<128x128xf32, #tpu.memory_space<vmem>>
        tpu.wait_dma2 semaphore(%dma_wait3A_264 : memref<!tpu.dma_semaphore, #tpu.memory_space<semaphore_mem>>) src(%dma_wait3A_271 : memref<128x128xf32, #tpu.memory_space<vmem>>) dst(%dma_wait3A_267 : memref<128x128xf32, #tpu.memory_space<hbm>>)
      } else {
      }
      %parallel_loop3A = arith.constant 0 : i32
      %parallel_loop3A_134 = arith.constant 128 : i32
      %parallel_loop3A_135 = arith.constant 1 : i32
      %parallel_loop3A_136 = arith.constant 0 : i32
      %parallel_loop3A_137 = arith.constant 0 : i32
      scf.for %parallel_loop3A_253 = %parallel_loop3A to %parallel_loop3A_134 step %parallel_loop3A_135  : i32 {
        %parallel_loop3A_254 = vector.broadcast %parallel_loop3A_253 : i32 to vector<16xi32>
        %parallel_loop3A_255 = arith.constant 0 : i32
        %parallel_loop3A_256 = arith.constant 0 : i32
        %parallel_loop3A_257 = tpu.memref_slice %arg6[%parallel_loop3A_136, %parallel_loop3A_255, %parallel_loop3A_256] : memref<2x128x128xf32, #tpu.memory_space<vmem>> -> memref<1x128x128xf32, #tpu.memory_space<vmem>>
        %parallel_loop3A_258 = tpu.memref_squeeze %parallel_loop3A_257 : memref<1x128x128xf32, #tpu.memory_space<vmem>> -> memref<128x128xf32, #tpu.memory_space<vmem>>
        %parallel_loop3A_259 = arith.index_cast %parallel_loop3A_253 : i32 to index
        %parallel_loop3A_260 = arith.constant 0 : index
        %parallel_loop3A_261 = tpu.vector_load %parallel_loop3A_258[%parallel_loop3A_259, %parallel_loop3A_260] {strides = array<i32>} : memref<128x128xf32, #tpu.memory_space<vmem>>, vector<16xf32>,
        %parallel_loop3A_262 = arith.constant 0 : i32
        %parallel_loop3A_263 = arith.constant 0 : i32
        %parallel_loop3A_264 = tpu.memref_slice %arg7[%parallel_loop3A_137, %parallel_loop3A_262, %parallel_loop3A_263] : memref<2x128x128xf32, #tpu.memory_space<vmem>> -> memref<1x128x128xf32, #tpu.memory_space<vmem>>
        %parallel_loop3A_265 = tpu.memref_squeeze %parallel_loop3A_264 : memref<1x128x128xf32, #tpu.memory_space<vmem>> -> memref<128x128xf32, #tpu.memory_space<vmem>>
        tpu.vector_store_idx %parallel_loop3A_265[%add3A_5, %parallel_loop3A_254], %parallel_loop3A_261 : memref<128x128xf32, #tpu.memory_space<vmem>>[vector<16xi32>, vector<16xi32>], vector<16xf32>,
        %parallel_loop3A_266 = arith.constant 0 : i32
        %parallel_loop3A_267 = arith.constant 0 : i32
        %parallel_loop3A_268 = tpu.memref_slice %arg6[%parallel_loop3A_136, %parallel_loop3A_266, %parallel_loop3A_267] : memref<2x128x128xf32, #tpu.memory_space<vmem>> -> memref<1x128x128xf32, #tpu.memory_space<vmem>>
        %parallel_loop3A_269 = tpu.memref_squeeze %parallel_loop3A_268 : memref<1x128x128xf32, #tpu.memory_space<vmem>> -> memref<128x128xf32, #tpu.memory_space<vmem>>
        %parallel_loop3A_270 = arith.index_cast %parallel_loop3A_253 : i32 to index
        %parallel_loop3A_271 = arith.constant 16 : index
        %parallel_loop3A_272 = tpu.vector_load %parallel_loop3A_269[%parallel_loop3A_270, %parallel_loop3A_271] {strides = array<i32>} : memref<128x128xf32, #tpu.memory_space<vmem>>, vector<16xf32>,
        %parallel_loop3A_273 = arith.constant 0 : i32
        %parallel_loop3A_274 = arith.constant 0 : i32
        %parallel_loop3A_275 = tpu.memref_slice %arg7[%parallel_loop3A_137, %parallel_loop3A_273, %parallel_loop3A_274] : memref<2x128x128xf32, #tpu.memory_space<vmem>> -> memref<1x128x128xf32, #tpu.memory_space<vmem>>
        %parallel_loop3A_276 = tpu.memref_squeeze %parallel_loop3A_275 : memref<1x128x128xf32, #tpu.memory_space<vmem>> -> memref<128x128xf32, #tpu.memory_space<vmem>>
        tpu.vector_store_idx %parallel_loop3A_276[%add3A_8, %parallel_loop3A_254], %parallel_loop3A_272 : memref<128x128xf32, #tpu.memory_space<vmem>>[vector<16xi32>, vector<16xi32>], vector<16xf32>,
        %parallel_loop3A_277 = arith.constant 0 : i32
        %parallel_loop3A_278 = arith.constant 0 : i32
        %parallel_loop3A_279 = tpu.memref_slice %arg6[%parallel_loop3A_136, %parallel_loop3A_277, %parallel_loop3A_278] : memref<2x128x128xf32, #tpu.memory_space<vmem>> -> memref<1x128x128xf32, #tpu.memory_space<vmem>>
        %parallel_loop3A_280 = tpu.memref_squeeze %parallel_loop3A_279 : memref<1x128x128xf32, #tpu.memory_space<vmem>> -> memref<128x128xf32, #tpu.memory_space<vmem>>
        %parallel_loop3A_281 = arith.index_cast %parallel_loop3A_253 : i32 to index
        %parallel_loop3A_282 = arith.constant 32 : index
        %parallel_loop3A_283 = tpu.vector_load %parallel_loop3A_280[%parallel_loop3A_281, %parallel_loop3A_282] {strides = array<i32>} : memref<128x128xf32, #tpu.memory_space<vmem>>, vector<16xf32>,
        %parallel_loop3A_284 = arith.constant 0 : i32
        %parallel_loop3A_285 = arith.constant 0 : i32
        %parallel_loop3A_286 = tpu.memref_slice %arg7[%parallel_loop3A_137, %parallel_loop3A_284, %parallel_loop3A_285] : memref<2x128x128xf32, #tpu.memory_space<vmem>> -> memref<1x128x128xf32, #tpu.memory_space<vmem>>
        %parallel_loop3A_287 = tpu.memref_squeeze %parallel_loop3A_286 : memref<1x128x128xf32, #tpu.memory_space<vmem>> -> memref<128x128xf32, #tpu.memory_space<vmem>>
        tpu.vector_store_idx %parallel_loop3A_287[%add3A_11, %parallel_loop3A_254], %parallel_loop3A_283 : memref<128x128xf32, #tpu.memory_space<vmem>>[vector<16xi32>, vector<16xi32>], vector<16xf32>,
        %parallel_loop3A_288 = arith.constant 0 : i32
        %parallel_loop3A_289 = arith.constant 0 : i32
        %parallel_loop3A_290 = tpu.memref_slice %arg6[%parallel_loop3A_136, %parallel_loop3A_288, %parallel_loop3A_289] : memref<2x128x128xf32, #tpu.memory_space<vmem>> -> memref<1x128x128xf32, #tpu.memory_space<vmem>>
        %parallel_loop3A_291 = tpu.memref_squeeze %parallel_loop3A_290 : memref<1x128x128xf32, #tpu.memory_space<vmem>> -> memref<128x128xf32, #tpu.memory_space<vmem>>
        %parallel_loop3A_292 = arith.index_cast %parallel_loop3A_253 : i32 to index
        %parallel_loop3A_293 = arith.constant 48 : index
        %parallel_loop3A_294 = tpu.vector_load %parallel_loop3A_291[%parallel_loop3A_292, %parallel_loop3A_293] {strides = array<i32>} : memref<128x128xf32, #tpu.memory_space<vmem>>, vector<16xf32>,
        %parallel_loop3A_295 = arith.constant 0 : i32
        %parallel_loop3A_296 = arith.constant 0 : i32
        %parallel_loop3A_297 = tpu.memref_slice %arg7[%parallel_loop3A_137, %parallel_loop3A_295, %parallel_loop3A_296] : memref<2x128x128xf32, #tpu.memory_space<vmem>> -> memref<1x128x128xf32, #tpu.memory_space<vmem>>
        %parallel_loop3A_298 = tpu.memref_squeeze %parallel_loop3A_297 : memref<1x128x128xf32, #tpu.memory_space<vmem>> -> memref<128x128xf32, #tpu.memory_space<vmem>>
        tpu.vector_store_idx %parallel_loop3A_298[%add3A_14, %parallel_loop3A_254], %parallel_loop3A_294 : memref<128x128xf32, #tpu.memory_space<vmem>>[vector<16xi32>, vector<16xi32>], vector<16xf32>,
        %parallel_loop3A_299 = arith.constant 0 : i32
        %parallel_loop3A_300 = arith.constant 0 : i32
        %parallel_loop3A_301 = tpu.memref_slice %arg6[%parallel_loop3A_136, %parallel_loop3A_299, %parallel_loop3A_300] : memref<2x128x128xf32, #tpu.memory_space<vmem>> -> memref<1x128x128xf32, #tpu.memory_space<vmem>>
        %parallel_loop3A_302 = tpu.memref_squeeze %parallel_loop3A_301 : memref<1x128x128xf32, #tpu.memory_space<vmem>> -> memref<128x128xf32, #tpu.memory_space<vmem>>
        %parallel_loop3A_303 = arith.index_cast %parallel_loop3A_253 : i32 to index
        %parallel_loop3A_304 = arith.constant 64 : index
        %parallel_loop3A_305 = tpu.vector_load %parallel_loop3A_302[%parallel_loop3A_303, %parallel_loop3A_304] {strides = array<i32>} : memref<128x128xf32, #tpu.memory_space<vmem>>, vector<16xf32>,
        %parallel_loop3A_306 = arith.constant 0 : i32
        %parallel_loop3A_307 = arith.constant 0 : i32
        %parallel_loop3A_308 = tpu.memref_slice %arg7[%parallel_loop3A_137, %parallel_loop3A_306, %parallel_loop3A_307] : memref<2x128x128xf32, #tpu.memory_space<vmem>> -> memref<1x128x128xf32, #tpu.memory_space<vmem>>
        %parallel_loop3A_309 = tpu.memref_squeeze %parallel_loop3A_308 : memref<1x128x128xf32, #tpu.memory_space<vmem>> -> memref<128x128xf32, #tpu.memory_space<vmem>>
        tpu.vector_store_idx %parallel_loop3A_309[%add3A_17, %parallel_loop3A_254], %parallel_loop3A_305 : memref<128x128xf32, #tpu.memory_space<vmem>>[vector<16xi32>, vector<16xi32>], vector<16xf32>,
        %parallel_loop3A_310 = arith.constant 0 : i32
        %parallel_loop3A_311 = arith.constant 0 : i32
        %parallel_loop3A_312 = tpu.memref_slice %arg6[%parallel_loop3A_136, %parallel_loop3A_310, %parallel_loop3A_311] : memref<2x128x128xf32, #tpu.memory_space<vmem>> -> memref<1x128x128xf32, #tpu.memory_space<vmem>>
        %parallel_loop3A_313 = tpu.memref_squeeze %parallel_loop3A_312 : memref<1x128x128xf32, #tpu.memory_space<vmem>> -> memref<128x128xf32, #tpu.memory_space<vmem>>
        %parallel_loop3A_314 = arith.index_cast %parallel_loop3A_253 : i32 to index
        %parallel_loop3A_315 = arith.constant 80 : index
        %parallel_loop3A_316 = tpu.vector_load %parallel_loop3A_313[%parallel_loop3A_314, %parallel_loop3A_315] {strides = array<i32>} : memref<128x128xf32, #tpu.memory_space<vmem>>, vector<16xf32>,
        %parallel_loop3A_317 = arith.constant 0 : i32
        %parallel_loop3A_318 = arith.constant 0 : i32
        %parallel_loop3A_319 = tpu.memref_slice %arg7[%parallel_loop3A_137, %parallel_loop3A_317, %parallel_loop3A_318] : memref<2x128x128xf32, #tpu.memory_space<vmem>> -> memref<1x128x128xf32, #tpu.memory_space<vmem>>
        %parallel_loop3A_320 = tpu.memref_squeeze %parallel_loop3A_319 : memref<1x128x128xf32, #tpu.memory_space<vmem>> -> memref<128x128xf32, #tpu.memory_space<vmem>>
        tpu.vector_store_idx %parallel_loop3A_320[%add3A_20, %parallel_loop3A_254], %parallel_loop3A_316 : memref<128x128xf32, #tpu.memory_space<vmem>>[vector<16xi32>, vector<16xi32>], vector<16xf32>,
        %parallel_loop3A_321 = arith.constant 0 : i32
        %parallel_loop3A_322 = arith.constant 0 : i32
        %parallel_loop3A_323 = tpu.memref_slice %arg6[%parallel_loop3A_136, %parallel_loop3A_321, %parallel_loop3A_322] : memref<2x128x128xf32, #tpu.memory_space<vmem>> -> memref<1x128x128xf32, #tpu.memory_space<vmem>>
        %parallel_loop3A_324 = tpu.memref_squeeze %parallel_loop3A_323 : memref<1x128x128xf32, #tpu.memory_space<vmem>> -> memref<128x128xf32, #tpu.memory_space<vmem>>
        %parallel_loop3A_325 = arith.index_cast %parallel_loop3A_253 : i32 to index
        %parallel_loop3A_326 = arith.constant 96 : index
        %parallel_loop3A_327 = tpu.vector_load %parallel_loop3A_324[%parallel_loop3A_325, %parallel_loop3A_326] {strides = array<i32>} : memref<128x128xf32, #tpu.memory_space<vmem>>, vector<16xf32>,
        %parallel_loop3A_328 = arith.constant 0 : i32
        %parallel_loop3A_329 = arith.constant 0 : i32
        %parallel_loop3A_330 = tpu.memref_slice %arg7[%parallel_loop3A_137, %parallel_loop3A_328, %parallel_loop3A_329] : memref<2x128x128xf32, #tpu.memory_space<vmem>> -> memref<1x128x128xf32, #tpu.memory_space<vmem>>
        %parallel_loop3A_331 = tpu.memref_squeeze %parallel_loop3A_330 : memref<1x128x128xf32, #tpu.memory_space<vmem>> -> memref<128x128xf32, #tpu.memory_space<vmem>>
        tpu.vector_store_idx %parallel_loop3A_331[%add3A_23, %parallel_loop3A_254], %parallel_loop3A_327 : memref<128x128xf32, #tpu.memory_space<vmem>>[vector<16xi32>, vector<16xi32>], vector<16xf32>,
        %parallel_loop3A_332 = arith.constant 0 : i32
        %parallel_loop3A_333 = arith.constant 0 : i32
        %parallel_loop3A_334 = tpu.memref_slice %arg6[%parallel_loop3A_136, %parallel_loop3A_332, %parallel_loop3A_333] : memref<2x128x128xf32, #tpu.memory_space<vmem>> -> memref<1x128x128xf32, #tpu.memory_space<vmem>>
        %parallel_loop3A_335 = tpu.memref_squeeze %parallel_loop3A_334 : memref<1x128x128xf32, #tpu.memory_space<vmem>> -> memref<128x128xf32, #tpu.memory_space<vmem>>
        %parallel_loop3A_336 = arith.index_cast %parallel_loop3A_253 : i32 to index
        %parallel_loop3A_337 = arith.constant 112 : index
        %parallel_loop3A_338 = tpu.vector_load %parallel_loop3A_335[%parallel_loop3A_336, %parallel_loop3A_337] {strides = array<i32>} : memref<128x128xf32, #tpu.memory_space<vmem>>, vector<16xf32>,
        %parallel_loop3A_339 = arith.constant 0 : i32
        %parallel_loop3A_340 = arith.constant 0 : i32
        %parallel_loop3A_341 = tpu.memref_slice %arg7[%parallel_loop3A_137, %parallel_loop3A_339, %parallel_loop3A_340] : memref<2x128x128xf32, #tpu.memory_space<vmem>> -> memref<1x128x128xf32, #tpu.memory_space<vmem>>
        %parallel_loop3A_342 = tpu.memref_squeeze %parallel_loop3A_341 : memref<1x128x128xf32, #tpu.memory_space<vmem>> -> memref<128x128xf32, #tpu.memory_space<vmem>>
        tpu.vector_store_idx %parallel_loop3A_342[%add3A_26, %parallel_loop3A_254], %parallel_loop3A_338 : memref<128x128xf32, #tpu.memory_space<vmem>>[vector<16xi32>, vector<16xi32>], vector<16xf32>,
      } {sc.loop_unroll_factor = 2 : i64, sc.parallel_access}
      %mul3A_138 = arith.constant 128 : i32
      %mul3A_139 = arith.muli %scan3A_108, %mul3A_138 : i32
      %multiple_of3A = tpu.assume_multiple %mul3A_139, 128 : i32
      %dma_start3A_140 = arith.constant 0 : i32
      %dma_start3A_141 = arith.constant 0 : i32
      %dma_start3A_142 = arith.constant 0 : i32
      %dma_start3A_143 = arith.constant 0 : i32
      %dma_start3A_144 = tpu.memref_slice %arg7[%dma_start3A_140, %dma_start3A_142, %dma_start3A_143] : memref<2x128x128xf32, #tpu.memory_space<vmem>> -> memref<1x128x128xf32, #tpu.memory_space<vmem>>
      %dma_start3A_145 = tpu.memref_squeeze %dma_start3A_144 : memref<1x128x128xf32, #tpu.memory_space<vmem>> -> memref<128x128xf32, #tpu.memory_space<vmem>>
      %dma_start3A_146 = tpu.memref_slice %arg4[%scan3A_107, %mul3A_2, %multiple_of3A] : memref<3x4096x1787xf32, #tpu.memory_space<hbm>> -> memref<1x128x128xf32, #tpu.memory_space<hbm>>
      %dma_start3A_147 = tpu.memref_squeeze %dma_start3A_146 : memref<1x128x128xf32, #tpu.memory_space<hbm>> -> memref<128x128xf32, #tpu.memory_space<hbm>>
      %dma_start3A_148 = tpu.memref_slice %arg9[%dma_start3A_141] : memref<2x!tpu.dma_semaphore, #tpu.memory_space<semaphore_mem>> -> memref<1x!tpu.dma_semaphore, #tpu.memory_space<semaphore_mem>>
      %dma_start3A_149 = tpu.memref_squeeze %dma_start3A_148 : memref<1x!tpu.dma_semaphore, #tpu.memory_space<semaphore_mem>> -> memref<!tpu.dma_semaphore, #tpu.memory_space<semaphore_mem>>
      %dma_start3A_150 = tpu.memref_slice %arg4[%scan3A_107, %mul3A_2, %multiple_of3A] : memref<3x4096x1787xf32, #tpu.memory_space<hbm>> -> memref<1x128x128xf32, #tpu.memory_space<hbm>>
      %dma_start3A_151 = tpu.memref_squeeze %dma_start3A_150 : memref<1x128x128xf32, #tpu.memory_space<hbm>> -> memref<128x128xf32, #tpu.memory_space<hbm>>
      %dma_start3A_152 = arith.constant 0 : i32
      %dma_start3A_153 = arith.constant 0 : i32
      %dma_start3A_154 = tpu.memref_slice %arg7[%dma_start3A_140, %dma_start3A_152, %dma_start3A_153] : memref<2x128x128xf32, #tpu.memory_space<vmem>> -> memref<1x128x128xf32, #tpu.memory_space<vmem>>
      %dma_start3A_155 = tpu.memref_squeeze %dma_start3A_154 : memref<1x128x128xf32, #tpu.memory_space<vmem>> -> memref<128x128xf32, #tpu.memory_space<vmem>>
      tpu.enqueue_dma source(%dma_start3A_155 : memref<128x128xf32, #tpu.memory_space<vmem>>) target(%dma_start3A_151 : memref<128x128xf32, #tpu.memory_space<hbm>>) target_semaphore(%dma_start3A_149 : memref<!tpu.dma_semaphore, #tpu.memory_space<semaphore_mem>>)
      %add3A_156 = arith.constant 2 : i32
      %add3A_157 = arith.addi %add3A_114, %add3A_156 : i32
      %lt3A = arith.constant 42 : i32
      %lt3A_158 = arith.cmpi slt, %add3A_157, %lt3A : i32
      %convert_element_type3A_159 = arith.extui %lt3A_158 : i1 to i32
      %cond3A_160 = arith.constant 0 : i32
      %cond3A_161 = arith.cmpi ne, %convert_element_type3A_159, %cond3A_160 : i32
      scf.if %cond3A_161 {
        %mul3A_253 = arith.constant 128 : i32
        %mul3A_254 = arith.muli %scan3A_110, %mul3A_253 : i32
        %dma_start3A_255 = arith.constant 0 : i32
        %dma_start3A_256 = arith.constant 0 : i32
        %dma_start3A_257 = arith.constant 0 : i32
        %dma_start3A_258 = arith.constant 0 : i32
        %dma_start3A_259 = tpu.memref_slice %arg6[%dma_start3A_255, %dma_start3A_257, %dma_start3A_258] : memref<2x128x128xf32, #tpu.memory_space<vmem>> -> memref<1x128x128xf32, #tpu.memory_space<vmem>>
        %dma_start3A_260 = tpu.memref_squeeze %dma_start3A_259 : memref<1x128x128xf32, #tpu.memory_space<vmem>> -> memref<128x128xf32, #tpu.memory_space<vmem>>
        %dma_start3A_261 = tpu.memref_slice %arg5[%mul3A_254] : memref<1792xi32, #tpu.memory_space<vmem>> -> memref<128xi32, #tpu.memory_space<vmem>>
        %dma_start3A_262 = arith.constant 0 : i32
        %dma_start3A_263 = tpu.memref_slice %arg2[%scan3A_109, %dma_start3A_262, %mul3A_2] : memref<3x5023x4096xf32, #tpu.memory_space<hbm>> -> memref<1x5023x128xf32, #tpu.memory_space<hbm>>
        %dma_start3A_264 = tpu.memref_squeeze %dma_start3A_263 : memref<1x5023x128xf32, #tpu.memory_space<hbm>> -> memref<5023x128xf32, #tpu.memory_space<hbm>>
        %dma_start3A_265 = arith.constant 0 : i32
        %dma_start3A_266 = arith.constant 0 : i32
        %dma_start3A_267 = tpu.memref_slice %dma_start3A_264[%dma_start3A_265, %dma_start3A_266] : memref<5023x128xf32, #tpu.memory_space<hbm>> -> memref<5023x128xf32, #tpu.memory_space<hbm>>
        %dma_start3A_268 = tpu.memref_slice %arg8[%dma_start3A_256] : memref<2x!tpu.dma_semaphore, #tpu.memory_space<semaphore_mem>> -> memref<1x!tpu.dma_semaphore, #tpu.memory_space<semaphore_mem>>
        %dma_start3A_269 = tpu.memref_squeeze %dma_start3A_268 : memref<1x!tpu.dma_semaphore, #tpu.memory_space<semaphore_mem>> -> memref<!tpu.dma_semaphore, #tpu.memory_space<semaphore_mem>>
        tpu.enqueue_indirect_dma source(%dma_start3A_267 : memref<5023x128xf32, #tpu.memory_space<hbm>>) target(%dma_start3A_260 : memref<128x128xf32, #tpu.memory_space<vmem>>) offsets(%dma_start3A_261 : memref<128xi32, #tpu.memory_space<vmem>>) semaphore(%dma_start3A_269 : memref<!tpu.dma_semaphore, #tpu.memory_space<semaphore_mem>>)
      } else {
      }
      %add3A_162 = arith.constant 1 : i32
      %add3A_163 = arith.addi %scan3A_108, %add3A_162 : i32
      %eq3A = arith.constant 14 : i32
      %eq3A_164 = arith.cmpi eq, %add3A_163, %eq3A : i32
      %add3A_165 = arith.constant 1 : i32
      %add3A_166 = arith.addi %scan3A_107, %add3A_165 : i32
      %select_n3A = arith.select %eq3A_164, %add3A_166, %scan3A_107 : i32
      %select_n3A_167 = arith.constant 0 : i32
      %select_n3A_168 = arith.select %eq3A_164, %select_n3A_167, %add3A_163 : i32
      %add3A_169 = arith.constant 1 : i32
      %add3A_170 = arith.addi %scan3A_110, %add3A_169 : i32
      %eq3A_171 = arith.constant 14 : i32
      %eq3A_172 = arith.cmpi eq, %add3A_170, %eq3A_171 : i32
      %add3A_173 = arith.constant 1 : i32
      %add3A_174 = arith.addi %scan3A_109, %add3A_173 : i32
      %select_n3A_175 = arith.select %eq3A_172, %add3A_174, %scan3A_109 : i32
      %select_n3A_176 = arith.constant 0 : i32
      %select_n3A_177 = arith.select %eq3A_172, %select_n3A_176, %add3A_170 : i32
      %mul3A_178 = arith.constant 2 : i32
      %mul3A_179 = arith.muli %scan3A_106, %mul3A_178 : i32
      %add3A_180 = arith.constant 1 : i32
      %add3A_181 = arith.addi %mul3A_179, %add3A_180 : i32
      %dma_wait3A_182 = arith.constant 0 : i32
      %dma_wait3A_183 = arith.constant 1 : i32
      %dma_wait3A_184 = arith.constant 1 : i32
      %dma_wait3A_185 = arith.constant 0 : i32
      %dma_wait3A_186 = arith.constant 0 : i32
      %dma_wait3A_187 = tpu.memref_slice %arg6[%dma_wait3A_183, %dma_wait3A_185, %dma_wait3A_186] : memref<2x128x128xf32, #tpu.memory_space<vmem>> -> memref<1x128x128xf32, #tpu.memory_space<vmem>>
      %dma_wait3A_188 = tpu.memref_squeeze %dma_wait3A_187 : memref<1x128x128xf32, #tpu.memory_space<vmem>> -> memref<128x128xf32, #tpu.memory_space<vmem>>
      %dma_wait3A_189 = arith.constant 0 : i32
      %dma_wait3A_190 = tpu.memref_slice %arg5[%dma_wait3A_189] : memref<1792xi32, #tpu.memory_space<vmem>> -> memref<128xi32, #tpu.memory_space<vmem>>
      %dma_wait3A_191 = arith.constant 0 : i32
      %dma_wait3A_192 = tpu.memref_slice %arg2[%dma_wait3A_182, %dma_wait3A_191, %mul3A_2] : memref<3x5023x4096xf32, #tpu.memory_space<hbm>> -> memref<1x5023x128xf32, #tpu.memory_space<hbm>>
      %dma_wait3A_193 = tpu.memref_squeeze %dma_wait3A_192 : memref<1x5023x128xf32, #tpu.memory_space<hbm>> -> memref<5023x128xf32, #tpu.memory_space<hbm>>
      %dma_wait3A_194 = arith.constant 0 : i32
      %dma_wait3A_195 = arith.constant 0 : i32
      %dma_wait3A_196 = tpu.memref_slice %dma_wait3A_193[%dma_wait3A_194, %dma_wait3A_195] : memref<5023x128xf32, #tpu.memory_space<hbm>> -> memref<5023x128xf32, #tpu.memory_space<hbm>>
      %dma_wait3A_197 = tpu.memref_slice %arg8[%dma_wait3A_184] : memref<2x!tpu.dma_semaphore, #tpu.memory_space<semaphore_mem>> -> memref<1x!tpu.dma_semaphore, #tpu.memory_space<semaphore_mem>>
      %dma_wait3A_198 = tpu.memref_squeeze %dma_wait3A_197 : memref<1x!tpu.dma_semaphore, #tpu.memory_space<semaphore_mem>> -> memref<!tpu.dma_semaphore, #tpu.memory_space<semaphore_mem>>
      tpu.wait_indirect_dma semaphore(%dma_wait3A_198 : memref<!tpu.dma_semaphore, #tpu.memory_space<semaphore_mem>>) src(%dma_wait3A_196 : memref<5023x128xf32, #tpu.memory_space<hbm>>) dst(%dma_wait3A_188 : memref<128x128xf32, #tpu.memory_space<vmem>>)
      %ge3A_199 = arith.constant 2 : i32
      %ge3A_200 = arith.cmpi sge, %add3A_181, %ge3A_199 : i32
      %convert_element_type3A_201 = arith.extui %ge3A_200 : i1 to i32
      %cond3A_202 = arith.constant 0 : i32
      %cond3A_203 = arith.cmpi ne, %convert_element_type3A_201, %cond3A_202 : i32
      scf.if %cond3A_203 {
        %dma_wait3A_253 = arith.constant 1 : i32
        %dma_wait3A_254 = arith.constant 0 : i32
        %dma_wait3A_255 = arith.constant 1 : i32
        %dma_wait3A_256 = arith.constant 0 : i32
        %dma_wait3A_257 = arith.constant 0 : i32
        %dma_wait3A_258 = tpu.memref_slice %arg7[%dma_wait3A_253, %dma_wait3A_256, %dma_wait3A_257] : memref<2x128x128xf32, #tpu.memory_space<vmem>> -> memref<1x128x128xf32, #tpu.memory_space<vmem>>
        %dma_wait3A_259 = tpu.memref_squeeze %dma_wait3A_258 : memref<1x128x128xf32, #tpu.memory_space<vmem>> -> memref<128x128xf32, #tpu.memory_space<vmem>>
        %dma_wait3A_260 = arith.constant 0 : i32
        %dma_wait3A_261 = tpu.memref_slice %arg4[%dma_wait3A_254, %mul3A_2, %dma_wait3A_260] : memref<3x4096x1787xf32, #tpu.memory_space<hbm>> -> memref<1x128x128xf32, #tpu.memory_space<hbm>>
        %dma_wait3A_262 = tpu.memref_squeeze %dma_wait3A_261 : memref<1x128x128xf32, #tpu.memory_space<hbm>> -> memref<128x128xf32, #tpu.memory_space<hbm>>
        %dma_wait3A_263 = tpu.memref_slice %arg9[%dma_wait3A_255] : memref<2x!tpu.dma_semaphore, #tpu.memory_space<semaphore_mem>> -> memref<1x!tpu.dma_semaphore, #tpu.memory_space<semaphore_mem>>
        %dma_wait3A_264 = tpu.memref_squeeze %dma_wait3A_263 : memref<1x!tpu.dma_semaphore, #tpu.memory_space<semaphore_mem>> -> memref<!tpu.dma_semaphore, #tpu.memory_space<semaphore_mem>>
        %dma_wait3A_265 = arith.constant 0 : i32
        %dma_wait3A_266 = tpu.memref_slice %arg4[%dma_wait3A_254, %mul3A_2, %dma_wait3A_265] : memref<3x4096x1787xf32, #tpu.memory_space<hbm>> -> memref<1x128x128xf32, #tpu.memory_space<hbm>>
        %dma_wait3A_267 = tpu.memref_squeeze %dma_wait3A_266 : memref<1x128x128xf32, #tpu.memory_space<hbm>> -> memref<128x128xf32, #tpu.memory_space<hbm>>
        %dma_wait3A_268 = arith.constant 0 : i32
        %dma_wait3A_269 = arith.constant 0 : i32
        %dma_wait3A_270 = tpu.memref_slice %arg7[%dma_wait3A_253, %dma_wait3A_268, %dma_wait3A_269] : memref<2x128x128xf32, #tpu.memory_space<vmem>> -> memref<1x128x128xf32, #tpu.memory_space<vmem>>
        %dma_wait3A_271 = tpu.memref_squeeze %dma_wait3A_270 : memref<1x128x128xf32, #tpu.memory_space<vmem>> -> memref<128x128xf32, #tpu.memory_space<vmem>>
        tpu.wait_dma2 semaphore(%dma_wait3A_264 : memref<!tpu.dma_semaphore, #tpu.memory_space<semaphore_mem>>) src(%dma_wait3A_271 : memref<128x128xf32, #tpu.memory_space<vmem>>) dst(%dma_wait3A_267 : memref<128x128xf32, #tpu.memory_space<hbm>>)
      } else {
      }
      %parallel_loop3A_204 = arith.constant 0 : i32
      %parallel_loop3A_205 = arith.constant 128 : i32
      %parallel_loop3A_206 = arith.constant 1 : i32
      %parallel_loop3A_207 = arith.constant 1 : i32
      %parallel_loop3A_208 = arith.constant 1 : i32
      scf.for %parallel_loop3A_253 = %parallel_loop3A_204 to %parallel_loop3A_205 step %parallel_loop3A_206  : i32 {
        %parallel_loop3A_254 = vector.broadcast %parallel_loop3A_253 : i32 to vector<16xi32>
        %parallel_loop3A_255 = arith.constant 0 : i32
        %parallel_loop3A_256 = arith.constant 0 : i32
        %parallel_loop3A_257 = tpu.memref_slice %arg6[%parallel_loop3A_207, %parallel_loop3A_255, %parallel_loop3A_256] : memref<2x128x128xf32, #tpu.memory_space<vmem>> -> memref<1x128x128xf32, #tpu.memory_space<vmem>>
        %parallel_loop3A_258 = tpu.memref_squeeze %parallel_loop3A_257 : memref<1x128x128xf32, #tpu.memory_space<vmem>> -> memref<128x128xf32, #tpu.memory_space<vmem>>
        %parallel_loop3A_259 = arith.index_cast %parallel_loop3A_253 : i32 to index
        %parallel_loop3A_260 = arith.constant 0 : index
        %parallel_loop3A_261 = tpu.vector_load %parallel_loop3A_258[%parallel_loop3A_259, %parallel_loop3A_260] {strides = array<i32>} : memref<128x128xf32, #tpu.memory_space<vmem>>, vector<16xf32>,
        %parallel_loop3A_262 = arith.constant 0 : i32
        %parallel_loop3A_263 = arith.constant 0 : i32
        %parallel_loop3A_264 = tpu.memref_slice %arg7[%parallel_loop3A_208, %parallel_loop3A_262, %parallel_loop3A_263] : memref<2x128x128xf32, #tpu.memory_space<vmem>> -> memref<1x128x128xf32, #tpu.memory_space<vmem>>
        %parallel_loop3A_265 = tpu.memref_squeeze %parallel_loop3A_264 : memref<1x128x128xf32, #tpu.memory_space<vmem>> -> memref<128x128xf32, #tpu.memory_space<vmem>>
        tpu.vector_store_idx %parallel_loop3A_265[%add3A_5, %parallel_loop3A_254], %parallel_loop3A_261 : memref<128x128xf32, #tpu.memory_space<vmem>>[vector<16xi32>, vector<16xi32>], vector<16xf32>,
        %parallel_loop3A_266 = arith.constant 0 : i32
        %parallel_loop3A_267 = arith.constant 0 : i32
        %parallel_loop3A_268 = tpu.memref_slice %arg6[%parallel_loop3A_207, %parallel_loop3A_266, %parallel_loop3A_267] : memref<2x128x128xf32, #tpu.memory_space<vmem>> -> memref<1x128x128xf32, #tpu.memory_space<vmem>>
        %parallel_loop3A_269 = tpu.memref_squeeze %parallel_loop3A_268 : memref<1x128x128xf32, #tpu.memory_space<vmem>> -> memref<128x128xf32, #tpu.memory_space<vmem>>
        %parallel_loop3A_270 = arith.index_cast %parallel_loop3A_253 : i32 to index
        %parallel_loop3A_271 = arith.constant 16 : index
        %parallel_loop3A_272 = tpu.vector_load %parallel_loop3A_269[%parallel_loop3A_270, %parallel_loop3A_271] {strides = array<i32>} : memref<128x128xf32, #tpu.memory_space<vmem>>, vector<16xf32>,
        %parallel_loop3A_273 = arith.constant 0 : i32
        %parallel_loop3A_274 = arith.constant 0 : i32
        %parallel_loop3A_275 = tpu.memref_slice %arg7[%parallel_loop3A_208, %parallel_loop3A_273, %parallel_loop3A_274] : memref<2x128x128xf32, #tpu.memory_space<vmem>> -> memref<1x128x128xf32, #tpu.memory_space<vmem>>
        %parallel_loop3A_276 = tpu.memref_squeeze %parallel_loop3A_275 : memref<1x128x128xf32, #tpu.memory_space<vmem>> -> memref<128x128xf32, #tpu.memory_space<vmem>>
        tpu.vector_store_idx %parallel_loop3A_276[%add3A_8, %parallel_loop3A_254], %parallel_loop3A_272 : memref<128x128xf32, #tpu.memory_space<vmem>>[vector<16xi32>, vector<16xi32>], vector<16xf32>,
        %parallel_loop3A_277 = arith.constant 0 : i32
        %parallel_loop3A_278 = arith.constant 0 : i32
        %parallel_loop3A_279 = tpu.memref_slice %arg6[%parallel_loop3A_207, %parallel_loop3A_277, %parallel_loop3A_278] : memref<2x128x128xf32, #tpu.memory_space<vmem>> -> memref<1x128x128xf32, #tpu.memory_space<vmem>>
        %parallel_loop3A_280 = tpu.memref_squeeze %parallel_loop3A_279 : memref<1x128x128xf32, #tpu.memory_space<vmem>> -> memref<128x128xf32, #tpu.memory_space<vmem>>
        %parallel_loop3A_281 = arith.index_cast %parallel_loop3A_253 : i32 to index
        %parallel_loop3A_282 = arith.constant 32 : index
        %parallel_loop3A_283 = tpu.vector_load %parallel_loop3A_280[%parallel_loop3A_281, %parallel_loop3A_282] {strides = array<i32>} : memref<128x128xf32, #tpu.memory_space<vmem>>, vector<16xf32>,
        %parallel_loop3A_284 = arith.constant 0 : i32
        %parallel_loop3A_285 = arith.constant 0 : i32
        %parallel_loop3A_286 = tpu.memref_slice %arg7[%parallel_loop3A_208, %parallel_loop3A_284, %parallel_loop3A_285] : memref<2x128x128xf32, #tpu.memory_space<vmem>> -> memref<1x128x128xf32, #tpu.memory_space<vmem>>
        %parallel_loop3A_287 = tpu.memref_squeeze %parallel_loop3A_286 : memref<1x128x128xf32, #tpu.memory_space<vmem>> -> memref<128x128xf32, #tpu.memory_space<vmem>>
        tpu.vector_store_idx %parallel_loop3A_287[%add3A_11, %parallel_loop3A_254], %parallel_loop3A_283 : memref<128x128xf32, #tpu.memory_space<vmem>>[vector<16xi32>, vector<16xi32>], vector<16xf32>,
        %parallel_loop3A_288 = arith.constant 0 : i32
        %parallel_loop3A_289 = arith.constant 0 : i32
        %parallel_loop3A_290 = tpu.memref_slice %arg6[%parallel_loop3A_207, %parallel_loop3A_288, %parallel_loop3A_289] : memref<2x128x128xf32, #tpu.memory_space<vmem>> -> memref<1x128x128xf32, #tpu.memory_space<vmem>>
        %parallel_loop3A_291 = tpu.memref_squeeze %parallel_loop3A_290 : memref<1x128x128xf32, #tpu.memory_space<vmem>> -> memref<128x128xf32, #tpu.memory_space<vmem>>
        %parallel_loop3A_292 = arith.index_cast %parallel_loop3A_253 : i32 to index
        %parallel_loop3A_293 = arith.constant 48 : index
        %parallel_loop3A_294 = tpu.vector_load %parallel_loop3A_291[%parallel_loop3A_292, %parallel_loop3A_293] {strides = array<i32>} : memref<128x128xf32, #tpu.memory_space<vmem>>, vector<16xf32>,
        %parallel_loop3A_295 = arith.constant 0 : i32
        %parallel_loop3A_296 = arith.constant 0 : i32
        %parallel_loop3A_297 = tpu.memref_slice %arg7[%parallel_loop3A_208, %parallel_loop3A_295, %parallel_loop3A_296] : memref<2x128x128xf32, #tpu.memory_space<vmem>> -> memref<1x128x128xf32, #tpu.memory_space<vmem>>
        %parallel_loop3A_298 = tpu.memref_squeeze %parallel_loop3A_297 : memref<1x128x128xf32, #tpu.memory_space<vmem>> -> memref<128x128xf32, #tpu.memory_space<vmem>>
        tpu.vector_store_idx %parallel_loop3A_298[%add3A_14, %parallel_loop3A_254], %parallel_loop3A_294 : memref<128x128xf32, #tpu.memory_space<vmem>>[vector<16xi32>, vector<16xi32>], vector<16xf32>,
        %parallel_loop3A_299 = arith.constant 0 : i32
        %parallel_loop3A_300 = arith.constant 0 : i32
        %parallel_loop3A_301 = tpu.memref_slice %arg6[%parallel_loop3A_207, %parallel_loop3A_299, %parallel_loop3A_300] : memref<2x128x128xf32, #tpu.memory_space<vmem>> -> memref<1x128x128xf32, #tpu.memory_space<vmem>>
        %parallel_loop3A_302 = tpu.memref_squeeze %parallel_loop3A_301 : memref<1x128x128xf32, #tpu.memory_space<vmem>> -> memref<128x128xf32, #tpu.memory_space<vmem>>
        %parallel_loop3A_303 = arith.index_cast %parallel_loop3A_253 : i32 to index
        %parallel_loop3A_304 = arith.constant 64 : index
        %parallel_loop3A_305 = tpu.vector_load %parallel_loop3A_302[%parallel_loop3A_303, %parallel_loop3A_304] {strides = array<i32>} : memref<128x128xf32, #tpu.memory_space<vmem>>, vector<16xf32>,
        %parallel_loop3A_306 = arith.constant 0 : i32
        %parallel_loop3A_307 = arith.constant 0 : i32
        %parallel_loop3A_308 = tpu.memref_slice %arg7[%parallel_loop3A_208, %parallel_loop3A_306, %parallel_loop3A_307] : memref<2x128x128xf32, #tpu.memory_space<vmem>> -> memref<1x128x128xf32, #tpu.memory_space<vmem>>
        %parallel_loop3A_309 = tpu.memref_squeeze %parallel_loop3A_308 : memref<1x128x128xf32, #tpu.memory_space<vmem>> -> memref<128x128xf32, #tpu.memory_space<vmem>>
        tpu.vector_store_idx %parallel_loop3A_309[%add3A_17, %parallel_loop3A_254], %parallel_loop3A_305 : memref<128x128xf32, #tpu.memory_space<vmem>>[vector<16xi32>, vector<16xi32>], vector<16xf32>,
        %parallel_loop3A_310 = arith.constant 0 : i32
        %parallel_loop3A_311 = arith.constant 0 : i32
        %parallel_loop3A_312 = tpu.memref_slice %arg6[%parallel_loop3A_207, %parallel_loop3A_310, %parallel_loop3A_311] : memref<2x128x128xf32, #tpu.memory_space<vmem>> -> memref<1x128x128xf32, #tpu.memory_space<vmem>>
        %parallel_loop3A_313 = tpu.memref_squeeze %parallel_loop3A_312 : memref<1x128x128xf32, #tpu.memory_space<vmem>> -> memref<128x128xf32, #tpu.memory_space<vmem>>
        %parallel_loop3A_314 = arith.index_cast %parallel_loop3A_253 : i32 to index
        %parallel_loop3A_315 = arith.constant 80 : index
        %parallel_loop3A_316 = tpu.vector_load %parallel_loop3A_313[%parallel_loop3A_314, %parallel_loop3A_315] {strides = array<i32>} : memref<128x128xf32, #tpu.memory_space<vmem>>, vector<16xf32>,
        %parallel_loop3A_317 = arith.constant 0 : i32
        %parallel_loop3A_318 = arith.constant 0 : i32
        %parallel_loop3A_319 = tpu.memref_slice %arg7[%parallel_loop3A_208, %parallel_loop3A_317, %parallel_loop3A_318] : memref<2x128x128xf32, #tpu.memory_space<vmem>> -> memref<1x128x128xf32, #tpu.memory_space<vmem>>
        %parallel_loop3A_320 = tpu.memref_squeeze %parallel_loop3A_319 : memref<1x128x128xf32, #tpu.memory_space<vmem>> -> memref<128x128xf32, #tpu.memory_space<vmem>>
        tpu.vector_store_idx %parallel_loop3A_320[%add3A_20, %parallel_loop3A_254], %parallel_loop3A_316 : memref<128x128xf32, #tpu.memory_space<vmem>>[vector<16xi32>, vector<16xi32>], vector<16xf32>,
        %parallel_loop3A_321 = arith.constant 0 : i32
        %parallel_loop3A_322 = arith.constant 0 : i32
        %parallel_loop3A_323 = tpu.memref_slice %arg6[%parallel_loop3A_207, %parallel_loop3A_321, %parallel_loop3A_322] : memref<2x128x128xf32, #tpu.memory_space<vmem>> -> memref<1x128x128xf32, #tpu.memory_space<vmem>>
        %parallel_loop3A_324 = tpu.memref_squeeze %parallel_loop3A_323 : memref<1x128x128xf32, #tpu.memory_space<vmem>> -> memref<128x128xf32, #tpu.memory_space<vmem>>
        %parallel_loop3A_325 = arith.index_cast %parallel_loop3A_253 : i32 to index
        %parallel_loop3A_326 = arith.constant 96 : index
        %parallel_loop3A_327 = tpu.vector_load %parallel_loop3A_324[%parallel_loop3A_325, %parallel_loop3A_326] {strides = array<i32>} : memref<128x128xf32, #tpu.memory_space<vmem>>, vector<16xf32>,
        %parallel_loop3A_328 = arith.constant 0 : i32
        %parallel_loop3A_329 = arith.constant 0 : i32
        %parallel_loop3A_330 = tpu.memref_slice %arg7[%parallel_loop3A_208, %parallel_loop3A_328, %parallel_loop3A_329] : memref<2x128x128xf32, #tpu.memory_space<vmem>> -> memref<1x128x128xf32, #tpu.memory_space<vmem>>
        %parallel_loop3A_331 = tpu.memref_squeeze %parallel_loop3A_330 : memref<1x128x128xf32, #tpu.memory_space<vmem>> -> memref<128x128xf32, #tpu.memory_space<vmem>>
        tpu.vector_store_idx %parallel_loop3A_331[%add3A_23, %parallel_loop3A_254], %parallel_loop3A_327 : memref<128x128xf32, #tpu.memory_space<vmem>>[vector<16xi32>, vector<16xi32>], vector<16xf32>,
        %parallel_loop3A_332 = arith.constant 0 : i32
        %parallel_loop3A_333 = arith.constant 0 : i32
        %parallel_loop3A_334 = tpu.memref_slice %arg6[%parallel_loop3A_207, %parallel_loop3A_332, %parallel_loop3A_333] : memref<2x128x128xf32, #tpu.memory_space<vmem>> -> memref<1x128x128xf32, #tpu.memory_space<vmem>>
        %parallel_loop3A_335 = tpu.memref_squeeze %parallel_loop3A_334 : memref<1x128x128xf32, #tpu.memory_space<vmem>> -> memref<128x128xf32, #tpu.memory_space<vmem>>
        %parallel_loop3A_336 = arith.index_cast %parallel_loop3A_253 : i32 to index
        %parallel_loop3A_337 = arith.constant 112 : index
        %parallel_loop3A_338 = tpu.vector_load %parallel_loop3A_335[%parallel_loop3A_336, %parallel_loop3A_337] {strides = array<i32>} : memref<128x128xf32, #tpu.memory_space<vmem>>, vector<16xf32>,
        %parallel_loop3A_339 = arith.constant 0 : i32
        %parallel_loop3A_340 = arith.constant 0 : i32
        %parallel_loop3A_341 = tpu.memref_slice %arg7[%parallel_loop3A_208, %parallel_loop3A_339, %parallel_loop3A_340] : memref<2x128x128xf32, #tpu.memory_space<vmem>> -> memref<1x128x128xf32, #tpu.memory_space<vmem>>
        %parallel_loop3A_342 = tpu.memref_squeeze %parallel_loop3A_341 : memref<1x128x128xf32, #tpu.memory_space<vmem>> -> memref<128x128xf32, #tpu.memory_space<vmem>>
        tpu.vector_store_idx %parallel_loop3A_342[%add3A_26, %parallel_loop3A_254], %parallel_loop3A_338 : memref<128x128xf32, #tpu.memory_space<vmem>>[vector<16xi32>, vector<16xi32>], vector<16xf32>,
      } {sc.loop_unroll_factor = 2 : i64, sc.parallel_access}
      %mul3A_209 = arith.constant 128 : i32
      %mul3A_210 = arith.muli %select_n3A_168, %mul3A_209 : i32
      %multiple_of3A_211 = tpu.assume_multiple %mul3A_210, 128 : i32
      %dma_start3A_212 = arith.constant 1 : i32
      %dma_start3A_213 = arith.constant 1 : i32
      %dma_start3A_214 = arith.constant 0 : i32
      %dma_start3A_215 = arith.constant 0 : i32
      %dma_start3A_216 = tpu.memref_slice %arg7[%dma_start3A_212, %dma_start3A_214, %dma_start3A_215] : memref<2x128x128xf32, #tpu.memory_space<vmem>> -> memref<1x128x128xf32, #tpu.memory_space<vmem>>
      %dma_start3A_217 = tpu.memref_squeeze %dma_start3A_216 : memref<1x128x128xf32, #tpu.memory_space<vmem>> -> memref<128x128xf32, #tpu.memory_space<vmem>>
      %dma_start3A_218 = tpu.memref_slice %arg4[%select_n3A, %mul3A_2, %multiple_of3A_211] : memref<3x4096x1787xf32, #tpu.memory_space<hbm>> -> memref<1x128x128xf32, #tpu.memory_space<hbm>>
      %dma_start3A_219 = tpu.memref_squeeze %dma_start3A_218 : memref<1x128x128xf32, #tpu.memory_space<hbm>> -> memref<128x128xf32, #tpu.memory_space<hbm>>
      %dma_start3A_220 = tpu.memref_slice %arg9[%dma_start3A_213] : memref<2x!tpu.dma_semaphore, #tpu.memory_space<semaphore_mem>> -> memref<1x!tpu.dma_semaphore, #tpu.memory_space<semaphore_mem>>
      %dma_start3A_221 = tpu.memref_squeeze %dma_start3A_220 : memref<1x!tpu.dma_semaphore, #tpu.memory_space<semaphore_mem>> -> memref<!tpu.dma_semaphore, #tpu.memory_space<semaphore_mem>>
      %dma_start3A_222 = tpu.memref_slice %arg4[%select_n3A, %mul3A_2, %multiple_of3A_211] : memref<3x4096x1787xf32, #tpu.memory_space<hbm>> -> memref<1x128x128xf32, #tpu.memory_space<hbm>>
      %dma_start3A_223 = tpu.memref_squeeze %dma_start3A_222 : memref<1x128x128xf32, #tpu.memory_space<hbm>> -> memref<128x128xf32, #tpu.memory_space<hbm>>
      %dma_start3A_224 = arith.constant 0 : i32
      %dma_start3A_225 = arith.constant 0 : i32
      %dma_start3A_226 = tpu.memref_slice %arg7[%dma_start3A_212, %dma_start3A_224, %dma_start3A_225] : memref<2x128x128xf32, #tpu.memory_space<vmem>> -> memref<1x128x128xf32, #tpu.memory_space<vmem>>
      %dma_start3A_227 = tpu.memref_squeeze %dma_start3A_226 : memref<1x128x128xf32, #tpu.memory_space<vmem>> -> memref<128x128xf32, #tpu.memory_space<vmem>>
      tpu.enqueue_dma source(%dma_start3A_227 : memref<128x128xf32, #tpu.memory_space<vmem>>) target(%dma_start3A_223 : memref<128x128xf32, #tpu.memory_space<hbm>>) target_semaphore(%dma_start3A_221 : memref<!tpu.dma_semaphore, #tpu.memory_space<semaphore_mem>>)
      %add3A_228 = arith.constant 2 : i32
      %add3A_229 = arith.addi %add3A_181, %add3A_228 : i32
      %lt3A_230 = arith.constant 42 : i32
      %lt3A_231 = arith.cmpi slt, %add3A_229, %lt3A_230 : i32
      %convert_element_type3A_232 = arith.extui %lt3A_231 : i1 to i32
      %cond3A_233 = arith.constant 0 : i32
      %cond3A_234 = arith.cmpi ne, %convert_element_type3A_232, %cond3A_233 : i32
      scf.if %cond3A_234 {
        %mul3A_253 = arith.constant 128 : i32
        %mul3A_254 = arith.muli %select_n3A_177, %mul3A_253 : i32
        %dma_start3A_255 = arith.constant 1 : i32
        %dma_start3A_256 = arith.constant 1 : i32
        %dma_start3A_257 = arith.constant 0 : i32
        %dma_start3A_258 = arith.constant 0 : i32
        %dma_start3A_259 = tpu.memref_slice %arg6[%dma_start3A_255, %dma_start3A_257, %dma_start3A_258] : memref<2x128x128xf32, #tpu.memory_space<vmem>> -> memref<1x128x128xf32, #tpu.memory_space<vmem>>
        %dma_start3A_260 = tpu.memref_squeeze %dma_start3A_259 : memref<1x128x128xf32, #tpu.memory_space<vmem>> -> memref<128x128xf32, #tpu.memory_space<vmem>>
        %dma_start3A_261 = tpu.memref_slice %arg5[%mul3A_254] : memref<1792xi32, #tpu.memory_space<vmem>> -> memref<128xi32, #tpu.memory_space<vmem>>
        %dma_start3A_262 = arith.constant 0 : i32
        %dma_start3A_263 = tpu.memref_slice %arg2[%select_n3A_175, %dma_start3A_262, %mul3A_2] : memref<3x5023x4096xf32, #tpu.memory_space<hbm>> -> memref<1x5023x128xf32, #tpu.memory_space<hbm>>
        %dma_start3A_264 = tpu.memref_squeeze %dma_start3A_263 : memref<1x5023x128xf32, #tpu.memory_space<hbm>> -> memref<5023x128xf32, #tpu.memory_space<hbm>>
        %dma_start3A_265 = arith.constant 0 : i32
        %dma_start3A_266 = arith.constant 0 : i32
        %dma_start3A_267 = tpu.memref_slice %dma_start3A_264[%dma_start3A_265, %dma_start3A_266] : memref<5023x128xf32, #tpu.memory_space<hbm>> -> memref<5023x128xf32, #tpu.memory_space<hbm>>
        %dma_start3A_268 = tpu.memref_slice %arg8[%dma_start3A_256] : memref<2x!tpu.dma_semaphore, #tpu.memory_space<semaphore_mem>> -> memref<1x!tpu.dma_semaphore, #tpu.memory_space<semaphore_mem>>
        %dma_start3A_269 = tpu.memref_squeeze %dma_start3A_268 : memref<1x!tpu.dma_semaphore, #tpu.memory_space<semaphore_mem>> -> memref<!tpu.dma_semaphore, #tpu.memory_space<semaphore_mem>>
        tpu.enqueue_indirect_dma source(%dma_start3A_267 : memref<5023x128xf32, #tpu.memory_space<hbm>>) target(%dma_start3A_260 : memref<128x128xf32, #tpu.memory_space<vmem>>) offsets(%dma_start3A_261 : memref<128xi32, #tpu.memory_space<vmem>>) semaphore(%dma_start3A_269 : memref<!tpu.dma_semaphore, #tpu.memory_space<semaphore_mem>>)
      } else {
      }
      %add3A_235 = arith.constant 1 : i32
      %add3A_236 = arith.addi %select_n3A_168, %add3A_235 : i32
      %eq3A_237 = arith.constant 14 : i32
      %eq3A_238 = arith.cmpi eq, %add3A_236, %eq3A_237 : i32
      %add3A_239 = arith.constant 1 : i32
      %add3A_240 = arith.addi %select_n3A, %add3A_239 : i32
      %select_n3A_241 = arith.select %eq3A_238, %add3A_240, %select_n3A : i32
      %select_n3A_242 = arith.constant 0 : i32
      %select_n3A_243 = arith.select %eq3A_238, %select_n3A_242, %add3A_236 : i32
      %add3A_244 = arith.constant 1 : i32
      %add3A_245 = arith.addi %select_n3A_177, %add3A_244 : i32
      %eq3A_246 = arith.constant 14 : i32
      %eq3A_247 = arith.cmpi eq, %add3A_245, %eq3A_246 : i32
      %add3A_248 = arith.constant 1 : i32
      %add3A_249 = arith.addi %select_n3A_175, %add3A_248 : i32
      %select_n3A_250 = arith.select %eq3A_247, %add3A_249, %select_n3A_175 : i32
      %select_n3A_251 = arith.constant 0 : i32
      %select_n3A_252 = arith.select %eq3A_247, %select_n3A_251, %add3A_245 : i32
      scf.yield %select_n3A_241, %select_n3A_243, %select_n3A_250, %select_n3A_252 : i32, i32, i32, i32
    }
    %scan3A_68 = arith.constant 21 : i32
    %dma_wait3A = arith.constant 0 : i32
    %dma_wait3A_69 = arith.constant 0 : i32
    %dma_wait3A_70 = arith.constant 0 : i32
    %dma_wait3A_71 = arith.constant 0 : i32
    %dma_wait3A_72 = arith.constant 0 : i32
    %dma_wait3A_73 = tpu.memref_slice %arg7[%dma_wait3A, %dma_wait3A_71, %dma_wait3A_72] : memref<2x128x128xf32, #tpu.memory_space<vmem>> -> memref<1x128x128xf32, #tpu.memory_space<vmem>>
    %dma_wait3A_74 = tpu.memref_squeeze %dma_wait3A_73 : memref<1x128x128xf32, #tpu.memory_space<vmem>> -> memref<128x128xf32, #tpu.memory_space<vmem>>
    %dma_wait3A_75 = arith.constant 0 : i32
    %dma_wait3A_76 = tpu.memref_slice %arg4[%dma_wait3A_69, %mul3A_2, %dma_wait3A_75] : memref<3x4096x1787xf32, #tpu.memory_space<hbm>> -> memref<1x128x128xf32, #tpu.memory_space<hbm>>
    %dma_wait3A_77 = tpu.memref_squeeze %dma_wait3A_76 : memref<1x128x128xf32, #tpu.memory_space<hbm>> -> memref<128x128xf32, #tpu.memory_space<hbm>>
    %dma_wait3A_78 = tpu.memref_slice %arg9[%dma_wait3A_70] : memref<2x!tpu.dma_semaphore, #tpu.memory_space<semaphore_mem>> -> memref<1x!tpu.dma_semaphore, #tpu.memory_space<semaphore_mem>>
    %dma_wait3A_79 = tpu.memref_squeeze %dma_wait3A_78 : memref<1x!tpu.dma_semaphore, #tpu.memory_space<semaphore_mem>> -> memref<!tpu.dma_semaphore, #tpu.memory_space<semaphore_mem>>
    %dma_wait3A_80 = arith.constant 0 : i32
    %dma_wait3A_81 = tpu.memref_slice %arg4[%dma_wait3A_69, %mul3A_2, %dma_wait3A_80] : memref<3x4096x1787xf32, #tpu.memory_space<hbm>> -> memref<1x128x128xf32, #tpu.memory_space<hbm>>
    %dma_wait3A_82 = tpu.memref_squeeze %dma_wait3A_81 : memref<1x128x128xf32, #tpu.memory_space<hbm>> -> memref<128x128xf32, #tpu.memory_space<hbm>>
    %dma_wait3A_83 = arith.constant 0 : i32
    %dma_wait3A_84 = arith.constant 0 : i32
    %dma_wait3A_85 = tpu.memref_slice %arg7[%dma_wait3A, %dma_wait3A_83, %dma_wait3A_84] : memref<2x128x128xf32, #tpu.memory_space<vmem>> -> memref<1x128x128xf32, #tpu.memory_space<vmem>>
    %dma_wait3A_86 = tpu.memref_squeeze %dma_wait3A_85 : memref<1x128x128xf32, #tpu.memory_space<vmem>> -> memref<128x128xf32, #tpu.memory_space<vmem>>
    tpu.wait_dma2 semaphore(%dma_wait3A_79 : memref<!tpu.dma_semaphore, #tpu.memory_space<semaphore_mem>>) src(%dma_wait3A_86 : memref<128x128xf32, #tpu.memory_space<vmem>>) dst(%dma_wait3A_82 : memref<128x128xf32, #tpu.memory_space<hbm>>)
    %dma_wait3A_87 = arith.constant 1 : i32
    %dma_wait3A_88 = arith.constant 0 : i32
    %dma_wait3A_89 = arith.constant 1 : i32
    %dma_wait3A_90 = arith.constant 0 : i32
    %dma_wait3A_91 = arith.constant 0 : i32
    %dma_wait3A_92 = tpu.memref_slice %arg7[%dma_wait3A_87, %dma_wait3A_90, %dma_wait3A_91] : memref<2x128x128xf32, #tpu.memory_space<vmem>> -> memref<1x128x128xf32, #tpu.memory_space<vmem>>
    %dma_wait3A_93 = tpu.memref_squeeze %dma_wait3A_92 : memref<1x128x128xf32, #tpu.memory_space<vmem>> -> memref<128x128xf32, #tpu.memory_space<vmem>>
    %dma_wait3A_94 = arith.constant 0 : i32
    %dma_wait3A_95 = tpu.memref_slice %arg4[%dma_wait3A_88, %mul3A_2, %dma_wait3A_94] : memref<3x4096x1787xf32, #tpu.memory_space<hbm>> -> memref<1x128x128xf32, #tpu.memory_space<hbm>>
    %dma_wait3A_96 = tpu.memref_squeeze %dma_wait3A_95 : memref<1x128x128xf32, #tpu.memory_space<hbm>> -> memref<128x128xf32, #tpu.memory_space<hbm>>
    %dma_wait3A_97 = tpu.memref_slice %arg9[%dma_wait3A_89] : memref<2x!tpu.dma_semaphore, #tpu.memory_space<semaphore_mem>> -> memref<1x!tpu.dma_semaphore, #tpu.memory_space<semaphore_mem>>
    %dma_wait3A_98 = tpu.memref_squeeze %dma_wait3A_97 : memref<1x!tpu.dma_semaphore, #tpu.memory_space<semaphore_mem>> -> memref<!tpu.dma_semaphore, #tpu.memory_space<semaphore_mem>>
    %dma_wait3A_99 = arith.constant 0 : i32
    %dma_wait3A_100 = tpu.memref_slice %arg4[%dma_wait3A_88, %mul3A_2, %dma_wait3A_99] : memref<3x4096x1787xf32, #tpu.memory_space<hbm>> -> memref<1x128x128xf32, #tpu.memory_space<hbm>>
    %dma_wait3A_101 = tpu.memref_squeeze %dma_wait3A_100 : memref<1x128x128xf32, #tpu.memory_space<hbm>> -> memref<128x128xf32, #tpu.memory_space<hbm>>
    %dma_wait3A_102 = arith.constant 0 : i32
    %dma_wait3A_103 = arith.constant 0 : i32
    %dma_wait3A_104 = tpu.memref_slice %arg7[%dma_wait3A_87, %dma_wait3A_102, %dma_wait3A_103] : memref<2x128x128xf32, #tpu.memory_space<vmem>> -> memref<1x128x128xf32, #tpu.memory_space<vmem>>
    %dma_wait3A_105 = tpu.memref_squeeze %dma_wait3A_104 : memref<1x128x128xf32, #tpu.memory_space<vmem>> -> memref<128x128xf32, #tpu.memory_space<vmem>>
    tpu.wait_dma2 semaphore(%dma_wait3A_98 : memref<!tpu.dma_semaphore, #tpu.memory_space<semaphore_mem>>) src(%dma_wait3A_105 : memref<128x128xf32, #tpu.memory_space<vmem>>) dst(%dma_wait3A_101 : memref<128x128xf32, #tpu.memory_space<hbm>>)
    return
  }
}

</mosaic_0001>

<sc_bundles>
// kernel: kernel.3.cloned.1.call-start
scs
__scs_entry_jumppad:
0x0: {  	(pc) =	sbr.rel $0x88, $3  }
0x1: {  	(tag) =	ssettag $0x0;
	lr =	simm.s32 $0x1  }
0x2: {  	[smem:$0x3F9F] =	sst lr;
	_ =	strace $0xD0000000  }
0x3: {  	_ = 	snop  }
0x4: {  	_ = 	snop  }
0x5: {  	_ = 	snop  }
0x6: {  	_ = 	snop  }
0x7: {  	_ = 	snop  }
__scs_overlays_trampoline_lowered:
0x8: {  	[smem:$0x3FAE] =	sst s0  }
0x9: {  	[smem:$0x3FAF] =	sst s1  }
0xa: {  	[smem:$0x3FB0] =	sst s2  }
0xb: {  	[smem:$0x3FB1] =	sst s3  }
0xc: {  	[smem:$0x3FB2] =	sst s4  }
0xd: {  	[smem:$0x3FB3] =	sst s5  }
0xe: {  	[smem:$0x3FB4] =	sst s6  }
0xf: {  	[smem:$0x3FB5] =	sst s7  }
0x10: {  	[smem:$0x3FB6] =	sst s8  }
0x11: {  	[smem:$0x3FB7] =	sst s9;
	s0 =	simm.s32 @!p0 $0x0  }
0x12: {  	s1 =	sld [smem:$0x3F9D];
	s0 =	simm.s32 @p0 $0x1  }
0x13: {  	[smem:$0x3FB8] =	sst s0;
	s0 =	simm.s32 @!p1 $0x0  }
0x14: {  	s2 =	sld [smem:$0x3F9C];
	s0 =	simm.s32 @p1 $0x1  }
0x15: {  	[smem:$0x3FB9] =	sst s0;
	s0 =	simm.s32 @!p2 $0x0  }
0x16: {  	s3 =	sld [smem:$0x3FDB];
	s0 =	simm.s32 @p2 $0x1  }
0x17: {  	s4 =	simm.s32 $0x1BF5;
	[smem:$0x3FBB] =	sst s0  }
0x18: {  	s0 =	sld [smem:$0x3F9E];
	_ =	swait.ge [sflag:s4], $0x0  }
0x19: {  	s7 =	sld [smem:$0x3F9F]  }
0x1a: {  	s8 =	sadd.s32 $0xFFFFE003, lr  }
0x1b: {  	s9 =	sadd.s32 $0xFFFFFEF7, lr;
	s5 =	simm.s32 $0xFFFFFFFF;
	p2 =	slt.u32 s8, $0xFFFFF086  }
0x1c: {  	p1 =	slt.u32 s9, $0xF7A;
	s5 =	simm.s32 @!p2 $0x0  }
0x1d: {  	s5 =	simm.s32 @p1 $0x1;
	p0 =	seq.s32 s7, s2  }
0x1e: {  	s7 =	smul.u32 @!p0 $0xF7A, s2;
	p2 =	seq.s32 @!p0 s5, $0x0  }
0x1f: {  	s9 =	smul.u32 $0xF7A, s1;
	s8 =	simm.s32 @!p0 $0x1BF5;
	p2 =	por !p2, p0  }
0x20: {  	[sflag:s8] =	ssyncset.s32 @!p0 $0xFFFFF086;
	s6 =	sadd.s32 @!p0 s3, s7;
	s7 =	simm.s32 @!p0 $0x108  }
0x21: {  	s3 =	sadd.s32 s3, s9;
	s6 =	sadd.s32 @!p0 $0x88, s6;
	s7 =	simm.s32 @p2 $0x1082  }
0x22: {  	[simem:s7], [sflag:s8] =	dma.local @!p0 [hbm:s6], $0xF7A  }
0x23: {  	s9 =	sor.u32 $0xD0000000, s2;
	s6 =	simm.s32 $0x108;
	_ =	swait.ge @!p0 [sflag:s8], $0x0  }
0x24: {  	s3 =	sadd.s32 $0x88, s3;
	s6 =	simm.s32 @!p1 $0x1082;
	[sflag:s4] =	ssyncset.s32 $0xFFFFF086  }
0x25: {  	[simem:s6], [sflag:s4] =	dma.local [hbm:s3], $0xF7A  }
0x26: {  	[smem:$0x3F9F] =	sst s1;
	(tag) =	ssettag s2;
	_ =	strace s9  }
0x27: {  	s1 =	sld [smem:$0x3FAF]  }
0x28: {  	s2 =	sld [smem:$0x3FB0]  }
0x29: {  	s4 =	sld [smem:$0x3FB2]  }
0x2a: {  	p0 =	seq.s32 s5, $0x0;
	s5 =	sld [smem:$0x3FB3]  }
0x2b: {  	s6 =	sld [smem:$0x3FB4]  }
0x2c: {  	s7 =	sld [smem:$0x3FB5]  }
0x2d: {  	s3 =	simm.s32 $0x108;
	s8 =	sld [smem:$0x3FB6]  }
0x2e: {  	s3 =	simm.s32 @!p0 $0x1082;
	s9 =	sld [smem:$0x3FB7]  }
0x2f: {  	lr =	sadd.s32 s0, s3;
	s0 =	sld [smem:$0x3FAE]  }
0x30: {  	s3 =	sld [smem:$0x3FB1]  }
0x31: {  	[smem:$0x3FBA] =	sst s10  }
0x32: {  	s10 =	sld [smem:$0x3FB8];
	_ =	sdelay $0x3  }
0x33: {  	p0 =	seq.s32 s10, $0x1;
	s10 =	sld [smem:$0x3FBA];
	_ =	sdelay $0x3  }
0x34: {  	[smem:$0x3FBA] =	sst s10  }
0x35: {  	s10 =	sld [smem:$0x3FB9];
	_ =	sdelay $0x3  }
0x36: {  	p1 =	seq.s32 s10, $0x1;
	s10 =	sld [smem:$0x3FBA];
	_ =	sdelay $0x3  }
0x37: {  	[smem:$0x3FBA] =	sst s10  }
0x38: {  	s10 =	sld [smem:$0x3FBB]  }
0x39: {  	_ = 	snop;
	(pc) =	sbr.ind lr, $3  }
0x3a: {  	_ = 	snop  }
0x3b: {  	_ = 	snop  }
0x3c: {  	p2 =	seq.s32 s10, $0x1;
	s10 =	sld [smem:$0x3FBA]  }
0x3d: {  	_ =	shalt  }
0x3e: {  	_ =	shalt  }
0x3f: {  	_ =	shalt  }
0x40: {  	_ =	shalt  }
0x41: {  	_ =	shalt  }
0x42: {  	_ =	shalt  }
0x43: {  	_ =	shalt  }
0x44: {  	_ =	shalt  }
0x45: {  	_ =	shalt  }
0x46: {  	_ =	shalt  }
0x47: {  	_ =	shalt  }
0x48: {  	_ =	shalt  }
0x49: {  	_ =	shalt  }
0x4a: {  	_ =	shalt  }
0x4b: {  	_ =	shalt  }
0x4c: {  	_ =	shalt  }
0x4d: {  	_ =	shalt  }
0x4e: {  	_ =	shalt  }
0x4f: {  	_ =	shalt  }
0x50: {  	_ =	shalt  }
0x51: {  	_ =	shalt  }
0x52: {  	_ =	shalt  }
0x53: {  	_ =	shalt  }
0x54: {  	_ =	shalt  }
0x55: {  	_ =	shalt  }
0x56: {  	_ =	shalt  }
0x57: {  	_ =	shalt  }
0x58: {  	_ =	shalt  }
0x59: {  	_ =	shalt  }
0x5a: {  	_ =	shalt  }
0x5b: {  	_ =	shalt  }
0x5c: {  	_ =	shalt  }
0x5d: {  	_ =	shalt  }
0x5e: {  	_ =	shalt  }
0x5f: {  	_ =	shalt  }
0x60: {  	_ =	shalt  }
0x61: {  	_ =	shalt  }
0x62: {  	_ =	shalt  }
0x63: {  	_ =	shalt  }
0x64: {  	_ =	shalt  }
0x65: {  	_ =	shalt  }
0x66: {  	_ =	shalt  }
0x67: {  	_ =	shalt  }
0x68: {  	_ =	shalt  }
0x69: {  	_ =	shalt  }
0x6a: {  	_ =	shalt  }
0x6b: {  	_ =	shalt  }
0x6c: {  	_ =	shalt  }
0x6d: {  	_ =	shalt  }
0x6e: {  	_ =	shalt  }
0x6f: {  	_ =	shalt  }
0x70: {  	_ =	shalt  }
0x71: {  	_ =	shalt  }
0x72: {  	_ =	shalt  }
0x73: {  	_ =	shalt  }
0x74: {  	_ =	shalt  }
0x75: {  	_ =	shalt  }
0x76: {  	_ =	shalt  }
0x77: {  	_ =	shalt  }
0x78: {  	_ =	shalt  }
0x79: {  	_ =	shalt  }
0x7a: {  	_ =	shalt  }
0x7b: {  	_ =	shalt  }
0x7c: {  	_ =	shalt  }
0x7d: {  	_ =	shalt  }
0x7e: {  	_ =	shalt  }
0x7f: {  	_ =	shalt  }
0x80: {  	_ =	shalt  }
0x81: {  	_ =	shalt  }
0x82: {  	_ =	shalt  }
0x83: {  	_ =	shalt  }
0x84: {  	_ =	shalt  }
0x85: {  	_ =	shalt  }
0x86: {  	_ =	shalt  }
0x87: {  	_ =	shalt  }
.Lfunc_end0:
.L_simem_size_0:
called_computation_lowered:
.L_overlay_start_0:
0x88: {  	s2 =	sld [smem:$0x3FD9]  }
0x89: {  	s3 =	sld [smem:$0x3FFE];
	_ =	sdelay $0x1  }
0x8a: {  	s1 =	srdreg.scid  }
0x8b: {  	s0 =	sand.u32 $0x1, s1  }
0x8c: {  	s17 =	sshll.u32 s0, $0xA;
	s2 =	sadd.s32 s3, s2  }
0x8d: {  	s2 =	sadd.s32 s2, s17  }
0x8e: {  	[smem:$0x3FC6] =	sst s2  }
0x8f: {  	_ = 	snop  }
0x90: {  	s2 =	sld [smem:$0x3FC9]  }
0x91: {  	s18 =	sld [smem:$0x3FD0];
	(tm) =	ssettm $0x1  }
0x92: {  	s4 =	sld [smem:$0x3FFB];
	_ =	sdelay $0x3  }
0x93: {  	_ =	strace s4  }
0x94: {  	s4 =	sld [smem:$0x3FFC];
	_ =	sdelay $0x3  }
0x95: {  	_ =	strace s4  }
0x96: {  	s4 =	sld [smem:$0x3FFD];
	_ =	sdelay $0x3  }
0x97: {  	_ =	strace s4  }
0x98: {  	_ =	strace $0x8FFFFFFF  }
0x99: {  	s19 =	sld [smem:$0x3FDB];
	_ =	sdelay $0x1  }
0x9a: {  	s5 =	simm.s32 $_scs_section_size  }
0x9b: {  	s6 =	simm.s32 $_size__tile_overlayer_lowered;
	s7 =	simm.s32 $_tile_overlayer_lowered  }
0x9c: {  	s22 =	simm.s32 $0x1BFF;
	s21 =	sshll.u32 s7, $0x1;
	s4 =	sadd.s32 s5, s19  }
0x9d: {  	s8 =	simm.s32 $0x0;
	s20 =	sshll.u32 s6, $0x1;
	s6 =	sadd.s32 s21, s4  }
0x9e: {  	[timem:s8], [sflag:s22] =	dma.local [hbm:s6], s20  }
0x9f: {  	_ =	swait.ge [sflag:s22], s20  }
0xa0: {  	s5 =	ssub.s32 $0x0, s20;
	[sflag:s22] =	ssyncset.done $0x0  }
0xa1: {  	[sflag:s22] =	ssyncadd.s32 s5;
	_ =	sdelay $0x1  }
0xa2: {  	s23 =	simm.s32 $0x1B8B  }
0xa3: {  	_ =	swait.ge [sflag:s23], $0x1  }
0xa4: {  	[sflag:s23] =	ssyncset.done $0x0  }
0xa5: {  	s25 =	simm.s32 $0x1B8E;
	s24 =	sld [smem:$0x3FFE];
	[sflag:s23] =	ssyncadd.s32 $0xFFFFFFFF  }
0xa6: {  	s26 =	simm.s32 $execute0_lowered;
	[smem:$0x3FD2] =	sst s25  }
0xa7: {  	s6 =	sshll.u32 s26, $0x1;
	_ =	strace $0x80000046;
	[dreg:$0x1] =	wrdreg $0xFFFFFFFF  }
0xa8: {  	s28 =	simm.s32 $_size_execute0_lowered;
	s4 =	sadd.s32 s4, s6;
	[dreg:$0x0] =	wrdreg $0x0  }
0xa9: {  	s6 =	sshll.u32 s28, $0x1;
	[dreg:$0x2] =	wrdreg s4  }
0xaa: {  	[dreg:$0x3] =	wrdreg s6  }
0xab: {  	[dreg:$0x4] =	wrdreg $0xC0  }
0xac: {  	_ =	task [dreg:s8], $0x5FFFF  }
0xad: {  	[dreg:$0x1] =	wrdreg $0xFFFFFFFF  }
0xae: {  	[dreg:$0x0] =	wrdreg $0x60  }
0xaf: {  	[dreg:$0x2] =	wrdreg s2  }
0xb0: {  	[dreg:$0x3] =	wrdreg s24  }
0xb1: {  	[dreg:$0x4] =	wrdreg s18  }
0xb2: {  	[dreg:$0x5] =	wrdreg $0x9  }
0xb3: {  	_ =	task.clear_ibuf [dreg:s8], $0x6FFFF;
	_ =	strace $0x90000046  }
0xb4: {  	s29 =	simm.s32 $0x9;
	_ =	strace $0x80000048  }
0xb5: {  	_ =	swait.ge [sflag:s29], $0x1  }
0xb6: {  	[sflag:s29] =	ssyncadd.s32 $0xFFFFFFFF  }
0xb7: {  	_ =	strace $0x90000048  }
0xb8: {  	_ =	sfence  }
0xb9: {  	s30 =	sld [smem:$0x0];
	_ =	sdelay $0x2  }
0xba: {  	s31 =	sshll.u32 s1, $0xD;
	s1 =	sshrl.u32 s1, $0x2  }
0xbb: {  	s3 =	sand.u32 $0x4000, s31;
	s1 =	sadd.s32 s1, s30  }
0xbc: {  	s0 =	sor.u32 s3, s0;
	s1 =	sshll.u32 s1, $0x11  }
0xbd: {  	s0 =	sor.u32 s1, s0  }
0xbe: {  	s0 =	sadd.s32 $0x8F2B, s0  }
0xbf: {  	[sflag:s0] =	ssyncadd.remote.s32 $0x1  }
0xc0: {  	_ =	sfence.sel $0xFFFF  }
0xc1: {  	[dreg:$0x0] =	wrdreg $0xFFFFFFFF;
	(pc) =	sbr.abs _section_cstart, $3  }
0xc2: {  	[dreg:$0x1] =	wrdreg $0xFFFFFFFF  }
0xc3: {  	_ =	task.clear_ibuf [dreg:s8], $0x2FFFF;
	_ =	strace $0x9FFFFFFF  }
0xc4: {  	(tm) =	ssettm $0x7FFFFFFF  }
0xc5: {  	_ =	shalt  }
tec
execute0_lowered:
.L_overlay_start_1:
0x0: {  	(tag) =	ssettag $0x1  }
0x1: {  	s0 =	rddreg [dreg:$0x0]  }
0x2: {  	s2 =	rddreg [dreg:$0x1]  }
0x3: {  	s1 =	rddreg [dreg:$0x2];
	s3 =	simm.s32 $0x0  }
0x4: {  	s4 =	srdreg.scid;
	s6 =	stileid.u32;
	s14 =	simm.s32 $0x400  }
0x5: {  	s15 =	simm.s32 $0x2;
	s16 =	simm.s32 $0xC700;
	s18 =	simm.s32 $0x8700  }
0x6: {  	s19 =	simm.s32 $0x1;
	s22 =	simm.s32 $0x8600;
	s23 =	simm.s32 $0x8280  }
0x7: {  	v0 =	vimm.s32 $0x7;
	v1 =	vimm.s32 $0x5;
	v12 =	vlaneseq.u32;
	s28 =	simm.s32 $0x8400;
	s29 =	simm.s32 $0x8300;
	s30 =	simm.s32 $0x8380  }
0x8: {  	v2 =	vimm.s32 $0x0;
	vm0 =	vmmov $0x1;
	v4 =	vimm.s32 $0x1;
	s31 =	simm.s32 $0x8180;
	s8 =	simm.s32 $0x0;
	[smem:$0x7FF] =	sst s3  }
0x9: {  	v5 =	vimm.s32 $0x2;
	v6 =	vimm.s32 $0x3;
	v7 =	vimm.s32 $0x4;
	s4 =	sand.u32 $0x1, s4;
	s6 =	sshll.u32 s6, $0x8;
	s2 =	sadd.s32 $0x400, s2  }
0xa: {  	v8 =	vimm.s32 $0x6;
	v9 =	vimm.s32 $0x8;
	v10 =	vimm.s32 $0x9;
	_ =	strace $0x80000047;
	s5 =	ssub.s32 $0x2, s4;
	s4 =	sshll.u32 s4, $0x7  }
.Ltmp0:
0xb: {  	v11 =	vimm.s32 $0xA;
	v3 =	vmul.u32 $0x8, v12;
	v12 =	vmul.u32 $0x80, v12;
	s24 =	sshrl.u32 s5, $0x1;
	s4 =	sor.u32 s4, s6;
	(pc) =	sbr.rel .LBB2_1-.Ltmp0, $4  }
0xc: {  	v13 =	vimm.s32 $0xB;
	v14 =	vimm.s32 $0xC;
	v15 =	vimm.s32 $0xD;
	[dreg:$0x4] =	wrdreg s2;
	s2 =	ssub.s32 s5, s24;
	s5 =	sadd.s32 s0, s4  }
0xd: {  	v16 =	vimm.s32 $0xE;
	v17 =	vimm.s32 $0xF;
	v18 =	vor.u32 $0x800, v12;
	s25 =	sshrl.u32 s4, $0x3;
	s24 =	simm.s32 $0x8500;
	s0 =	simm.s32 $0x8080  }
0xe: {  	v19 =	vor.u32 $0x1000, v12;
	v20 =	vor.u32 $0x1800, v12;
	v21 =	vor.u32 $0x2000, v12;
	s6 =	smul.u32 $0x3800, s25;
	s26 =	smax.u32 s2, $0x1;
	s25 =	simm.s32 $0x8480  }
0xf: {  	v22 =	vor.u32 $0x2800, v12;
	v23 =	vor.u32 $0x3000, v12;
	v24 =	vor.u32 $0x3800, v12;
	s2 =	simm.s32 $0x8100;
	[dreg:$0x5] =	wrdreg s26;
	s26 =	simm.s32 $0x3800  }
.LBB2_11:
0x10: {  	s4 =	simm.s32 $0x3  }
0x11: {  	_ =	swait.ge [sflag:s4], $0x4000  }
0x12: {  	[sflag:s4] =	ssyncset.done $0x0  }
0x13: {  	s7 =	simm.s32 $0x4;
	[sflag:s4] =	ssyncadd.s32 $0xFFFFC000  }
0x14: {  	_ =	swait.ge [sflag:s7], $0x4000  }
0x15: {  	s8 =	rddreg [dreg:$0x6]  }
0x16: {  	s21 =	rddreg [dreg:$0x5];
	s8 =	sadd.s32 $0x1, s8  }
0x17: {  	p0 =	sne.s32 s8, s21  }
.Ltmp1:
0x18: {  	_ = 	snop;
	(pc) =	sbr.rel @!p0 .LBB2_12-.Ltmp1, $3  }
0x19: {  	_ =	sdelay $0x1  }
0x1a: {  	[sflag:s7] =	ssyncset.done $0x0  }
0x1b: {  	[sflag:s7] =	ssyncadd.s32 $0xFFFFC000  }
.LBB2_1:
0x1c: {  	[dreg:$0x6] =	wrdreg s8  }
0x1d: {  	s4 =	rddreg [dreg:$0x4];
	s11 =	simm.s32 $0x5  }
0x1e: {  	[tilespmem:s3], [sflag:$0x5] =	stream.linear.gather [hbm4b:s4+s3], $0x700, $0x38;
	[tilespmem:$0x10700] =	vst v63  }
0x1f: {  	_ =	swait.ge [sflag:s11], $0x700  }
0x20: {  	[sflag:s11] =	ssyncset.done $0x0  }
0x21: {  	[sflag:s11] =	ssyncadd.s32 $0xFFFFF900  }
0x22: {  	v25 =	vld [tilespmem:$0x0];
	_ =	sdelay $0x4  }
0x23: {  	v26 =	vshll.u32 v25, $0x5  }
0x24: {  	v25 =	vand.u32 $0x7, v25;
	v26 =	vand.u32 $0xFFFFFF00, v26  }
0x25: {  	v25 =	vor.u32 v25, v26  }
0x26: {  	v26 =	vperm.xlane v25, v2;
	_ =	sdelay $0x1  }
0x27: {  	v27 =	vperm.xlane v25, v4;
	v26 =	vadd.s32 v3, v26;
	_ =	sdelay $0x1  }
0x28: {  	v28 =	vperm.xlane v25, v5;
	v27 =	vadd.s32 v3, v27;
	_ =	sdelay $0x1  }
0x29: {  	s12 =	simm.s32 $0x700;
	v29 =	vperm.xlane v25, v6;
	v28 =	vadd.s32 v3, v28  }
0x2a: {  	[tilespmem:s12], [sflag:$0x1] =	stream.indirect_vreg.gather [hbm4b:s5+s3], $0x80, v26, vm0, $0xb8;
	[tilespmem:$0x10700] =	vst v63  }
0x2b: {  	s13 =	simm.s32 $0x780;
	v50 =	vperm.xlane v25, v7;
	v26 =	vadd.s32 v3, v29  }
0x2c: {  	[tilespmem:s13], [sflag:$0x1] =	stream.indirect_vreg.gather [hbm4b:s5+s3], $0x80, v27, vm0, $0xb8;
	[tilespmem:$0x10700] =	vst v63  }
0x2d: {  	s17 =	simm.s32 $0x800;
	v51 =	vperm.xlane v25, v1;
	v27 =	vadd.s32 v3, v50  }
0x2e: {  	[tilespmem:s17], [sflag:$0x1] =	stream.indirect_vreg.gather [hbm4b:s5+s3], $0x80, v28, vm0, $0xb8;
	[tilespmem:$0x10700] =	vst v63  }
0x2f: {  	s20 =	simm.s32 $0x880;
	v53 =	vperm.xlane v25, v8;
	v52 =	vadd.s32 v3, v51  }
0x30: {  	[tilespmem:s20], [sflag:$0x1] =	stream.indirect_vreg.gather [hbm4b:s5+s3], $0x80, v26, vm0, $0xb8;
	[tilespmem:$0x10700] =	vst v63  }
0x31: {  	s21 =	simm.s32 $0x900;
	v54 =	vperm.xlane v25, v0;
	v26 =	vadd.s32 v3, v53  }
0x32: {  	[tilespmem:s21], [sflag:$0x1] =	stream.indirect_vreg.gather [hbm4b:s5+s3], $0x80, v27, vm0, $0xb8;
	[tilespmem:$0x10700] =	vst v63  }
0x33: {  	s7 =	simm.s32 $0x980;
	v55 =	vperm.xlane v25, v9;
	v27 =	vadd.s32 v3, v54  }
0x34: {  	[tilespmem:s7], [sflag:$0x1] =	stream.indirect_vreg.gather [hbm4b:s5+s3], $0x80, v52, vm0, $0xb8;
	[tilespmem:$0x10700] =	vst v63  }
0x35: {  	s8 =	simm.s32 $0xA00;
	v57 =	vperm.xlane v25, v10;
	v56 =	vadd.s32 v3, v55  }
0x36: {  	[tilespmem:s8], [sflag:$0x1] =	stream.indirect_vreg.gather [hbm4b:s5+s3], $0x80, v26, vm0, $0xb8;
	[tilespmem:$0x10700] =	vst v63  }
0x37: {  	s9 =	simm.s32 $0xA80;
	v58 =	vperm.xlane v25, v11;
	v26 =	vadd.s32 v3, v57  }
0x38: {  	[tilespmem:s9], [sflag:$0x1] =	stream.indirect_vreg.gather [hbm4b:s5+s3], $0x80, v27, vm0, $0xb8;
	[tilespmem:$0x10700] =	vst v63  }
0x39: {  	s10 =	simm.s32 $0xB00;
	v59 =	vperm.xlane v25, v13;
	v27 =	vadd.s32 v3, v58  }
0x3a: {  	[tilespmem:s10], [sflag:$0x1] =	stream.indirect_vreg.gather [hbm4b:s5+s3], $0x80, v56, vm0, $0xb8;
	[tilespmem:$0x10700] =	vst v63  }
0x3b: {  	s11 =	simm.s32 $0xB80;
	v61 =	vperm.xlane v25, v14;
	v60 =	vadd.s32 v3, v59  }
0x3c: {  	[tilespmem:s11], [sflag:$0x1] =	stream.indirect_vreg.gather [hbm4b:s5+s3], $0x80, v26, vm0, $0xb8;
	[tilespmem:$0x10700] =	vst v63  }
0x3d: {  	v62 =	vperm.xlane v25, v15;
	s12 =	simm.s32 $0xC00;
	v26 =	vadd.s32 v3, v61  }
0x3e: {  	[tilespmem:s12], [sflag:$0x1] =	stream.indirect_vreg.gather [hbm4b:s5+s3], $0x80, v27, vm0, $0xb8;
	[tilespmem:$0x10700] =	vst v63  }
0x3f: {  	v63 =	vperm.xlane v25, v16;
	s13 =	simm.s32 $0xC80;
	v27 =	vadd.s32 v3, v62  }
0x40: {  	[tilespmem:s13], [sflag:$0x1] =	stream.indirect_vreg.gather [hbm4b:s5+s3], $0x80, v60, vm0, $0xb8;
	[tilespmem:$0x10700] =	vst v63  }
0x41: {  	v25 =	vperm.xlane v25, v17;
	v32 =	vadd.s32 v3, v63;
	s17 =	simm.s32 $0xD00  }
0x42: {  	[tilespmem:s17], [sflag:$0x1] =	stream.indirect_vreg.gather [hbm4b:s5+s3], $0x80, v26, vm0, $0xb8;
	[tilespmem:$0x10700] =	vst v63  }
0x43: {  	v25 =	vadd.s32 v3, v25;
	s20 =	simm.s32 $0xD80  }
0x44: {  	[tilespmem:s20], [sflag:$0x1] =	stream.indirect_vreg.gather [hbm4b:s5+s3], $0x80, v27, vm0, $0xb8;
	[tilespmem:$0x10700] =	vst v63  }
0x45: {  	s21 =	simm.s32 $0xE00  }
0x46: {  	[tilespmem:s21], [sflag:$0x1] =	stream.indirect_vreg.gather [hbm4b:s5+s3], $0x80, v32, vm0, $0xb8;
	[tilespmem:$0x10700] =	vst v63  }
0x47: {  	s7 =	simm.s32 $0xE80  }
0x48: {  	[tilespmem:s7], [sflag:$0x1] =	stream.indirect_vreg.gather [hbm4b:s5+s3], $0x80, v25, vm0, $0xb8;
	[tilespmem:$0x10700] =	vst v63  }
0x49: {  	v25 =	vld [tilespmem:$0x10];
	_ =	sdelay $0x4  }
0x4a: {  	v26 =	vshll.u32 v25, $0x5  }
0x4b: {  	v25 =	vand.u32 $0x7, v25;
	v26 =	vand.u32 $0xFFFFFF00, v26  }
0x4c: {  	v25 =	vor.u32 v25, v26  }
0x4d: {  	v26 =	vperm.xlane v25, v2;
	_ =	sdelay $0x1  }
0x4e: {  	v27 =	vperm.xlane v25, v4;
	v26 =	vadd.s32 v3, v26;
	_ =	sdelay $0x1  }
0x4f: {  	v33 =	vperm.xlane v25, v5;
	v27 =	vadd.s32 v3, v27;
	_ =	sdelay $0x1  }
0x50: {  	s8 =	simm.s32 $0xF00;
	v34 =	vperm.xlane v25, v6;
	v28 =	vadd.s32 v3, v33  }
0x51: {  	[tilespmem:s8], [sflag:$0x1] =	stream.indirect_vreg.gather [hbm4b:s5+s3], $0x80, v26, vm0, $0xb8;
	[tilespmem:$0x10700] =	vst v63  }
0x52: {  	s9 =	simm.s32 $0xF80;
	v35 =	vperm.xlane v25, v7;
	v26 =	vadd.s32 v3, v34  }
0x53: {  	[tilespmem:s9], [sflag:$0x1] =	stream.indirect_vreg.gather [hbm4b:s5+s3], $0x80, v27, vm0, $0xb8;
	[tilespmem:$0x10700] =	vst v63  }
0x54: {  	s10 =	simm.s32 $0x1000;
	v36 =	vperm.xlane v25, v1;
	v27 =	vadd.s32 v3, v35  }
0x55: {  	[tilespmem:s10], [sflag:$0x1] =	stream.indirect_vreg.gather [hbm4b:s5+s3], $0x80, v28, vm0, $0xb8;
	[tilespmem:$0x10700] =	vst v63  }
0x56: {  	s11 =	simm.s32 $0x1080;
	v38 =	vperm.xlane v25, v8;
	v37 =	vadd.s32 v3, v36  }
0x57: {  	[tilespmem:s11], [sflag:$0x1] =	stream.indirect_vreg.gather [hbm4b:s5+s3], $0x80, v26, vm0, $0xb8;
	[tilespmem:$0x10700] =	vst v63  }
0x58: {  	s12 =	simm.s32 $0x1100;
	v39 =	vperm.xlane v25, v0;
	v26 =	vadd.s32 v3, v38  }
0x59: {  	[tilespmem:s12], [sflag:$0x1] =	stream.indirect_vreg.gather [hbm4b:s5+s3], $0x80, v27, vm0, $0xb8;
	[tilespmem:$0x10700] =	vst v63  }
0x5a: {  	s13 =	simm.s32 $0x1180;
	v40 =	vperm.xlane v25, v9;
	v27 =	vadd.s32 v3, v39  }
0x5b: {  	[tilespmem:s13], [sflag:$0x1] =	stream.indirect_vreg.gather [hbm4b:s5+s3], $0x80, v37, vm0, $0xb8;
	[tilespmem:$0x10700] =	vst v63  }
0x5c: {  	s17 =	simm.s32 $0x1200;
	v42 =	vperm.xlane v25, v10;
	v41 =	vadd.s32 v3, v40  }
0x5d: {  	[tilespmem:s17], [sflag:$0x1] =	stream.indirect_vreg.gather [hbm4b:s5+s3], $0x80, v26, vm0, $0xb8;
	[tilespmem:$0x10700] =	vst v63  }
0x5e: {  	s20 =	simm.s32 $0x1280;
	v43 =	vperm.xlane v25, v11;
	v26 =	vadd.s32 v3, v42  }
0x5f: {  	[tilespmem:s20], [sflag:$0x1] =	stream.indirect_vreg.gather [hbm4b:s5+s3], $0x80, v27, vm0, $0xb8;
	[tilespmem:$0x10700] =	vst v63  }
0x60: {  	s21 =	simm.s32 $0x1300;
	v44 =	vperm.xlane v25, v13;
	v27 =	vadd.s32 v3, v43  }
0x61: {  	[tilespmem:s21], [sflag:$0x1] =	stream.indirect_vreg.gather [hbm4b:s5+s3], $0x80, v41, vm0, $0xb8;
	[tilespmem:$0x10700] =	vst v63  }
0x62: {  	s7 =	simm.s32 $0x1380;
	v46 =	vperm.xlane v25, v14;
	v45 =	vadd.s32 v3, v44  }
0x63: {  	[tilespmem:s7], [sflag:$0x1] =	stream.indirect_vreg.gather [hbm4b:s5+s3], $0x80, v26, vm0, $0xb8;
	[tilespmem:$0x10700] =	vst v63  }
0x64: {  	v47 =	vperm.xlane v25, v15;
	s8 =	simm.s32 $0x1400;
	v26 =	vadd.s32 v3, v46  }
0x65: {  	[tilespmem:s8], [sflag:$0x1] =	stream.indirect_vreg.gather [hbm4b:s5+s3], $0x80, v27, vm0, $0xb8;
	[tilespmem:$0x10700] =	vst v63  }
0x66: {  	v48 =	vperm.xlane v25, v16;
	s9 =	simm.s32 $0x1480;
	v27 =	vadd.s32 v3, v47  }
0x67: {  	[tilespmem:s9], [sflag:$0x1] =	stream.indirect_vreg.gather [hbm4b:s5+s3], $0x80, v45, vm0, $0xb8;
	[tilespmem:$0x10700] =	vst v63  }
0x68: {  	v25 =	vperm.xlane v25, v17;
	v49 =	vadd.s32 v3, v48;
	s10 =	simm.s32 $0x1500  }
0x69: {  	[tilespmem:s10], [sflag:$0x1] =	stream.indirect_vreg.gather [hbm4b:s5+s3], $0x80, v26, vm0, $0xb8;
	[tilespmem:$0x10700] =	vst v63  }
0x6a: {  	v25 =	vadd.s32 v3, v25;
	s11 =	simm.s32 $0x1580  }
0x6b: {  	[tilespmem:s11], [sflag:$0x1] =	stream.indirect_vreg.gather [hbm4b:s5+s3], $0x80, v27, vm0, $0xb8;
	[tilespmem:$0x10700] =	vst v63  }
0x6c: {  	s12 =	simm.s32 $0x1600  }
0x6d: {  	[tilespmem:s12], [sflag:$0x1] =	stream.indirect_vreg.gather [hbm4b:s5+s3], $0x80, v49, vm0, $0xb8;
	[tilespmem:$0x10700] =	vst v63  }
0x6e: {  	s13 =	simm.s32 $0x1680  }
0x6f: {  	[tilespmem:s13], [sflag:$0x1] =	stream.indirect_vreg.gather [hbm4b:s5+s3], $0x80, v25, vm0, $0xb8;
	[tilespmem:$0x10700] =	vst v63  }
0x70: {  	v25 =	vld [tilespmem:$0x20];
	_ =	sdelay $0x4  }
0x71: {  	v26 =	vshll.u32 v25, $0x5  }
0x72: {  	v25 =	vand.u32 $0x7, v25;
	v26 =	vand.u32 $0xFFFFFF00, v26  }
0x73: {  	v25 =	vor.u32 v25, v26  }
0x74: {  	v26 =	vperm.xlane v25, v2;
	_ =	sdelay $0x1  }
0x75: {  	v27 =	vperm.xlane v25, v4;
	v26 =	vadd.s32 v3, v26;
	_ =	sdelay $0x1  }
0x76: {  	v50 =	vperm.xlane v25, v5;
	v27 =	vadd.s32 v3, v27;
	_ =	sdelay $0x1  }
0x77: {  	s17 =	simm.s32 $0x1700;
	v51 =	vperm.xlane v25, v6;
	v28 =	vadd.s32 v3, v50  }
0x78: {  	[tilespmem:s17], [sflag:$0x1] =	stream.indirect_vreg.gather [hbm4b:s5+s3], $0x80, v26, vm0, $0xb8;
	[tilespmem:$0x10700] =	vst v63  }
0x79: {  	s20 =	simm.s32 $0x1780;
	v52 =	vperm.xlane v25, v7;
	v26 =	vadd.s32 v3, v51  }
0x7a: {  	[tilespmem:s20], [sflag:$0x1] =	stream.indirect_vreg.gather [hbm4b:s5+s3], $0x80, v27, vm0, $0xb8;
	[tilespmem:$0x10700] =	vst v63  }
0x7b: {  	s21 =	simm.s32 $0x1800;
	v53 =	vperm.xlane v25, v1;
	v27 =	vadd.s32 v3, v52  }
0x7c: {  	[tilespmem:s21], [sflag:$0x1] =	stream.indirect_vreg.gather [hbm4b:s5+s3], $0x80, v28, vm0, $0xb8;
	[tilespmem:$0x10700] =	vst v63  }
0x7d: {  	s7 =	simm.s32 $0x1880;
	v55 =	vperm.xlane v25, v8;
	v54 =	vadd.s32 v3, v53  }
0x7e: {  	[tilespmem:s7], [sflag:$0x1] =	stream.indirect_vreg.gather [hbm4b:s5+s3], $0x80, v26, vm0, $0xb8;
	[tilespmem:$0x10700] =	vst v63  }
0x7f: {  	s8 =	simm.s32 $0x1900;
	v56 =	vperm.xlane v25, v0;
	v26 =	vadd.s32 v3, v55  }
0x80: {  	[tilespmem:s8], [sflag:$0x1] =	stream.indirect_vreg.gather [hbm4b:s5+s3], $0x80, v27, vm0, $0xb8;
	[tilespmem:$0x10700] =	vst v63  }
0x81: {  	s9 =	simm.s32 $0x1980;
	v57 =	vperm.xlane v25, v9;
	v27 =	vadd.s32 v3, v56  }
0x82: {  	[tilespmem:s9], [sflag:$0x1] =	stream.indirect_vreg.gather [hbm4b:s5+s3], $0x80, v54, vm0, $0xb8;
	[tilespmem:$0x10700] =	vst v63  }
0x83: {  	s10 =	simm.s32 $0x1A00;
	v59 =	vperm.xlane v25, v10;
	v58 =	vadd.s32 v3, v57  }
0x84: {  	[tilespmem:s10], [sflag:$0x1] =	stream.indirect_vreg.gather [hbm4b:s5+s3], $0x80, v26, vm0, $0xb8;
	[tilespmem:$0x10700] =	vst v63  }
0x85: {  	s11 =	simm.s32 $0x1A80;
	v60 =	vperm.xlane v25, v11;
	v26 =	vadd.s32 v3, v59  }
0x86: {  	[tilespmem:s11], [sflag:$0x1] =	stream.indirect_vreg.gather [hbm4b:s5+s3], $0x80, v27, vm0, $0xb8;
	[tilespmem:$0x10700] =	vst v63  }
0x87: {  	s12 =	simm.s32 $0x1B00;
	v61 =	vperm.xlane v25, v13;
	v27 =	vadd.s32 v3, v60  }
0x88: {  	[tilespmem:s12], [sflag:$0x1] =	stream.indirect_vreg.gather [hbm4b:s5+s3], $0x80, v58, vm0, $0xb8;
	[tilespmem:$0x10700] =	vst v63  }
0x89: {  	s13 =	simm.s32 $0x1B80;
	v63 =	vperm.xlane v25, v14;
	v62 =	vadd.s32 v3, v61  }
0x8a: {  	[tilespmem:s13], [sflag:$0x1] =	stream.indirect_vreg.gather [hbm4b:s5+s3], $0x80, v26, vm0, $0xb8;
	[tilespmem:$0x10700] =	vst v63  }
0x8b: {  	v32 =	vperm.xlane v25, v15;
	s17 =	simm.s32 $0x1C00;
	v26 =	vadd.s32 v3, v63  }
0x8c: {  	[tilespmem:s17], [sflag:$0x1] =	stream.indirect_vreg.gather [hbm4b:s5+s3], $0x80, v27, vm0, $0xb8;
	[tilespmem:$0x10700] =	vst v63  }
0x8d: {  	v33 =	vperm.xlane v25, v16;
	s20 =	simm.s32 $0x1C80;
	v27 =	vadd.s32 v3, v32  }
0x8e: {  	[tilespmem:s20], [sflag:$0x1] =	stream.indirect_vreg.gather [hbm4b:s5+s3], $0x80, v62, vm0, $0xb8;
	[tilespmem:$0x10700] =	vst v63  }
0x8f: {  	v25 =	vperm.xlane v25, v17;
	v34 =	vadd.s32 v3, v33;
	s21 =	simm.s32 $0x1D00  }
0x90: {  	[tilespmem:s21], [sflag:$0x1] =	stream.indirect_vreg.gather [hbm4b:s5+s3], $0x80, v26, vm0, $0xb8;
	[tilespmem:$0x10700] =	vst v63  }
0x91: {  	v25 =	vadd.s32 v3, v25;
	s7 =	simm.s32 $0x1D80  }
0x92: {  	[tilespmem:s7], [sflag:$0x1] =	stream.indirect_vreg.gather [hbm4b:s5+s3], $0x80, v27, vm0, $0xb8;
	[tilespmem:$0x10700] =	vst v63  }
0x93: {  	s8 =	simm.s32 $0x1E00  }
0x94: {  	[tilespmem:s8], [sflag:$0x1] =	stream.indirect_vreg.gather [hbm4b:s5+s3], $0x80, v34, vm0, $0xb8;
	[tilespmem:$0x10700] =	vst v63  }
0x95: {  	s9 =	simm.s32 $0x1E80  }
0x96: {  	[tilespmem:s9], [sflag:$0x1] =	stream.indirect_vreg.gather [hbm4b:s5+s3], $0x80, v25, vm0, $0xb8;
	[tilespmem:$0x10700] =	vst v63  }
0x97: {  	v25 =	vld [tilespmem:$0x30];
	_ =	sdelay $0x4  }
0x98: {  	v26 =	vshll.u32 v25, $0x5  }
0x99: {  	v25 =	vand.u32 $0x7, v25;
	v26 =	vand.u32 $0xFFFFFF00, v26  }
0x9a: {  	v25 =	vor.u32 v25, v26  }
0x9b: {  	v26 =	vperm.xlane v25, v2;
	_ =	sdelay $0x1  }
0x9c: {  	v27 =	vperm.xlane v25, v4;
	v26 =	vadd.s32 v3, v26;
	_ =	sdelay $0x1  }
0x9d: {  	v35 =	vperm.xlane v25, v5;
	v27 =	vadd.s32 v3, v27;
	_ =	sdelay $0x1  }
0x9e: {  	s10 =	simm.s32 $0x1F00;
	v36 =	vperm.xlane v25, v6;
	v28 =	vadd.s32 v3, v35  }
0x9f: {  	[tilespmem:s10], [sflag:$0x1] =	stream.indirect_vreg.gather [hbm4b:s5+s3], $0x80, v26, vm0, $0xb8;
	[tilespmem:$0x10700] =	vst v63  }
0xa0: {  	s11 =	simm.s32 $0x1F80;
	v37 =	vperm.xlane v25, v7;
	v26 =	vadd.s32 v3, v36  }
0xa1: {  	[tilespmem:s11], [sflag:$0x1] =	stream.indirect_vreg.gather [hbm4b:s5+s3], $0x80, v27, vm0, $0xb8;
	[tilespmem:$0x10700] =	vst v63  }
0xa2: {  	s12 =	simm.s32 $0x2000;
	v38 =	vperm.xlane v25, v1;
	v27 =	vadd.s32 v3, v37  }
0xa3: {  	[tilespmem:s12], [sflag:$0x1] =	stream.indirect_vreg.gather [hbm4b:s5+s3], $0x80, v28, vm0, $0xb8;
	[tilespmem:$0x10700] =	vst v63  }
0xa4: {  	s13 =	simm.s32 $0x2080;
	v40 =	vperm.xlane v25, v8;
	v39 =	vadd.s32 v3, v38  }
0xa5: {  	[tilespmem:s13], [sflag:$0x1] =	stream.indirect_vreg.gather [hbm4b:s5+s3], $0x80, v26, vm0, $0xb8;
	[tilespmem:$0x10700] =	vst v63  }
0xa6: {  	s17 =	simm.s32 $0x2100;
	v41 =	vperm.xlane v25, v0;
	v26 =	vadd.s32 v3, v40  }
0xa7: {  	[tilespmem:s17], [sflag:$0x1] =	stream.indirect_vreg.gather [hbm4b:s5+s3], $0x80, v27, vm0, $0xb8;
	[tilespmem:$0x10700] =	vst v63  }
0xa8: {  	s20 =	simm.s32 $0x2180;
	v42 =	vperm.xlane v25, v9;
	v27 =	vadd.s32 v3, v41  }
0xa9: {  	[tilespmem:s20], [sflag:$0x1] =	stream.indirect_vreg.gather [hbm4b:s5+s3], $0x80, v39, vm0, $0xb8;
	[tilespmem:$0x10700] =	vst v63  }
0xaa: {  	s21 =	simm.s32 $0x2200;
	v44 =	vperm.xlane v25, v10;
	v43 =	vadd.s32 v3, v42  }
0xab: {  	[tilespmem:s21], [sflag:$0x1] =	stream.indirect_vreg.gather [hbm4b:s5+s3], $0x80, v26, vm0, $0xb8;
	[tilespmem:$0x10700] =	vst v63  }
0xac: {  	s7 =	simm.s32 $0x2280;
	v45 =	vperm.xlane v25, v11;
	v26 =	vadd.s32 v3, v44  }
0xad: {  	[tilespmem:s7], [sflag:$0x1] =	stream.indirect_vreg.gather [hbm4b:s5+s3], $0x80, v27, vm0, $0xb8;
	[tilespmem:$0x10700] =	vst v63  }
0xae: {  	s8 =	simm.s32 $0x2300;
	v46 =	vperm.xlane v25, v13;
	v27 =	vadd.s32 v3, v45  }
0xaf: {  	[tilespmem:s8], [sflag:$0x1] =	stream.indirect_vreg.gather [hbm4b:s5+s3], $0x80, v43, vm0, $0xb8;
	[tilespmem:$0x10700] =	vst v63  }
0xb0: {  	s9 =	simm.s32 $0x2380;
	v48 =	vperm.xlane v25, v14;
	v47 =	vadd.s32 v3, v46  }
0xb1: {  	[tilespmem:s9], [sflag:$0x1] =	stream.indirect_vreg.gather [hbm4b:s5+s3], $0x80, v26, vm0, $0xb8;
	[tilespmem:$0x10700] =	vst v63  }
0xb2: {  	v49 =	vperm.xlane v25, v15;
	s10 =	simm.s32 $0x2400;
	v26 =	vadd.s32 v3, v48  }
0xb3: {  	[tilespmem:s10], [sflag:$0x1] =	stream.indirect_vreg.gather [hbm4b:s5+s3], $0x80, v27, vm0, $0xb8;
	[tilespmem:$0x10700] =	vst v63  }
0xb4: {  	v50 =	vperm.xlane v25, v16;
	s11 =	simm.s32 $0x2480;
	v27 =	vadd.s32 v3, v49  }
0xb5: {  	[tilespmem:s11], [sflag:$0x1] =	stream.indirect_vreg.gather [hbm4b:s5+s3], $0x80, v47, vm0, $0xb8;
	[tilespmem:$0x10700] =	vst v63  }
0xb6: {  	v25 =	vperm.xlane v25, v17;
	v51 =	vadd.s32 v3, v50;
	s12 =	simm.s32 $0x2500  }
0xb7: {  	[tilespmem:s12], [sflag:$0x1] =	stream.indirect_vreg.gather [hbm4b:s5+s3], $0x80, v26, vm0, $0xb8;
	[tilespmem:$0x10700] =	vst v63  }
0xb8: {  	v25 =	vadd.s32 v3, v25;
	s13 =	simm.s32 $0x2580  }
0xb9: {  	[tilespmem:s13], [sflag:$0x1] =	stream.indirect_vreg.gather [hbm4b:s5+s3], $0x80, v27, vm0, $0xb8;
	[tilespmem:$0x10700] =	vst v63  }
0xba: {  	s17 =	simm.s32 $0x2600  }
0xbb: {  	[tilespmem:s17], [sflag:$0x1] =	stream.indirect_vreg.gather [hbm4b:s5+s3], $0x80, v51, vm0, $0xb8;
	[tilespmem:$0x10700] =	vst v63  }
0xbc: {  	s20 =	simm.s32 $0x2680  }
0xbd: {  	[tilespmem:s20], [sflag:$0x1] =	stream.indirect_vreg.gather [hbm4b:s5+s3], $0x80, v25, vm0, $0xb8;
	[tilespmem:$0x10700] =	vst v63  }
0xbe: {  	v25 =	vld [tilespmem:$0x40];
	_ =	sdelay $0x4  }
0xbf: {  	v26 =	vshll.u32 v25, $0x5  }
0xc0: {  	v25 =	vand.u32 $0x7, v25;
	v26 =	vand.u32 $0xFFFFFF00, v26  }
0xc1: {  	v25 =	vor.u32 v25, v26  }
0xc2: {  	v26 =	vperm.xlane v25, v2;
	_ =	sdelay $0x1  }
0xc3: {  	v27 =	vperm.xlane v25, v4;
	v26 =	vadd.s32 v3, v26;
	_ =	sdelay $0x1  }
0xc4: {  	v52 =	vperm.xlane v25, v5;
	v27 =	vadd.s32 v3, v27;
	_ =	sdelay $0x1  }
0xc5: {  	s21 =	simm.s32 $0x2700;
	v53 =	vperm.xlane v25, v6;
	v28 =	vadd.s32 v3, v52  }
0xc6: {  	[tilespmem:s21], [sflag:$0x1] =	stream.indirect_vreg.gather [hbm4b:s5+s3], $0x80, v26, vm0, $0xb8;
	[tilespmem:$0x10700] =	vst v63  }
0xc7: {  	s7 =	simm.s32 $0x2780;
	v54 =	vperm.xlane v25, v7;
	v26 =	vadd.s32 v3, v53  }
0xc8: {  	[tilespmem:s7], [sflag:$0x1] =	stream.indirect_vreg.gather [hbm4b:s5+s3], $0x80, v27, vm0, $0xb8;
	[tilespmem:$0x10700] =	vst v63  }
0xc9: {  	s8 =	simm.s32 $0x2800;
	v55 =	vperm.xlane v25, v1;
	v27 =	vadd.s32 v3, v54  }
0xca: {  	[tilespmem:s8], [sflag:$0x1] =	stream.indirect_vreg.gather [hbm4b:s5+s3], $0x80, v28, vm0, $0xb8;
	[tilespmem:$0x10700] =	vst v63  }
0xcb: {  	s9 =	simm.s32 $0x2880;
	v57 =	vperm.xlane v25, v8;
	v56 =	vadd.s32 v3, v55  }
0xcc: {  	[tilespmem:s9], [sflag:$0x1] =	stream.indirect_vreg.gather [hbm4b:s5+s3], $0x80, v26, vm0, $0xb8;
	[tilespmem:$0x10700] =	vst v63  }
0xcd: {  	s10 =	simm.s32 $0x2900;
	v58 =	vperm.xlane v25, v0;
	v26 =	vadd.s32 v3, v57  }
0xce: {  	[tilespmem:s10], [sflag:$0x1] =	stream.indirect_vreg.gather [hbm4b:s5+s3], $0x80, v27, vm0, $0xb8;
	[tilespmem:$0x10700] =	vst v63  }
0xcf: {  	s11 =	simm.s32 $0x2980;
	v59 =	vperm.xlane v25, v9;
	v27 =	vadd.s32 v3, v58  }
0xd0: {  	[tilespmem:s11], [sflag:$0x1] =	stream.indirect_vreg.gather [hbm4b:s5+s3], $0x80, v56, vm0, $0xb8;
	[tilespmem:$0x10700] =	vst v63  }
0xd1: {  	s12 =	simm.s32 $0x2A00;
	v61 =	vperm.xlane v25, v10;
	v60 =	vadd.s32 v3, v59  }
0xd2: {  	[tilespmem:s12], [sflag:$0x1] =	stream.indirect_vreg.gather [hbm4b:s5+s3], $0x80, v26, vm0, $0xb8;
	[tilespmem:$0x10700] =	vst v63  }
0xd3: {  	s13 =	simm.s32 $0x2A80;
	v62 =	vperm.xlane v25, v11;
	v26 =	vadd.s32 v3, v61  }
0xd4: {  	[tilespmem:s13], [sflag:$0x1] =	stream.indirect_vreg.gather [hbm4b:s5+s3], $0x80, v27, vm0, $0xb8;
	[tilespmem:$0x10700] =	vst v63  }
0xd5: {  	s17 =	simm.s32 $0x2B00;
	v63 =	vperm.xlane v25, v13;
	v27 =	vadd.s32 v3, v62  }
0xd6: {  	[tilespmem:s17], [sflag:$0x1] =	stream.indirect_vreg.gather [hbm4b:s5+s3], $0x80, v60, vm0, $0xb8;
	[tilespmem:$0x10700] =	vst v63  }
0xd7: {  	s20 =	simm.s32 $0x2B80;
	v33 =	vperm.xlane v25, v14;
	v32 =	vadd.s32 v3, v63  }
0xd8: {  	[tilespmem:s20], [sflag:$0x1] =	stream.indirect_vreg.gather [hbm4b:s5+s3], $0x80, v26, vm0, $0xb8;
	[tilespmem:$0x10700] =	vst v63  }
0xd9: {  	v34 =	vperm.xlane v25, v15;
	s21 =	simm.s32 $0x2C00;
	v26 =	vadd.s32 v3, v33  }
0xda: {  	[tilespmem:s21], [sflag:$0x1] =	stream.indirect_vreg.gather [hbm4b:s5+s3], $0x80, v27, vm0, $0xb8;
	[tilespmem:$0x10700] =	vst v63  }
0xdb: {  	v35 =	vperm.xlane v25, v16;
	s7 =	simm.s32 $0x2C80;
	v27 =	vadd.s32 v3, v34  }
0xdc: {  	[tilespmem:s7], [sflag:$0x1] =	stream.indirect_vreg.gather [hbm4b:s5+s3], $0x80, v32, vm0, $0xb8;
	[tilespmem:$0x10700] =	vst v63  }
0xdd: {  	v25 =	vperm.xlane v25, v17;
	v36 =	vadd.s32 v3, v35;
	s8 =	simm.s32 $0x2D00  }
0xde: {  	[tilespmem:s8], [sflag:$0x1] =	stream.indirect_vreg.gather [hbm4b:s5+s3], $0x80, v26, vm0, $0xb8;
	[tilespmem:$0x10700] =	vst v63  }
0xdf: {  	v25 =	vadd.s32 v3, v25;
	s9 =	simm.s32 $0x2D80  }
0xe0: {  	[tilespmem:s9], [sflag:$0x1] =	stream.indirect_vreg.gather [hbm4b:s5+s3], $0x80, v27, vm0, $0xb8;
	[tilespmem:$0x10700] =	vst v63  }
0xe1: {  	s10 =	simm.s32 $0x2E00  }
0xe2: {  	[tilespmem:s10], [sflag:$0x1] =	stream.indirect_vreg.gather [hbm4b:s5+s3], $0x80, v36, vm0, $0xb8;
	[tilespmem:$0x10700] =	vst v63  }
0xe3: {  	s11 =	simm.s32 $0x2E80  }
0xe4: {  	[tilespmem:s11], [sflag:$0x1] =	stream.indirect_vreg.gather [hbm4b:s5+s3], $0x80, v25, vm0, $0xb8;
	[tilespmem:$0x10700] =	vst v63  }
0xe5: {  	v25 =	vld [tilespmem:$0x50];
	_ =	sdelay $0x4  }
0xe6: {  	v26 =	vshll.u32 v25, $0x5  }
0xe7: {  	v25 =	vand.u32 $0x7, v25;
	v26 =	vand.u32 $0xFFFFFF00, v26  }
0xe8: {  	v25 =	vor.u32 v25, v26  }
0xe9: {  	v26 =	vperm.xlane v25, v2;
	_ =	sdelay $0x1  }
0xea: {  	v27 =	vperm.xlane v25, v4;
	v26 =	vadd.s32 v3, v26;
	_ =	sdelay $0x1  }
0xeb: {  	v37 =	vperm.xlane v25, v5;
	v27 =	vadd.s32 v3, v27;
	_ =	sdelay $0x1  }
0xec: {  	s12 =	simm.s32 $0x2F00;
	v38 =	vperm.xlane v25, v6;
	v28 =	vadd.s32 v3, v37  }
0xed: {  	[tilespmem:s12], [sflag:$0x1] =	stream.indirect_vreg.gather [hbm4b:s5+s3], $0x80, v26, vm0, $0xb8;
	[tilespmem:$0x10700] =	vst v63  }
0xee: {  	s13 =	simm.s32 $0x2F80;
	v39 =	vperm.xlane v25, v7;
	v26 =	vadd.s32 v3, v38  }
0xef: {  	[tilespmem:s13], [sflag:$0x1] =	stream.indirect_vreg.gather [hbm4b:s5+s3], $0x80, v27, vm0, $0xb8;
	[tilespmem:$0x10700] =	vst v63  }
0xf0: {  	s17 =	simm.s32 $0x3000;
	v40 =	vperm.xlane v25, v1;
	v27 =	vadd.s32 v3, v39  }
0xf1: {  	[tilespmem:s17], [sflag:$0x1] =	stream.indirect_vreg.gather [hbm4b:s5+s3], $0x80, v28, vm0, $0xb8;
	[tilespmem:$0x10700] =	vst v63  }
0xf2: {  	s20 =	simm.s32 $0x3080;
	v42 =	vperm.xlane v25, v8;
	v41 =	vadd.s32 v3, v40  }
0xf3: {  	[tilespmem:s20], [sflag:$0x1] =	stream.indirect_vreg.gather [hbm4b:s5+s3], $0x80, v26, vm0, $0xb8;
	[tilespmem:$0x10700] =	vst v63  }
0xf4: {  	s21 =	simm.s32 $0x3100;
	v43 =	vperm.xlane v25, v0;
	v26 =	vadd.s32 v3, v42  }
0xf5: {  	[tilespmem:s21], [sflag:$0x1] =	stream.indirect_vreg.gather [hbm4b:s5+s3], $0x80, v27, vm0, $0xb8;
	[tilespmem:$0x10700] =	vst v63  }
0xf6: {  	s7 =	simm.s32 $0x3180;
	v44 =	vperm.xlane v25, v9;
	v27 =	vadd.s32 v3, v43  }
0xf7: {  	[tilespmem:s7], [sflag:$0x1] =	stream.indirect_vreg.gather [hbm4b:s5+s3], $0x80, v41, vm0, $0xb8;
	[tilespmem:$0x10700] =	vst v63  }
0xf8: {  	s8 =	simm.s32 $0x3200;
	v46 =	vperm.xlane v25, v10;
	v45 =	vadd.s32 v3, v44  }
0xf9: {  	[tilespmem:s8], [sflag:$0x1] =	stream.indirect_vreg.gather [hbm4b:s5+s3], $0x80, v26, vm0, $0xb8;
	[tilespmem:$0x10700] =	vst v63  }
0xfa: {  	s9 =	simm.s32 $0x3280;
	v47 =	vperm.xlane v25, v11;
	v26 =	vadd.s32 v3, v46  }
0xfb: {  	[tilespmem:s9], [sflag:$0x1] =	stream.indirect_vreg.gather [hbm4b:s5+s3], $0x80, v27, vm0, $0xb8;
	[tilespmem:$0x10700] =	vst v63  }
0xfc: {  	s10 =	simm.s32 $0x3300;
	v48 =	vperm.xlane v25, v13;
	v27 =	vadd.s32 v3, v47  }
0xfd: {  	[tilespmem:s10], [sflag:$0x1] =	stream.indirect_vreg.gather [hbm4b:s5+s3], $0x80, v45, vm0, $0xb8;
	[tilespmem:$0x10700] =	vst v63  }
0xfe: {  	s11 =	simm.s32 $0x3380;
	v50 =	vperm.xlane v25, v14;
	v49 =	vadd.s32 v3, v48  }
0xff: {  	[tilespmem:s11], [sflag:$0x1] =	stream.indirect_vreg.gather [hbm4b:s5+s3], $0x80, v26, vm0, $0xb8;
	[tilespmem:$0x10700] =	vst v63  }
0x100: {  	v51 =	vperm.xlane v25, v15;
	s12 =	simm.s32 $0x3400;
	v26 =	vadd.s32 v3, v50  }
0x101: {  	[tilespmem:s12], [sflag:$0x1] =	stream.indirect_vreg.gather [hbm4b:s5+s3], $0x80, v27, vm0, $0xb8;
	[tilespmem:$0x10700] =	vst v63  }
0x102: {  	v52 =	vperm.xlane v25, v16;
	s13 =	simm.s32 $0x3480;
	v27 =	vadd.s32 v3, v51  }
0x103: {  	[tilespmem:s13], [sflag:$0x1] =	stream.indirect_vreg.gather [hbm4b:s5+s3], $0x80, v49, vm0, $0xb8;
	[tilespmem:$0x10700] =	vst v63  }
0x104: {  	v25 =	vperm.xlane v25, v17;
	v53 =	vadd.s32 v3, v52;
	s17 =	simm.s32 $0x3500  }
0x105: {  	[tilespmem:s17], [sflag:$0x1] =	stream.indirect_vreg.gather [hbm4b:s5+s3], $0x80, v26, vm0, $0xb8;
	[tilespmem:$0x10700] =	vst v63  }
0x106: {  	v25 =	vadd.s32 v3, v25;
	s20 =	simm.s32 $0x3580  }
0x107: {  	[tilespmem:s20], [sflag:$0x1] =	stream.indirect_vreg.gather [hbm4b:s5+s3], $0x80, v27, vm0, $0xb8;
	[tilespmem:$0x10700] =	vst v63  }
0x108: {  	s21 =	simm.s32 $0x3600  }
0x109: {  	[tilespmem:s21], [sflag:$0x1] =	stream.indirect_vreg.gather [hbm4b:s5+s3], $0x80, v53, vm0, $0xb8;
	[tilespmem:$0x10700] =	vst v63  }
0x10a: {  	s7 =	simm.s32 $0x3680  }
0x10b: {  	[tilespmem:s7], [sflag:$0x1] =	stream.indirect_vreg.gather [hbm4b:s5+s3], $0x80, v25, vm0, $0xb8;
	[tilespmem:$0x10700] =	vst v63  }
0x10c: {  	v25 =	vld [tilespmem:$0x60];
	_ =	sdelay $0x4  }
0x10d: {  	v26 =	vshll.u32 v25, $0x5  }
0x10e: {  	v25 =	vand.u32 $0x7, v25;
	v26 =	vand.u32 $0xFFFFFF00, v26  }
0x10f: {  	v25 =	vor.u32 v25, v26  }
0x110: {  	v26 =	vperm.xlane v25, v2;
	_ =	sdelay $0x1  }
0x111: {  	v27 =	vperm.xlane v25, v4;
	v26 =	vadd.s32 v3, v26;
	_ =	sdelay $0x1  }
0x112: {  	v54 =	vperm.xlane v25, v5;
	v27 =	vadd.s32 v3, v27;
	_ =	sdelay $0x1  }
0x113: {  	s8 =	simm.s32 $0x3700;
	v55 =	vperm.xlane v25, v6;
	v28 =	vadd.s32 v3, v54  }
0x114: {  	[tilespmem:s8], [sflag:$0x1] =	stream.indirect_vreg.gather [hbm4b:s5+s3], $0x80, v26, vm0, $0xb8;
	[tilespmem:$0x10700] =	vst v63  }
0x115: {  	s9 =	simm.s32 $0x3780;
	v56 =	vperm.xlane v25, v7;
	v26 =	vadd.s32 v3, v55  }
0x116: {  	[tilespmem:s9], [sflag:$0x1] =	stream.indirect_vreg.gather [hbm4b:s5+s3], $0x80, v27, vm0, $0xb8;
	[tilespmem:$0x10700] =	vst v63  }
0x117: {  	v57 =	vperm.xlane v25, v1;
	v27 =	vadd.s32 v3, v56  }
0x118: {  	[tilespmem:s26], [sflag:$0x1] =	stream.indirect_vreg.gather [hbm4b:s5+s3], $0x80, v28, vm0, $0xb8;
	[tilespmem:$0x10700] =	vst v63  }
0x119: {  	s10 =	simm.s32 $0x3880;
	v59 =	vperm.xlane v25, v8;
	v58 =	vadd.s32 v3, v57  }
0x11a: {  	[tilespmem:s10], [sflag:$0x1] =	stream.indirect_vreg.gather [hbm4b:s5+s3], $0x80, v26, vm0, $0xb8;
	[tilespmem:$0x10700] =	vst v63  }
0x11b: {  	s11 =	simm.s32 $0x3900;
	v60 =	vperm.xlane v25, v0;
	v26 =	vadd.s32 v3, v59  }
0x11c: {  	[tilespmem:s11], [sflag:$0x1] =	stream.indirect_vreg.gather [hbm4b:s5+s3], $0x80, v27, vm0, $0xb8;
	[tilespmem:$0x10700] =	vst v63  }
0x11d: {  	s12 =	simm.s32 $0x3980;
	v61 =	vperm.xlane v25, v9;
	v27 =	vadd.s32 v3, v60  }
0x11e: {  	[tilespmem:s12], [sflag:$0x1] =	stream.indirect_vreg.gather [hbm4b:s5+s3], $0x80, v58, vm0, $0xb8;
	[tilespmem:$0x10700] =	vst v63  }
0x11f: {  	s13 =	simm.s32 $0x3A00;
	v63 =	vperm.xlane v25, v10;
	v62 =	vadd.s32 v3, v61  }
0x120: {  	[tilespmem:s13], [sflag:$0x1] =	stream.indirect_vreg.gather [hbm4b:s5+s3], $0x80, v26, vm0, $0xb8;
	[tilespmem:$0x10700] =	vst v63  }
0x121: {  	s17 =	simm.s32 $0x3A80;
	v32 =	vperm.xlane v25, v11;
	v26 =	vadd.s32 v3, v63  }
0x122: {  	[tilespmem:s17], [sflag:$0x1] =	stream.indirect_vreg.gather [hbm4b:s5+s3], $0x80, v27, vm0, $0xb8;
	[tilespmem:$0x10700] =	vst v63  }
0x123: {  	s20 =	simm.s32 $0x3B00;
	v33 =	vperm.xlane v25, v13;
	v27 =	vadd.s32 v3, v32  }
0x124: {  	[tilespmem:s20], [sflag:$0x1] =	stream.indirect_vreg.gather [hbm4b:s5+s3], $0x80, v62, vm0, $0xb8;
	[tilespmem:$0x10700] =	vst v63  }
0x125: {  	s21 =	simm.s32 $0x3B80;
	v35 =	vperm.xlane v25, v14;
	v34 =	vadd.s32 v3, v33  }
0x126: {  	[tilespmem:s21], [sflag:$0x1] =	stream.indirect_vreg.gather [hbm4b:s5+s3], $0x80, v26, vm0, $0xb8;
	[tilespmem:$0x10700] =	vst v63  }
0x127: {  	s7 =	simm.s32 $0x3C00;
	v36 =	vperm.xlane v25, v15;
	v26 =	vadd.s32 v3, v35  }
0x128: {  	[tilespmem:s7], [sflag:$0x1] =	stream.indirect_vreg.gather [hbm4b:s5+s3], $0x80, v27, vm0, $0xb8;
	[tilespmem:$0x10700] =	vst v63  }
0x129: {  	v37 =	vperm.xlane v25, v16;
	s8 =	simm.s32 $0x3C80;
	v27 =	vadd.s32 v3, v36  }
0x12a: {  	[tilespmem:s8], [sflag:$0x1] =	stream.indirect_vreg.gather [hbm4b:s5+s3], $0x80, v34, vm0, $0xb8;
	[tilespmem:$0x10700] =	vst v63  }
0x12b: {  	v25 =	vperm.xlane v25, v17;
	v38 =	vadd.s32 v3, v37;
	s9 =	simm.s32 $0x3D00  }
0x12c: {  	[tilespmem:s9], [sflag:$0x1] =	stream.indirect_vreg.gather [hbm4b:s5+s3], $0x80, v26, vm0, $0xb8;
	[tilespmem:$0x10700] =	vst v63  }
0x12d: {  	v25 =	vadd.s32 v3, v25;
	s10 =	simm.s32 $0x3D80  }
0x12e: {  	[tilespmem:s10], [sflag:$0x1] =	stream.indirect_vreg.gather [hbm4b:s5+s3], $0x80, v27, vm0, $0xb8;
	[tilespmem:$0x10700] =	vst v63  }
0x12f: {  	s11 =	simm.s32 $0x3E00  }
0x130: {  	[tilespmem:s11], [sflag:$0x1] =	stream.indirect_vreg.gather [hbm4b:s5+s3], $0x80, v38, vm0, $0xb8;
	[tilespmem:$0x10700] =	vst v63  }
0x131: {  	s12 =	simm.s32 $0x3E80  }
0x132: {  	[tilespmem:s12], [sflag:$0x1] =	stream.indirect_vreg.gather [hbm4b:s5+s3], $0x80, v25, vm0, $0xb8;
	[tilespmem:$0x10700] =	vst v63  }
0x133: {  	v25 =	vld [tilespmem:$0x70];
	_ =	sdelay $0x4  }
0x134: {  	v26 =	vshll.u32 v25, $0x5  }
0x135: {  	v25 =	vand.u32 $0x7, v25;
	v26 =	vand.u32 $0xFFFFFF00, v26  }
0x136: {  	v25 =	vor.u32 v25, v26  }
0x137: {  	v26 =	vperm.xlane v25, v2;
	_ =	sdelay $0x1  }
0x138: {  	v27 =	vperm.xlane v25, v4;
	v26 =	vadd.s32 v3, v26;
	_ =	sdelay $0x1  }
0x139: {  	v39 =	vperm.xlane v25, v5;
	v27 =	vadd.s32 v3, v27;
	_ =	sdelay $0x1  }
0x13a: {  	s13 =	simm.s32 $0x3F00;
	v40 =	vperm.xlane v25, v6;
	v28 =	vadd.s32 v3, v39  }
0x13b: {  	[tilespmem:s13], [sflag:$0x1] =	stream.indirect_vreg.gather [hbm4b:s5+s3], $0x80, v26, vm0, $0xb8;
	[tilespmem:$0x10700] =	vst v63  }
0x13c: {  	s17 =	simm.s32 $0x3F80;
	v41 =	vperm.xlane v25, v7;
	v26 =	vadd.s32 v3, v40  }
0x13d: {  	[tilespmem:s17], [sflag:$0x1] =	stream.indirect_vreg.gather [hbm4b:s5+s3], $0x80, v27, vm0, $0xb8;
	[tilespmem:$0x10700] =	vst v63  }
0x13e: {  	s20 =	simm.s32 $0x4000;
	v42 =	vperm.xlane v25, v1;
	v27 =	vadd.s32 v3, v41  }
0x13f: {  	[tilespmem:s20], [sflag:$0x1] =	stream.indirect_vreg.gather [hbm4b:s5+s3], $0x80, v28, vm0, $0xb8;
	[tilespmem:$0x10700] =	vst v63  }
0x140: {  	s21 =	simm.s32 $0x4080;
	v44 =	vperm.xlane v25, v8;
	v43 =	vadd.s32 v3, v42  }
0x141: {  	[tilespmem:s21], [sflag:$0x1] =	stream.indirect_vreg.gather [hbm4b:s5+s3], $0x80, v26, vm0, $0xb8;
	[tilespmem:$0x10700] =	vst v63  }
0x142: {  	s7 =	simm.s32 $0x4100;
	v45 =	vperm.xlane v25, v0;
	v26 =	vadd.s32 v3, v44  }
0x143: {  	[tilespmem:s7], [sflag:$0x1] =	stream.indirect_vreg.gather [hbm4b:s5+s3], $0x80, v27, vm0, $0xb8;
	[tilespmem:$0x10700] =	vst v63  }
0x144: {  	s8 =	simm.s32 $0x4180;
	v46 =	vperm.xlane v25, v9;
	v27 =	vadd.s32 v3, v45  }
0x145: {  	[tilespmem:s8], [sflag:$0x1] =	stream.indirect_vreg.gather [hbm4b:s5+s3], $0x80, v43, vm0, $0xb8;
	[tilespmem:$0x10700] =	vst v63  }
0x146: {  	s9 =	simm.s32 $0x4200;
	v48 =	vperm.xlane v25, v10;
	v47 =	vadd.s32 v3, v46  }
0x147: {  	[tilespmem:s9], [sflag:$0x1] =	stream.indirect_vreg.gather [hbm4b:s5+s3], $0x80, v26, vm0, $0xb8;
	[tilespmem:$0x10700] =	vst v63  }
0x148: {  	s10 =	simm.s32 $0x4280;
	v49 =	vperm.xlane v25, v11;
	v26 =	vadd.s32 v3, v48  }
0x149: {  	[tilespmem:s10], [sflag:$0x1] =	stream.indirect_vreg.gather [hbm4b:s5+s3], $0x80, v27, vm0, $0xb8;
	[tilespmem:$0x10700] =	vst v63  }
0x14a: {  	s11 =	simm.s32 $0x4300;
	v50 =	vperm.xlane v25, v13;
	v27 =	vadd.s32 v3, v49  }
0x14b: {  	[tilespmem:s11], [sflag:$0x1] =	stream.indirect_vreg.gather [hbm4b:s5+s3], $0x80, v47, vm0, $0xb8;
	[tilespmem:$0x10700] =	vst v63  }
0x14c: {  	s12 =	simm.s32 $0x4380;
	v52 =	vperm.xlane v25, v14;
	v51 =	vadd.s32 v3, v50  }
0x14d: {  	[tilespmem:s12], [sflag:$0x1] =	stream.indirect_vreg.gather [hbm4b:s5+s3], $0x80, v26, vm0, $0xb8;
	[tilespmem:$0x10700] =	vst v63  }
0x14e: {  	v53 =	vperm.xlane v25, v15;
	s13 =	simm.s32 $0x4400;
	v26 =	vadd.s32 v3, v52  }
0x14f: {  	[tilespmem:s13], [sflag:$0x1] =	stream.indirect_vreg.gather [hbm4b:s5+s3], $0x80, v27, vm0, $0xb8;
	[tilespmem:$0x10700] =	vst v63  }
0x150: {  	v54 =	vperm.xlane v25, v16;
	s17 =	simm.s32 $0x4480;
	v27 =	vadd.s32 v3, v53  }
0x151: {  	[tilespmem:s17], [sflag:$0x1] =	stream.indirect_vreg.gather [hbm4b:s5+s3], $0x80, v51, vm0, $0xb8;
	[tilespmem:$0x10700] =	vst v63  }
0x152: {  	v25 =	vperm.xlane v25, v17;
	v55 =	vadd.s32 v3, v54;
	s20 =	simm.s32 $0x4500  }
0x153: {  	[tilespmem:s20], [sflag:$0x1] =	stream.indirect_vreg.gather [hbm4b:s5+s3], $0x80, v26, vm0, $0xb8;
	[tilespmem:$0x10700] =	vst v63  }
0x154: {  	v25 =	vadd.s32 v3, v25;
	s21 =	simm.s32 $0x4580  }
0x155: {  	[tilespmem:s21], [sflag:$0x1] =	stream.indirect_vreg.gather [hbm4b:s5+s3], $0x80, v27, vm0, $0xb8;
	[tilespmem:$0x10700] =	vst v63  }
0x156: {  	s7 =	simm.s32 $0x4600  }
0x157: {  	[tilespmem:s7], [sflag:$0x1] =	stream.indirect_vreg.gather [hbm4b:s5+s3], $0x80, v55, vm0, $0xb8;
	[tilespmem:$0x10700] =	vst v63  }
0x158: {  	s8 =	simm.s32 $0x4680  }
0x159: {  	[tilespmem:s8], [sflag:$0x1] =	stream.indirect_vreg.gather [hbm4b:s5+s3], $0x80, v25, vm0, $0xb8;
	[tilespmem:$0x10700] =	vst v63  }
0x15a: {  	v25 =	vld [tilespmem:$0x80];
	_ =	sdelay $0x4  }
0x15b: {  	v26 =	vshll.u32 v25, $0x5  }
0x15c: {  	v25 =	vand.u32 $0x7, v25;
	v26 =	vand.u32 $0xFFFFFF00, v26  }
0x15d: {  	v25 =	vor.u32 v25, v26  }
0x15e: {  	v26 =	vperm.xlane v25, v2;
	_ =	sdelay $0x1  }
0x15f: {  	v27 =	vperm.xlane v25, v4;
	v26 =	vadd.s32 v3, v26;
	_ =	sdelay $0x1  }
0x160: {  	v56 =	vperm.xlane v25, v5;
	v27 =	vadd.s32 v3, v27;
	_ =	sdelay $0x1  }
0x161: {  	s9 =	simm.s32 $0x4700;
	v57 =	vperm.xlane v25, v6;
	v28 =	vadd.s32 v3, v56  }
0x162: {  	[tilespmem:s9], [sflag:$0x2] =	stream.indirect_vreg.gather [hbm4b:s5+s3], $0x80, v26, vm0, $0xb8;
	[tilespmem:$0x10700] =	vst v63  }
0x163: {  	s10 =	simm.s32 $0x4780;
	v58 =	vperm.xlane v25, v7;
	v26 =	vadd.s32 v3, v57  }
0x164: {  	[tilespmem:s10], [sflag:$0x2] =	stream.indirect_vreg.gather [hbm4b:s5+s3], $0x80, v27, vm0, $0xb8;
	[tilespmem:$0x10700] =	vst v63  }
0x165: {  	s11 =	simm.s32 $0x4800;
	v59 =	vperm.xlane v25, v1;
	v27 =	vadd.s32 v3, v58  }
0x166: {  	[tilespmem:s11], [sflag:$0x2] =	stream.indirect_vreg.gather [hbm4b:s5+s3], $0x80, v28, vm0, $0xb8;
	[tilespmem:$0x10700] =	vst v63  }
0x167: {  	s12 =	simm.s32 $0x4880;
	v61 =	vperm.xlane v25, v8;
	v60 =	vadd.s32 v3, v59  }
0x168: {  	[tilespmem:s12], [sflag:$0x2] =	stream.indirect_vreg.gather [hbm4b:s5+s3], $0x80, v26, vm0, $0xb8;
	[tilespmem:$0x10700] =	vst v63  }
0x169: {  	s13 =	simm.s32 $0x4900;
	v62 =	vperm.xlane v25, v0;
	v26 =	vadd.s32 v3, v61  }
0x16a: {  	[tilespmem:s13], [sflag:$0x2] =	stream.indirect_vreg.gather [hbm4b:s5+s3], $0x80, v27, vm0, $0xb8;
	[tilespmem:$0x10700] =	vst v63  }
0x16b: {  	s17 =	simm.s32 $0x4980;
	v63 =	vperm.xlane v25, v9;
	v27 =	vadd.s32 v3, v62  }
0x16c: {  	[tilespmem:s17], [sflag:$0x2] =	stream.indirect_vreg.gather [hbm4b:s5+s3], $0x80, v60, vm0, $0xb8;
	[tilespmem:$0x10700] =	vst v63  }
0x16d: {  	s20 =	simm.s32 $0x4A00;
	v33 =	vperm.xlane v25, v10;
	v32 =	vadd.s32 v3, v63  }
0x16e: {  	[tilespmem:s20], [sflag:$0x2] =	stream.indirect_vreg.gather [hbm4b:s5+s3], $0x80, v26, vm0, $0xb8;
	[tilespmem:$0x10700] =	vst v63  }
0x16f: {  	s21 =	simm.s32 $0x4A80;
	v34 =	vperm.xlane v25, v11;
	v26 =	vadd.s32 v3, v33  }
0x170: {  	[tilespmem:s21], [sflag:$0x2] =	stream.indirect_vreg.gather [hbm4b:s5+s3], $0x80, v27, vm0, $0xb8;
	[tilespmem:$0x10700] =	vst v63  }
0x171: {  	s7 =	simm.s32 $0x4B00;
	v35 =	vperm.xlane v25, v13;
	v27 =	vadd.s32 v3, v34  }
0x172: {  	[tilespmem:s7], [sflag:$0x2] =	stream.indirect_vreg.gather [hbm4b:s5+s3], $0x80, v32, vm0, $0xb8;
	[tilespmem:$0x10700] =	vst v63  }
0x173: {  	s8 =	simm.s32 $0x4B80;
	v37 =	vperm.xlane v25, v14;
	v36 =	vadd.s32 v3, v35  }
0x174: {  	[tilespmem:s8], [sflag:$0x2] =	stream.indirect_vreg.gather [hbm4b:s5+s3], $0x80, v26, vm0, $0xb8;
	[tilespmem:$0x10700] =	vst v63  }
0x175: {  	v38 =	vperm.xlane v25, v15;
	s9 =	simm.s32 $0x4C00;
	v26 =	vadd.s32 v3, v37  }
0x176: {  	[tilespmem:s9], [sflag:$0x2] =	stream.indirect_vreg.gather [hbm4b:s5+s3], $0x80, v27, vm0, $0xb8;
	[tilespmem:$0x10700] =	vst v63  }
0x177: {  	v39 =	vperm.xlane v25, v16;
	s10 =	simm.s32 $0x4C80;
	v27 =	vadd.s32 v3, v38  }
0x178: {  	[tilespmem:s10], [sflag:$0x2] =	stream.indirect_vreg.gather [hbm4b:s5+s3], $0x80, v36, vm0, $0xb8;
	[tilespmem:$0x10700] =	vst v63  }
0x179: {  	v25 =	vperm.xlane v25, v17;
	v40 =	vadd.s32 v3, v39;
	s11 =	simm.s32 $0x4D00  }
0x17a: {  	[tilespmem:s11], [sflag:$0x2] =	stream.indirect_vreg.gather [hbm4b:s5+s3], $0x80, v26, vm0, $0xb8;
	[tilespmem:$0x10700] =	vst v63  }
0x17b: {  	v25 =	vadd.s32 v3, v25;
	s12 =	simm.s32 $0x4D80  }
0x17c: {  	[tilespmem:s12], [sflag:$0x2] =	stream.indirect_vreg.gather [hbm4b:s5+s3], $0x80, v27, vm0, $0xb8;
	[tilespmem:$0x10700] =	vst v63  }
0x17d: {  	s13 =	simm.s32 $0x4E00  }
0x17e: {  	[tilespmem:s13], [sflag:$0x2] =	stream.indirect_vreg.gather [hbm4b:s5+s3], $0x80, v40, vm0, $0xb8;
	[tilespmem:$0x10700] =	vst v63  }
0x17f: {  	s17 =	simm.s32 $0x4E80  }
0x180: {  	[tilespmem:s17], [sflag:$0x2] =	stream.indirect_vreg.gather [hbm4b:s5+s3], $0x80, v25, vm0, $0xb8;
	[tilespmem:$0x10700] =	vst v63  }
0x181: {  	v25 =	vld [tilespmem:$0x90];
	_ =	sdelay $0x4  }
0x182: {  	v26 =	vshll.u32 v25, $0x5  }
0x183: {  	v25 =	vand.u32 $0x7, v25;
	v26 =	vand.u32 $0xFFFFFF00, v26  }
0x184: {  	v25 =	vor.u32 v25, v26  }
0x185: {  	v26 =	vperm.xlane v25, v2;
	_ =	sdelay $0x1  }
0x186: {  	v27 =	vperm.xlane v25, v4;
	v26 =	vadd.s32 v3, v26;
	_ =	sdelay $0x1  }
0x187: {  	v41 =	vperm.xlane v25, v5;
	v27 =	vadd.s32 v3, v27;
	_ =	sdelay $0x1  }
0x188: {  	s20 =	simm.s32 $0x4F00;
	v42 =	vperm.xlane v25, v6;
	v28 =	vadd.s32 v3, v41  }
0x189: {  	[tilespmem:s20], [sflag:$0x2] =	stream.indirect_vreg.gather [hbm4b:s5+s3], $0x80, v26, vm0, $0xb8;
	[tilespmem:$0x10700] =	vst v63  }
0x18a: {  	s21 =	simm.s32 $0x4F80;
	v43 =	vperm.xlane v25, v7;
	v26 =	vadd.s32 v3, v42  }
0x18b: {  	[tilespmem:s21], [sflag:$0x2] =	stream.indirect_vreg.gather [hbm4b:s5+s3], $0x80, v27, vm0, $0xb8;
	[tilespmem:$0x10700] =	vst v63  }
0x18c: {  	s7 =	simm.s32 $0x5000;
	v44 =	vperm.xlane v25, v1;
	v27 =	vadd.s32 v3, v43  }
0x18d: {  	[tilespmem:s7], [sflag:$0x2] =	stream.indirect_vreg.gather [hbm4b:s5+s3], $0x80, v28, vm0, $0xb8;
	[tilespmem:$0x10700] =	vst v63  }
0x18e: {  	s8 =	simm.s32 $0x5080;
	v46 =	vperm.xlane v25, v8;
	v45 =	vadd.s32 v3, v44  }
0x18f: {  	[tilespmem:s8], [sflag:$0x2] =	stream.indirect_vreg.gather [hbm4b:s5+s3], $0x80, v26, vm0, $0xb8;
	[tilespmem:$0x10700] =	vst v63  }
0x190: {  	s9 =	simm.s32 $0x5100;
	v47 =	vperm.xlane v25, v0;
	v26 =	vadd.s32 v3, v46  }
0x191: {  	[tilespmem:s9], [sflag:$0x2] =	stream.indirect_vreg.gather [hbm4b:s5+s3], $0x80, v27, vm0, $0xb8;
	[tilespmem:$0x10700] =	vst v63  }
0x192: {  	s10 =	simm.s32 $0x5180;
	v48 =	vperm.xlane v25, v9;
	v27 =	vadd.s32 v3, v47  }
0x193: {  	[tilespmem:s10], [sflag:$0x2] =	stream.indirect_vreg.gather [hbm4b:s5+s3], $0x80, v45, vm0, $0xb8;
	[tilespmem:$0x10700] =	vst v63  }
0x194: {  	s11 =	simm.s32 $0x5200;
	v50 =	vperm.xlane v25, v10;
	v49 =	vadd.s32 v3, v48  }
0x195: {  	[tilespmem:s11], [sflag:$0x2] =	stream.indirect_vreg.gather [hbm4b:s5+s3], $0x80, v26, vm0, $0xb8;
	[tilespmem:$0x10700] =	vst v63  }
0x196: {  	s12 =	simm.s32 $0x5280;
	v51 =	vperm.xlane v25, v11;
	v26 =	vadd.s32 v3, v50  }
0x197: {  	[tilespmem:s12], [sflag:$0x2] =	stream.indirect_vreg.gather [hbm4b:s5+s3], $0x80, v27, vm0, $0xb8;
	[tilespmem:$0x10700] =	vst v63  }
0x198: {  	s13 =	simm.s32 $0x5300;
	v52 =	vperm.xlane v25, v13;
	v27 =	vadd.s32 v3, v51  }
0x199: {  	[tilespmem:s13], [sflag:$0x2] =	stream.indirect_vreg.gather [hbm4b:s5+s3], $0x80, v49, vm0, $0xb8;
	[tilespmem:$0x10700] =	vst v63  }
0x19a: {  	s17 =	simm.s32 $0x5380;
	v54 =	vperm.xlane v25, v14;
	v53 =	vadd.s32 v3, v52  }
0x19b: {  	[tilespmem:s17], [sflag:$0x2] =	stream.indirect_vreg.gather [hbm4b:s5+s3], $0x80, v26, vm0, $0xb8;
	[tilespmem:$0x10700] =	vst v63  }
0x19c: {  	v55 =	vperm.xlane v25, v15;
	s20 =	simm.s32 $0x5400;
	v26 =	vadd.s32 v3, v54  }
0x19d: {  	[tilespmem:s20], [sflag:$0x2] =	stream.indirect_vreg.gather [hbm4b:s5+s3], $0x80, v27, vm0, $0xb8;
	[tilespmem:$0x10700] =	vst v63  }
0x19e: {  	v56 =	vperm.xlane v25, v16;
	s21 =	simm.s32 $0x5480;
	v27 =	vadd.s32 v3, v55  }
0x19f: {  	[tilespmem:s21], [sflag:$0x2] =	stream.indirect_vreg.gather [hbm4b:s5+s3], $0x80, v53, vm0, $0xb8;
	[tilespmem:$0x10700] =	vst v63  }
0x1a0: {  	v25 =	vperm.xlane v25, v17;
	v57 =	vadd.s32 v3, v56;
	s7 =	simm.s32 $0x5500  }
0x1a1: {  	[tilespmem:s7], [sflag:$0x2] =	stream.indirect_vreg.gather [hbm4b:s5+s3], $0x80, v26, vm0, $0xb8;
	[tilespmem:$0x10700] =	vst v63  }
0x1a2: {  	v25 =	vadd.s32 v3, v25;
	s8 =	simm.s32 $0x5580  }
0x1a3: {  	[tilespmem:s8], [sflag:$0x2] =	stream.indirect_vreg.gather [hbm4b:s5+s3], $0x80, v27, vm0, $0xb8;
	[tilespmem:$0x10700] =	vst v63  }
0x1a4: {  	s9 =	simm.s32 $0x5600  }
0x1a5: {  	[tilespmem:s9], [sflag:$0x2] =	stream.indirect_vreg.gather [hbm4b:s5+s3], $0x80, v57, vm0, $0xb8;
	[tilespmem:$0x10700] =	vst v63  }
0x1a6: {  	s10 =	simm.s32 $0x5680  }
0x1a7: {  	[tilespmem:s10], [sflag:$0x2] =	stream.indirect_vreg.gather [hbm4b:s5+s3], $0x80, v25, vm0, $0xb8;
	[tilespmem:$0x10700] =	vst v63  }
0x1a8: {  	v25 =	vld [tilespmem:$0xA0];
	_ =	sdelay $0x4  }
0x1a9: {  	v26 =	vshll.u32 v25, $0x5  }
0x1aa: {  	v25 =	vand.u32 $0x7, v25;
	v26 =	vand.u32 $0xFFFFFF00, v26  }
0x1ab: {  	v25 =	vor.u32 v25, v26  }
0x1ac: {  	v26 =	vperm.xlane v25, v2;
	_ =	sdelay $0x1  }
0x1ad: {  	v27 =	vperm.xlane v25, v4;
	v26 =	vadd.s32 v3, v26;
	_ =	sdelay $0x1  }
0x1ae: {  	v58 =	vperm.xlane v25, v5;
	v27 =	vadd.s32 v3, v27;
	_ =	sdelay $0x1  }
0x1af: {  	s11 =	simm.s32 $0x5700;
	v59 =	vperm.xlane v25, v6;
	v28 =	vadd.s32 v3, v58  }
0x1b0: {  	[tilespmem:s11], [sflag:$0x2] =	stream.indirect_vreg.gather [hbm4b:s5+s3], $0x80, v26, vm0, $0xb8;
	[tilespmem:$0x10700] =	vst v63  }
0x1b1: {  	s12 =	simm.s32 $0x5780;
	v60 =	vperm.xlane v25, v7;
	v26 =	vadd.s32 v3, v59  }
0x1b2: {  	[tilespmem:s12], [sflag:$0x2] =	stream.indirect_vreg.gather [hbm4b:s5+s3], $0x80, v27, vm0, $0xb8;
	[tilespmem:$0x10700] =	vst v63  }
0x1b3: {  	s13 =	simm.s32 $0x5800;
	v61 =	vperm.xlane v25, v1;
	v27 =	vadd.s32 v3, v60  }
0x1b4: {  	[tilespmem:s13], [sflag:$0x2] =	stream.indirect_vreg.gather [hbm4b:s5+s3], $0x80, v28, vm0, $0xb8;
	[tilespmem:$0x10700] =	vst v63  }
0x1b5: {  	s17 =	simm.s32 $0x5880;
	v63 =	vperm.xlane v25, v8;
	v62 =	vadd.s32 v3, v61  }
0x1b6: {  	[tilespmem:s17], [sflag:$0x2] =	stream.indirect_vreg.gather [hbm4b:s5+s3], $0x80, v26, vm0, $0xb8;
	[tilespmem:$0x10700] =	vst v63  }
0x1b7: {  	s20 =	simm.s32 $0x5900;
	v32 =	vperm.xlane v25, v0;
	v26 =	vadd.s32 v3, v63  }
0x1b8: {  	[tilespmem:s20], [sflag:$0x2] =	stream.indirect_vreg.gather [hbm4b:s5+s3], $0x80, v27, vm0, $0xb8;
	[tilespmem:$0x10700] =	vst v63  }
0x1b9: {  	s21 =	simm.s32 $0x5980;
	v33 =	vperm.xlane v25, v9;
	v27 =	vadd.s32 v3, v32  }
0x1ba: {  	[tilespmem:s21], [sflag:$0x2] =	stream.indirect_vreg.gather [hbm4b:s5+s3], $0x80, v62, vm0, $0xb8;
	[tilespmem:$0x10700] =	vst v63  }
0x1bb: {  	s7 =	simm.s32 $0x5A00;
	v35 =	vperm.xlane v25, v10;
	v34 =	vadd.s32 v3, v33  }
0x1bc: {  	[tilespmem:s7], [sflag:$0x2] =	stream.indirect_vreg.gather [hbm4b:s5+s3], $0x80, v26, vm0, $0xb8;
	[tilespmem:$0x10700] =	vst v63  }
0x1bd: {  	s8 =	simm.s32 $0x5A80;
	v36 =	vperm.xlane v25, v11;
	v26 =	vadd.s32 v3, v35  }
0x1be: {  	[tilespmem:s8], [sflag:$0x2] =	stream.indirect_vreg.gather [hbm4b:s5+s3], $0x80, v27, vm0, $0xb8;
	[tilespmem:$0x10700] =	vst v63  }
0x1bf: {  	s9 =	simm.s32 $0x5B00;
	v37 =	vperm.xlane v25, v13;
	v27 =	vadd.s32 v3, v36  }
0x1c0: {  	[tilespmem:s9], [sflag:$0x2] =	stream.indirect_vreg.gather [hbm4b:s5+s3], $0x80, v34, vm0, $0xb8;
	[tilespmem:$0x10700] =	vst v63  }
0x1c1: {  	s10 =	simm.s32 $0x5B80;
	v39 =	vperm.xlane v25, v14;
	v38 =	vadd.s32 v3, v37  }
0x1c2: {  	[tilespmem:s10], [sflag:$0x2] =	stream.indirect_vreg.gather [hbm4b:s5+s3], $0x80, v26, vm0, $0xb8;
	[tilespmem:$0x10700] =	vst v63  }
0x1c3: {  	v40 =	vperm.xlane v25, v15;
	s11 =	simm.s32 $0x5C00;
	v26 =	vadd.s32 v3, v39  }
0x1c4: {  	[tilespmem:s11], [sflag:$0x2] =	stream.indirect_vreg.gather [hbm4b:s5+s3], $0x80, v27, vm0, $0xb8;
	[tilespmem:$0x10700] =	vst v63  }
0x1c5: {  	v41 =	vperm.xlane v25, v16;
	s12 =	simm.s32 $0x5C80;
	v27 =	vadd.s32 v3, v40  }
0x1c6: {  	[tilespmem:s12], [sflag:$0x2] =	stream.indirect_vreg.gather [hbm4b:s5+s3], $0x80, v38, vm0, $0xb8;
	[tilespmem:$0x10700] =	vst v63  }
0x1c7: {  	v25 =	vperm.xlane v25, v17;
	v42 =	vadd.s32 v3, v41;
	s13 =	simm.s32 $0x5D00  }
0x1c8: {  	[tilespmem:s13], [sflag:$0x2] =	stream.indirect_vreg.gather [hbm4b:s5+s3], $0x80, v26, vm0, $0xb8;
	[tilespmem:$0x10700] =	vst v63  }
0x1c9: {  	v25 =	vadd.s32 v3, v25;
	s17 =	simm.s32 $0x5D80  }
0x1ca: {  	[tilespmem:s17], [sflag:$0x2] =	stream.indirect_vreg.gather [hbm4b:s5+s3], $0x80, v27, vm0, $0xb8;
	[tilespmem:$0x10700] =	vst v63  }
0x1cb: {  	s20 =	simm.s32 $0x5E00  }
0x1cc: {  	[tilespmem:s20], [sflag:$0x2] =	stream.indirect_vreg.gather [hbm4b:s5+s3], $0x80, v42, vm0, $0xb8;
	[tilespmem:$0x10700] =	vst v63  }
0x1cd: {  	s21 =	simm.s32 $0x5E80  }
0x1ce: {  	[tilespmem:s21], [sflag:$0x2] =	stream.indirect_vreg.gather [hbm4b:s5+s3], $0x80, v25, vm0, $0xb8;
	[tilespmem:$0x10700] =	vst v63  }
0x1cf: {  	v25 =	vld [tilespmem:$0xB0];
	_ =	sdelay $0x4  }
0x1d0: {  	v26 =	vshll.u32 v25, $0x5  }
0x1d1: {  	v25 =	vand.u32 $0x7, v25;
	v26 =	vand.u32 $0xFFFFFF00, v26  }
0x1d2: {  	v25 =	vor.u32 v25, v26  }
0x1d3: {  	v26 =	vperm.xlane v25, v2;
	_ =	sdelay $0x1  }
0x1d4: {  	v27 =	vperm.xlane v25, v4;
	v26 =	vadd.s32 v3, v26;
	_ =	sdelay $0x1  }
0x1d5: {  	v43 =	vperm.xlane v25, v5;
	v27 =	vadd.s32 v3, v27;
	_ =	sdelay $0x1  }
0x1d6: {  	s7 =	simm.s32 $0x5F00;
	v44 =	vperm.xlane v25, v6;
	v28 =	vadd.s32 v3, v43  }
0x1d7: {  	[tilespmem:s7], [sflag:$0x2] =	stream.indirect_vreg.gather [hbm4b:s5+s3], $0x80, v26, vm0, $0xb8;
	[tilespmem:$0x10700] =	vst v63  }
0x1d8: {  	s8 =	simm.s32 $0x5F80;
	v45 =	vperm.xlane v25, v7;
	v26 =	vadd.s32 v3, v44  }
0x1d9: {  	[tilespmem:s8], [sflag:$0x2] =	stream.indirect_vreg.gather [hbm4b:s5+s3], $0x80, v27, vm0, $0xb8;
	[tilespmem:$0x10700] =	vst v63  }
0x1da: {  	s9 =	simm.s32 $0x6000;
	v46 =	vperm.xlane v25, v1;
	v27 =	vadd.s32 v3, v45  }
0x1db: {  	[tilespmem:s9], [sflag:$0x2] =	stream.indirect_vreg.gather [hbm4b:s5+s3], $0x80, v28, vm0, $0xb8;
	[tilespmem:$0x10700] =	vst v63  }
0x1dc: {  	s10 =	simm.s32 $0x6080;
	v48 =	vperm.xlane v25, v8;
	v47 =	vadd.s32 v3, v46  }
0x1dd: {  	[tilespmem:s10], [sflag:$0x2] =	stream.indirect_vreg.gather [hbm4b:s5+s3], $0x80, v26, vm0, $0xb8;
	[tilespmem:$0x10700] =	vst v63  }
0x1de: {  	s11 =	simm.s32 $0x6100;
	v49 =	vperm.xlane v25, v0;
	v26 =	vadd.s32 v3, v48  }
0x1df: {  	[tilespmem:s11], [sflag:$0x2] =	stream.indirect_vreg.gather [hbm4b:s5+s3], $0x80, v27, vm0, $0xb8;
	[tilespmem:$0x10700] =	vst v63  }
0x1e0: {  	s12 =	simm.s32 $0x6180;
	v50 =	vperm.xlane v25, v9;
	v27 =	vadd.s32 v3, v49  }
0x1e1: {  	[tilespmem:s12], [sflag:$0x2] =	stream.indirect_vreg.gather [hbm4b:s5+s3], $0x80, v47, vm0, $0xb8;
	[tilespmem:$0x10700] =	vst v63  }
0x1e2: {  	s13 =	simm.s32 $0x6200;
	v52 =	vperm.xlane v25, v10;
	v51 =	vadd.s32 v3, v50  }
0x1e3: {  	[tilespmem:s13], [sflag:$0x2] =	stream.indirect_vreg.gather [hbm4b:s5+s3], $0x80, v26, vm0, $0xb8;
	[tilespmem:$0x10700] =	vst v63  }
0x1e4: {  	s17 =	simm.s32 $0x6280;
	v53 =	vperm.xlane v25, v11;
	v26 =	vadd.s32 v3, v52  }
0x1e5: {  	[tilespmem:s17], [sflag:$0x2] =	stream.indirect_vreg.gather [hbm4b:s5+s3], $0x80, v27, vm0, $0xb8;
	[tilespmem:$0x10700] =	vst v63  }
0x1e6: {  	s20 =	simm.s32 $0x6300;
	v54 =	vperm.xlane v25, v13;
	v27 =	vadd.s32 v3, v53  }
0x1e7: {  	[tilespmem:s20], [sflag:$0x2] =	stream.indirect_vreg.gather [hbm4b:s5+s3], $0x80, v51, vm0, $0xb8;
	[tilespmem:$0x10700] =	vst v63  }
0x1e8: {  	s21 =	simm.s32 $0x6380;
	v56 =	vperm.xlane v25, v14;
	v55 =	vadd.s32 v3, v54  }
0x1e9: {  	[tilespmem:s21], [sflag:$0x2] =	stream.indirect_vreg.gather [hbm4b:s5+s3], $0x80, v26, vm0, $0xb8;
	[tilespmem:$0x10700] =	vst v63  }
0x1ea: {  	v57 =	vperm.xlane v25, v15;
	s7 =	simm.s32 $0x6400;
	v26 =	vadd.s32 v3, v56  }
0x1eb: {  	[tilespmem:s7], [sflag:$0x2] =	stream.indirect_vreg.gather [hbm4b:s5+s3], $0x80, v27, vm0, $0xb8;
	[tilespmem:$0x10700] =	vst v63  }
0x1ec: {  	v58 =	vperm.xlane v25, v16;
	s8 =	simm.s32 $0x6480;
	v27 =	vadd.s32 v3, v57  }
0x1ed: {  	[tilespmem:s8], [sflag:$0x2] =	stream.indirect_vreg.gather [hbm4b:s5+s3], $0x80, v55, vm0, $0xb8;
	[tilespmem:$0x10700] =	vst v63  }
0x1ee: {  	v25 =	vperm.xlane v25, v17;
	v59 =	vadd.s32 v3, v58;
	s9 =	simm.s32 $0x6500  }
0x1ef: {  	[tilespmem:s9], [sflag:$0x2] =	stream.indirect_vreg.gather [hbm4b:s5+s3], $0x80, v26, vm0, $0xb8;
	[tilespmem:$0x10700] =	vst v63  }
0x1f0: {  	v25 =	vadd.s32 v3, v25;
	s10 =	simm.s32 $0x6580  }
0x1f1: {  	[tilespmem:s10], [sflag:$0x2] =	stream.indirect_vreg.gather [hbm4b:s5+s3], $0x80, v27, vm0, $0xb8;
	[tilespmem:$0x10700] =	vst v63  }
0x1f2: {  	s11 =	simm.s32 $0x6600  }
0x1f3: {  	[tilespmem:s11], [sflag:$0x2] =	stream.indirect_vreg.gather [hbm4b:s5+s3], $0x80, v59, vm0, $0xb8;
	[tilespmem:$0x10700] =	vst v63  }
0x1f4: {  	s12 =	simm.s32 $0x6680  }
0x1f5: {  	[tilespmem:s12], [sflag:$0x2] =	stream.indirect_vreg.gather [hbm4b:s5+s3], $0x80, v25, vm0, $0xb8;
	[tilespmem:$0x10700] =	vst v63  }
0x1f6: {  	v25 =	vld [tilespmem:$0xC0];
	_ =	sdelay $0x4  }
0x1f7: {  	v26 =	vshll.u32 v25, $0x5  }
0x1f8: {  	v25 =	vand.u32 $0x7, v25;
	v26 =	vand.u32 $0xFFFFFF00, v26  }
0x1f9: {  	v25 =	vor.u32 v25, v26  }
0x1fa: {  	v26 =	vperm.xlane v25, v2;
	_ =	sdelay $0x1  }
0x1fb: {  	v27 =	vperm.xlane v25, v4;
	v26 =	vadd.s32 v3, v26;
	_ =	sdelay $0x1  }
0x1fc: {  	v60 =	vperm.xlane v25, v5;
	v27 =	vadd.s32 v3, v27;
	_ =	sdelay $0x1  }
0x1fd: {  	s13 =	simm.s32 $0x6700;
	v61 =	vperm.xlane v25, v6;
	v28 =	vadd.s32 v3, v60  }
0x1fe: {  	[tilespmem:s13], [sflag:$0x2] =	stream.indirect_vreg.gather [hbm4b:s5+s3], $0x80, v26, vm0, $0xb8;
	[tilespmem:$0x10700] =	vst v63  }
0x1ff: {  	s17 =	simm.s32 $0x6780;
	v62 =	vperm.xlane v25, v7;
	v26 =	vadd.s32 v3, v61  }
0x200: {  	[tilespmem:s17], [sflag:$0x2] =	stream.indirect_vreg.gather [hbm4b:s5+s3], $0x80, v27, vm0, $0xb8;
	[tilespmem:$0x10700] =	vst v63  }
0x201: {  	s20 =	simm.s32 $0x6800;
	v63 =	vperm.xlane v25, v1;
	v27 =	vadd.s32 v3, v62  }
0x202: {  	[tilespmem:s20], [sflag:$0x2] =	stream.indirect_vreg.gather [hbm4b:s5+s3], $0x80, v28, vm0, $0xb8;
	[tilespmem:$0x10700] =	vst v63  }
0x203: {  	s21 =	simm.s32 $0x6880;
	v33 =	vperm.xlane v25, v8;
	v32 =	vadd.s32 v3, v63  }
0x204: {  	[tilespmem:s21], [sflag:$0x2] =	stream.indirect_vreg.gather [hbm4b:s5+s3], $0x80, v26, vm0, $0xb8;
	[tilespmem:$0x10700] =	vst v63  }
0x205: {  	s7 =	simm.s32 $0x6900;
	v34 =	vperm.xlane v25, v0;
	v26 =	vadd.s32 v3, v33  }
0x206: {  	[tilespmem:s7], [sflag:$0x2] =	stream.indirect_vreg.gather [hbm4b:s5+s3], $0x80, v27, vm0, $0xb8;
	[tilespmem:$0x10700] =	vst v63  }
0x207: {  	s8 =	simm.s32 $0x6980;
	v35 =	vperm.xlane v25, v9;
	v27 =	vadd.s32 v3, v34  }
0x208: {  	[tilespmem:s8], [sflag:$0x2] =	stream.indirect_vreg.gather [hbm4b:s5+s3], $0x80, v32, vm0, $0xb8;
	[tilespmem:$0x10700] =	vst v63  }
0x209: {  	s9 =	simm.s32 $0x6A00;
	v37 =	vperm.xlane v25, v10;
	v36 =	vadd.s32 v3, v35  }
0x20a: {  	[tilespmem:s9], [sflag:$0x2] =	stream.indirect_vreg.gather [hbm4b:s5+s3], $0x80, v26, vm0, $0xb8;
	[tilespmem:$0x10700] =	vst v63  }
0x20b: {  	s10 =	simm.s32 $0x6A80;
	v38 =	vperm.xlane v25, v11;
	v26 =	vadd.s32 v3, v37  }
0x20c: {  	[tilespmem:s10], [sflag:$0x2] =	stream.indirect_vreg.gather [hbm4b:s5+s3], $0x80, v27, vm0, $0xb8;
	[tilespmem:$0x10700] =	vst v63  }
0x20d: {  	s11 =	simm.s32 $0x6B00;
	v39 =	vperm.xlane v25, v13;
	v27 =	vadd.s32 v3, v38  }
0x20e: {  	[tilespmem:s11], [sflag:$0x2] =	stream.indirect_vreg.gather [hbm4b:s5+s3], $0x80, v36, vm0, $0xb8;
	[tilespmem:$0x10700] =	vst v63  }
0x20f: {  	s12 =	simm.s32 $0x6B80;
	v41 =	vperm.xlane v25, v14;
	v40 =	vadd.s32 v3, v39  }
0x210: {  	[tilespmem:s12], [sflag:$0x2] =	stream.indirect_vreg.gather [hbm4b:s5+s3], $0x80, v26, vm0, $0xb8;
	[tilespmem:$0x10700] =	vst v63  }
0x211: {  	v42 =	vperm.xlane v25, v15;
	s13 =	simm.s32 $0x6C00;
	v26 =	vadd.s32 v3, v41  }
0x212: {  	[tilespmem:s13], [sflag:$0x2] =	stream.indirect_vreg.gather [hbm4b:s5+s3], $0x80, v27, vm0, $0xb8;
	[tilespmem:$0x10700] =	vst v63  }
0x213: {  	v43 =	vperm.xlane v25, v16;
	s17 =	simm.s32 $0x6C80;
	v27 =	vadd.s32 v3, v42  }
0x214: {  	[tilespmem:s17], [sflag:$0x2] =	stream.indirect_vreg.gather [hbm4b:s5+s3], $0x80, v40, vm0, $0xb8;
	[tilespmem:$0x10700] =	vst v63  }
0x215: {  	v25 =	vperm.xlane v25, v17;
	v44 =	vadd.s32 v3, v43;
	s20 =	simm.s32 $0x6D00  }
0x216: {  	[tilespmem:s20], [sflag:$0x2] =	stream.indirect_vreg.gather [hbm4b:s5+s3], $0x80, v26, vm0, $0xb8;
	[tilespmem:$0x10700] =	vst v63  }
0x217: {  	v25 =	vadd.s32 v3, v25;
	s21 =	simm.s32 $0x6D80  }
0x218: {  	[tilespmem:s21], [sflag:$0x2] =	stream.indirect_vreg.gather [hbm4b:s5+s3], $0x80, v27, vm0, $0xb8;
	[tilespmem:$0x10700] =	vst v63  }
0x219: {  	s7 =	simm.s32 $0x6E00  }
0x21a: {  	[tilespmem:s7], [sflag:$0x2] =	stream.indirect_vreg.gather [hbm4b:s5+s3], $0x80, v44, vm0, $0xb8;
	[tilespmem:$0x10700] =	vst v63  }
0x21b: {  	s8 =	simm.s32 $0x6E80  }
0x21c: {  	[tilespmem:s8], [sflag:$0x2] =	stream.indirect_vreg.gather [hbm4b:s5+s3], $0x80, v25, vm0, $0xb8;
	[tilespmem:$0x10700] =	vst v63  }
0x21d: {  	v25 =	vld [tilespmem:$0xD0];
	_ =	sdelay $0x4  }
0x21e: {  	v26 =	vshll.u32 v25, $0x5  }
0x21f: {  	v25 =	vand.u32 $0x7, v25;
	v26 =	vand.u32 $0xFFFFFF00, v26  }
0x220: {  	v25 =	vor.u32 v25, v26  }
0x221: {  	v26 =	vperm.xlane v25, v2;
	_ =	sdelay $0x1  }
0x222: {  	v27 =	vperm.xlane v25, v4;
	v26 =	vadd.s32 v3, v26;
	_ =	sdelay $0x1  }
0x223: {  	v45 =	vperm.xlane v25, v5;
	v27 =	vadd.s32 v3, v27;
	_ =	sdelay $0x1  }
0x224: {  	s9 =	simm.s32 $0x6F00;
	v46 =	vperm.xlane v25, v6;
	v28 =	vadd.s32 v3, v45  }
0x225: {  	[tilespmem:s9], [sflag:$0x2] =	stream.indirect_vreg.gather [hbm4b:s5+s3], $0x80, v26, vm0, $0xb8;
	[tilespmem:$0x10700] =	vst v63  }
0x226: {  	s10 =	simm.s32 $0x6F80;
	v47 =	vperm.xlane v25, v7;
	v26 =	vadd.s32 v3, v46  }
0x227: {  	[tilespmem:s10], [sflag:$0x2] =	stream.indirect_vreg.gather [hbm4b:s5+s3], $0x80, v27, vm0, $0xb8;
	[tilespmem:$0x10700] =	vst v63  }
0x228: {  	s11 =	simm.s32 $0x7000;
	v48 =	vperm.xlane v25, v1;
	v27 =	vadd.s32 v3, v47  }
0x229: {  	[tilespmem:s11], [sflag:$0x2] =	stream.indirect_vreg.gather [hbm4b:s5+s3], $0x80, v28, vm0, $0xb8;
	[tilespmem:$0x10700] =	vst v63  }
0x22a: {  	s12 =	simm.s32 $0x7080;
	v50 =	vperm.xlane v25, v8;
	v49 =	vadd.s32 v3, v48  }
0x22b: {  	[tilespmem:s12], [sflag:$0x2] =	stream.indirect_vreg.gather [hbm4b:s5+s3], $0x80, v26, vm0, $0xb8;
	[tilespmem:$0x10700] =	vst v63  }
0x22c: {  	s13 =	simm.s32 $0x7100;
	v51 =	vperm.xlane v25, v0;
	v26 =	vadd.s32 v3, v50  }
0x22d: {  	[tilespmem:s13], [sflag:$0x2] =	stream.indirect_vreg.gather [hbm4b:s5+s3], $0x80, v27, vm0, $0xb8;
	[tilespmem:$0x10700] =	vst v63  }
0x22e: {  	s17 =	simm.s32 $0x7180;
	v52 =	vperm.xlane v25, v9;
	v27 =	vadd.s32 v3, v51  }
0x22f: {  	[tilespmem:s17], [sflag:$0x2] =	stream.indirect_vreg.gather [hbm4b:s5+s3], $0x80, v49, vm0, $0xb8;
	[tilespmem:$0x10700] =	vst v63  }
0x230: {  	s20 =	simm.s32 $0x7200;
	v54 =	vperm.xlane v25, v10;
	v53 =	vadd.s32 v3, v52  }
0x231: {  	[tilespmem:s20], [sflag:$0x2] =	stream.indirect_vreg.gather [hbm4b:s5+s3], $0x80, v26, vm0, $0xb8;
	[tilespmem:$0x10700] =	vst v63  }
0x232: {  	s21 =	simm.s32 $0x7280;
	v55 =	vperm.xlane v25, v11;
	v26 =	vadd.s32 v3, v54  }
0x233: {  	[tilespmem:s21], [sflag:$0x2] =	stream.indirect_vreg.gather [hbm4b:s5+s3], $0x80, v27, vm0, $0xb8;
	[tilespmem:$0x10700] =	vst v63  }
0x234: {  	s7 =	simm.s32 $0x7300;
	v56 =	vperm.xlane v25, v13;
	v27 =	vadd.s32 v3, v55  }
0x235: {  	[tilespmem:s7], [sflag:$0x2] =	stream.indirect_vreg.gather [hbm4b:s5+s3], $0x80, v53, vm0, $0xb8;
	[tilespmem:$0x10700] =	vst v63  }
0x236: {  	s8 =	simm.s32 $0x7380;
	v58 =	vperm.xlane v25, v14;
	v57 =	vadd.s32 v3, v56  }
0x237: {  	[tilespmem:s8], [sflag:$0x2] =	stream.indirect_vreg.gather [hbm4b:s5+s3], $0x80, v26, vm0, $0xb8;
	[tilespmem:$0x10700] =	vst v63  }
0x238: {  	v59 =	vperm.xlane v25, v15;
	s9 =	simm.s32 $0x7400;
	v26 =	vadd.s32 v3, v58  }
0x239: {  	[tilespmem:s9], [sflag:$0x2] =	stream.indirect_vreg.gather [hbm4b:s5+s3], $0x80, v27, vm0, $0xb8;
	[tilespmem:$0x10700] =	vst v63  }
0x23a: {  	v60 =	vperm.xlane v25, v16;
	s10 =	simm.s32 $0x7480;
	v27 =	vadd.s32 v3, v59  }
0x23b: {  	[tilespmem:s10], [sflag:$0x2] =	stream.indirect_vreg.gather [hbm4b:s5+s3], $0x80, v57, vm0, $0xb8;
	[tilespmem:$0x10700] =	vst v63  }
0x23c: {  	v25 =	vperm.xlane v25, v17;
	v61 =	vadd.s32 v3, v60;
	s11 =	simm.s32 $0x7500  }
0x23d: {  	[tilespmem:s11], [sflag:$0x2] =	stream.indirect_vreg.gather [hbm4b:s5+s3], $0x80, v26, vm0, $0xb8;
	[tilespmem:$0x10700] =	vst v63  }
0x23e: {  	v25 =	vadd.s32 v3, v25;
	s12 =	simm.s32 $0x7580  }
0x23f: {  	[tilespmem:s12], [sflag:$0x2] =	stream.indirect_vreg.gather [hbm4b:s5+s3], $0x80, v27, vm0, $0xb8;
	[tilespmem:$0x10700] =	vst v63  }
0x240: {  	s13 =	simm.s32 $0x7600  }
0x241: {  	[tilespmem:s13], [sflag:$0x2] =	stream.indirect_vreg.gather [hbm4b:s5+s3], $0x80, v61, vm0, $0xb8;
	[tilespmem:$0x10700] =	vst v63  }
0x242: {  	s17 =	simm.s32 $0x7680  }
0x243: {  	[tilespmem:s17], [sflag:$0x2] =	stream.indirect_vreg.gather [hbm4b:s5+s3], $0x80, v25, vm0, $0xb8;
	[tilespmem:$0x10700] =	vst v63  }
0x244: {  	v25 =	vld [tilespmem:$0xE0];
	_ =	sdelay $0x4  }
0x245: {  	v26 =	vshll.u32 v25, $0x5  }
0x246: {  	v25 =	vand.u32 $0x7, v25;
	v26 =	vand.u32 $0xFFFFFF00, v26  }
0x247: {  	v25 =	vor.u32 v25, v26  }
0x248: {  	v26 =	vperm.xlane v25, v2;
	_ =	sdelay $0x1  }
0x249: {  	v27 =	vperm.xlane v25, v4;
	v26 =	vadd.s32 v3, v26;
	_ =	sdelay $0x1  }
0x24a: {  	v62 =	vperm.xlane v25, v5;
	v27 =	vadd.s32 v3, v27;
	_ =	sdelay $0x1  }
0x24b: {  	s20 =	simm.s32 $0x7700;
	v63 =	vperm.xlane v25, v6;
	v28 =	vadd.s32 v3, v62  }
0x24c: {  	[tilespmem:s20], [sflag:$0x2] =	stream.indirect_vreg.gather [hbm4b:s5+s3], $0x80, v26, vm0, $0xb8;
	[tilespmem:$0x10700] =	vst v63  }
0x24d: {  	s21 =	simm.s32 $0x7780;
	v32 =	vperm.xlane v25, v7;
	v26 =	vadd.s32 v3, v63  }
0x24e: {  	[tilespmem:s21], [sflag:$0x2] =	stream.indirect_vreg.gather [hbm4b:s5+s3], $0x80, v27, vm0, $0xb8;
	[tilespmem:$0x10700] =	vst v63  }
0x24f: {  	s7 =	simm.s32 $0x7800;
	v33 =	vperm.xlane v25, v1;
	v27 =	vadd.s32 v3, v32  }
0x250: {  	[tilespmem:s7], [sflag:$0x2] =	stream.indirect_vreg.gather [hbm4b:s5+s3], $0x80, v28, vm0, $0xb8;
	[tilespmem:$0x10700] =	vst v63  }
0x251: {  	s8 =	simm.s32 $0x7880;
	v35 =	vperm.xlane v25, v8;
	v34 =	vadd.s32 v3, v33  }
0x252: {  	[tilespmem:s8], [sflag:$0x2] =	stream.indirect_vreg.gather [hbm4b:s5+s3], $0x80, v26, vm0, $0xb8;
	[tilespmem:$0x10700] =	vst v63  }
0x253: {  	s9 =	simm.s32 $0x7900;
	v36 =	vperm.xlane v25, v0;
	v26 =	vadd.s32 v3, v35  }
0x254: {  	[tilespmem:s9], [sflag:$0x2] =	stream.indirect_vreg.gather [hbm4b:s5+s3], $0x80, v27, vm0, $0xb8;
	[tilespmem:$0x10700] =	vst v63  }
0x255: {  	s10 =	simm.s32 $0x7980;
	v37 =	vperm.xlane v25, v9;
	v27 =	vadd.s32 v3, v36  }
0x256: {  	[tilespmem:s10], [sflag:$0x2] =	stream.indirect_vreg.gather [hbm4b:s5+s3], $0x80, v34, vm0, $0xb8;
	[tilespmem:$0x10700] =	vst v63  }
0x257: {  	s11 =	simm.s32 $0x7A00;
	v39 =	vperm.xlane v25, v10;
	v38 =	vadd.s32 v3, v37  }
0x258: {  	[tilespmem:s11], [sflag:$0x2] =	stream.indirect_vreg.gather [hbm4b:s5+s3], $0x80, v26, vm0, $0xb8;
	[tilespmem:$0x10700] =	vst v63  }
0x259: {  	s12 =	simm.s32 $0x7A80;
	v40 =	vperm.xlane v25, v11;
	v26 =	vadd.s32 v3, v39  }
0x25a: {  	[tilespmem:s12], [sflag:$0x2] =	stream.indirect_vreg.gather [hbm4b:s5+s3], $0x80, v27, vm0, $0xb8;
	[tilespmem:$0x10700] =	vst v63  }
0x25b: {  	s13 =	simm.s32 $0x7B00;
	v41 =	vperm.xlane v25, v13;
	v27 =	vadd.s32 v3, v40  }
0x25c: {  	[tilespmem:s13], [sflag:$0x2] =	stream.indirect_vreg.gather [hbm4b:s5+s3], $0x80, v38, vm0, $0xb8;
	[tilespmem:$0x10700] =	vst v63  }
0x25d: {  	s17 =	simm.s32 $0x7B80;
	v43 =	vperm.xlane v25, v14;
	v42 =	vadd.s32 v3, v41  }
0x25e: {  	[tilespmem:s17], [sflag:$0x2] =	stream.indirect_vreg.gather [hbm4b:s5+s3], $0x80, v26, vm0, $0xb8;
	[tilespmem:$0x10700] =	vst v63  }
0x25f: {  	v44 =	vperm.xlane v25, v15;
	s20 =	simm.s32 $0x7C00;
	v26 =	vadd.s32 v3, v43  }
0x260: {  	[tilespmem:s20], [sflag:$0x2] =	stream.indirect_vreg.gather [hbm4b:s5+s3], $0x80, v27, vm0, $0xb8;
	[tilespmem:$0x10700] =	vst v63  }
0x261: {  	v45 =	vperm.xlane v25, v16;
	s21 =	simm.s32 $0x7C80;
	v27 =	vadd.s32 v3, v44  }
0x262: {  	[tilespmem:s21], [sflag:$0x2] =	stream.indirect_vreg.gather [hbm4b:s5+s3], $0x80, v42, vm0, $0xb8;
	[tilespmem:$0x10700] =	vst v63  }
0x263: {  	v25 =	vperm.xlane v25, v17;
	v46 =	vadd.s32 v3, v45;
	s7 =	simm.s32 $0x7D00  }
0x264: {  	[tilespmem:s7], [sflag:$0x2] =	stream.indirect_vreg.gather [hbm4b:s5+s3], $0x80, v26, vm0, $0xb8;
	[tilespmem:$0x10700] =	vst v63  }
0x265: {  	v25 =	vadd.s32 v3, v25;
	s8 =	simm.s32 $0x7D80  }
0x266: {  	[tilespmem:s8], [sflag:$0x2] =	stream.indirect_vreg.gather [hbm4b:s5+s3], $0x80, v27, vm0, $0xb8;
	[tilespmem:$0x10700] =	vst v63  }
0x267: {  	s9 =	simm.s32 $0x7E00  }
0x268: {  	[tilespmem:s9], [sflag:$0x2] =	stream.indirect_vreg.gather [hbm4b:s5+s3], $0x80, v46, vm0, $0xb8;
	[tilespmem:$0x10700] =	vst v63  }
0x269: {  	s10 =	simm.s32 $0x7E80  }
0x26a: {  	[tilespmem:s10], [sflag:$0x2] =	stream.indirect_vreg.gather [hbm4b:s5+s3], $0x80, v25, vm0, $0xb8;
	[tilespmem:$0x10700] =	vst v63  }
0x26b: {  	v25 =	vld [tilespmem:$0xF0];
	_ =	sdelay $0x4  }
0x26c: {  	v26 =	vshll.u32 v25, $0x5  }
0x26d: {  	v25 =	vand.u32 $0x7, v25;
	v26 =	vand.u32 $0xFFFFFF00, v26  }
0x26e: {  	v25 =	vor.u32 v25, v26  }
0x26f: {  	v26 =	vperm.xlane v25, v2;
	_ =	sdelay $0x1  }
0x270: {  	v27 =	vperm.xlane v25, v4;
	v26 =	vadd.s32 v3, v26;
	_ =	sdelay $0x1  }
0x271: {  	v47 =	vperm.xlane v25, v5;
	v27 =	vadd.s32 v3, v27;
	_ =	sdelay $0x1  }
0x272: {  	s11 =	simm.s32 $0x7F00;
	v48 =	vperm.xlane v25, v6;
	v28 =	vadd.s32 v3, v47  }
0x273: {  	[tilespmem:s11], [sflag:$0x2] =	stream.indirect_vreg.gather [hbm4b:s5+s3], $0x80, v26, vm0, $0xb8;
	[tilespmem:$0x10700] =	vst v63  }
0x274: {  	s12 =	simm.s32 $0x7F80;
	v49 =	vperm.xlane v25, v7;
	v26 =	vadd.s32 v3, v48  }
0x275: {  	[tilespmem:s12], [sflag:$0x2] =	stream.indirect_vreg.gather [hbm4b:s5+s3], $0x80, v27, vm0, $0xb8;
	[tilespmem:$0x10700] =	vst v63  }
0x276: {  	s13 =	simm.s32 $0x8000;
	v50 =	vperm.xlane v25, v1;
	v27 =	vadd.s32 v3, v49  }
0x277: {  	[tilespmem:s13], [sflag:$0x2] =	stream.indirect_vreg.gather [hbm4b:s5+s3], $0x80, v28, vm0, $0xb8;
	[tilespmem:$0x10700] =	vst v63  }
0x278: {  	v52 =	vperm.xlane v25, v8;
	v51 =	vadd.s32 v3, v50  }
0x279: {  	[tilespmem:s0], [sflag:$0x2] =	stream.indirect_vreg.gather [hbm4b:s5+s3], $0x80, v26, vm0, $0xb8;
	[tilespmem:$0x10700] =	vst v63  }
0x27a: {  	v53 =	vperm.xlane v25, v0;
	v26 =	vadd.s32 v3, v52  }
0x27b: {  	[tilespmem:s2], [sflag:$0x2] =	stream.indirect_vreg.gather [hbm4b:s5+s3], $0x80, v27, vm0, $0xb8;
	[tilespmem:$0x10700] =	vst v63  }
0x27c: {  	v54 =	vperm.xlane v25, v9;
	v27 =	vadd.s32 v3, v53  }
0x27d: {  	[tilespmem:s31], [sflag:$0x2] =	stream.indirect_vreg.gather [hbm4b:s5+s3], $0x80, v51, vm0, $0xb8;
	[tilespmem:$0x10700] =	vst v63  }
0x27e: {  	s17 =	simm.s32 $0x8200;
	v56 =	vperm.xlane v25, v10;
	v55 =	vadd.s32 v3, v54  }
0x27f: {  	[tilespmem:s17], [sflag:$0x2] =	stream.indirect_vreg.gather [hbm4b:s5+s3], $0x80, v26, vm0, $0xb8;
	[tilespmem:$0x10700] =	vst v63  }
0x280: {  	v57 =	vperm.xlane v25, v11;
	v26 =	vadd.s32 v3, v56  }
0x281: {  	[tilespmem:s23], [sflag:$0x2] =	stream.indirect_vreg.gather [hbm4b:s5+s3], $0x80, v27, vm0, $0xb8;
	[tilespmem:$0x10700] =	vst v63  }
0x282: {  	v58 =	vperm.xlane v25, v13;
	v27 =	vadd.s32 v3, v57  }
0x283: {  	[tilespmem:s29], [sflag:$0x2] =	stream.indirect_vreg.gather [hbm4b:s5+s3], $0x80, v55, vm0, $0xb8;
	[tilespmem:$0x10700] =	vst v63  }
0x284: {  	v60 =	vperm.xlane v25, v14;
	v59 =	vadd.s32 v3, v58  }
0x285: {  	[tilespmem:s30], [sflag:$0x2] =	stream.indirect_vreg.gather [hbm4b:s5+s3], $0x80, v26, vm0, $0xb8;
	[tilespmem:$0x10700] =	vst v63  }
0x286: {  	v61 =	vperm.xlane v25, v15;
	v26 =	vadd.s32 v3, v60  }
0x287: {  	[tilespmem:s28], [sflag:$0x2] =	stream.indirect_vreg.gather [hbm4b:s5+s3], $0x80, v27, vm0, $0xb8;
	[tilespmem:$0x10700] =	vst v63  }
0x288: {  	v27 =	vadd.s32 v3, v61  }
0x289: {  	v62 =	vperm.xlane v25, v16;
	[tilespmem:s25], [sflag:$0x2] =	stream.indirect_vreg.gather [hbm4b:s5+s3], $0x80, v59, vm0, $0xb8;
	[tilespmem:$0x10700] =	vst v63  }
0x28a: {  	_ = 	snop  }
0x28b: {  	v25 =	vperm.xlane v25, v17;
	v63 =	vadd.s32 v3, v62;
	[tilespmem:s24], [sflag:$0x2] =	stream.indirect_vreg.gather [hbm4b:s5+s3], $0x80, v26, vm0, $0xb8;
	[tilespmem:$0x10700] =	vst v63  }
0x28c: {  	s20 =	simm.s32 $0x8580  }
0x28d: {  	v25 =	vadd.s32 v3, v25;
	[tilespmem:s20], [sflag:$0x2] =	stream.indirect_vreg.gather [hbm4b:s5+s3], $0x80, v27, vm0, $0xb8;
	[tilespmem:$0x10700] =	vst v63  }
.Ltmp2:
0x28e: {  	_ = 	snop;
	(pc) =	sbr.rel .LBB2_2-.Ltmp2, $4  }
0x28f: {  	s4 =	simm.s32 $0x0;
	s21 =	simm.s32 $0x8680;
	s7 =	simm.s32 $0x0  }
0x290: {  	[tilespmem:s22], [sflag:$0x2] =	stream.indirect_vreg.gather [hbm4b:s5+s3], $0x80, v63, vm0, $0xb8;
	[tilespmem:$0x10700] =	vst v63  }
0x291: {  	s8 =	simm.s32 $0x0;
	s9 =	simm.s32 $0x2;
	s10 =	simm.s32 $0x0  }
0x292: {  	[tilespmem:s21], [sflag:$0x2] =	stream.indirect_vreg.gather [hbm4b:s5+s3], $0x80, v25, vm0, $0xb8;
	[tilespmem:$0x10700] =	vst v63  }
.LBB2_10:
0x293: {  	s4 =	sadd.s32 $0x1, s4  }
0x294: {  	p2 =	sne.s32 s4, $0x15  }
.Ltmp3:
0x295: {  	_ = 	snop;
	(pc) =	sbr.rel @!p2 .LBB2_11-.Ltmp3, $4  }
0x296: {  	s10 =	sadd.s32 $0x1, s10;
	s11 =	simm.s32 $0x1;
	s9 =	sadd.s32 $0x1, s9  }
0x297: {  	s12 =	simm.s32 $0x1;
	p0 =	seq.s32 s10, $0xE;
	p1 =	seq.s32 s9, $0xE  }
0x298: {  	s11 =	simm.s32 @!p0 $0x0;
	s12 =	simm.s32 @!p1 $0x0;
	s10 =	simm.s32 @p0 $0x0  }
0x299: {  	s9 =	simm.s32 @p1 $0x0;
	s8 =	sadd.s32 s11, s8;
	s7 =	sadd.s32 s12, s7  }
.LBB2_2:
0x29a: {  	_ =	swait.ge [sflag:s19], $0x4000  }
0x29b: {  	p0 =	seq.s32 s4, $0x0;
	s11 =	simm.s32 $0x1;
	[sflag:s19] =	ssyncset.done $0x0  }
0x29c: {  	s13 =	simm.s32 $0x0;
	s12 =	simm.s32 @!p0 $0x3;
	v25 =	vmov s11;
	[sflag:s19] =	ssyncadd.s32 $0xFFFFC000  }
0x29d: {  	v26 =	vmov s13;
	v25 =	vand.u32 $0x7F, v25;
	_ =	swait.ge @!p0 [sflag:s12], $0x4000  }
0x29e: {  	v26 =	vand.u32 $0x7E, v26;
	v30 =	vbroadcast v25, $0x0;
	[sflag:s12] =	ssyncset.done @!p0 $0x0  }
0x29f: {  	s13 =	simm.s32 $0x780;
	v32 =	vbroadcast v26, $0x0;
	[sflag:s12] =	ssyncadd.s32 @!p0 $0xFFFFC000  }
0x2a0: {  	v26 =	vor.u32 v12, v30;
	v25 =	vld [tilespmem:s13+$0x0]  }
0x2a1: {  	v28 =	vor.u32 v12, v32;
	v27 =	vld [tilespmem:s13+$0xFFFFFF80];
	_ =	sdelay $0x3  }
0x2a2: {  	[tilespmem:v26+s18+$0x0] =	vst.idx.msk $0xffff, v25  }
0x2a3: {  	[tilespmem:v28+s18+$0x0] =	vst.idx.msk $0xffff, v27;
	v26 =	vor.u32 v18, v30;
	v25 =	vld [tilespmem:s13+$0x10]  }
0x2a4: {  	v28 =	vor.u32 v18, v32;
	v27 =	vld [tilespmem:s13+$0xFFFFFF90];
	_ =	sdelay $0x3  }
0x2a5: {  	s17 =	simm.s32 $0x3;
	[tilespmem:v26+s18+$0x0] =	vst.idx.msk $0xffff, v25  }
0x2a6: {  	s20 =	simm.s32 $0x2;
	v25 =	vmov s17;
	[tilespmem:v28+s18+$0x0] =	vst.idx.msk $0xffff, v27;
	v28 =	vor.u32 v19, v30;
	v27 =	vld [tilespmem:s13+$0x20]  }
0x2a7: {  	v31 =	vor.u32 v19, v32;
	v26 =	vmov s20;
	v25 =	vand.u32 $0x7F, v25;
	v29 =	vld [tilespmem:s13+$0xFFFFFFA0]  }
0x2a8: {  	v33 =	vand.u32 $0x7E, v26;
	v26 =	vbroadcast v25, $0x0  }
0x2a9: {  	s11 =	simm.s32 $0x880;
	v25 =	vbroadcast v33, $0x0  }
0x2aa: {  	v51 =	vld [tilespmem:s11+$0x0];
	v34 =	vor.u32 v12, v26  }
0x2ab: {  	v35 =	vld [tilespmem:s11+$0xFFFFFF80];
	v36 =	vor.u32 v12, v25;
	[tilespmem:v28+s18+$0x0] =	vst.idx.msk $0xffff, v27  }
0x2ac: {  	[tilespmem:v31+s18+$0x0] =	vst.idx.msk $0xffff, v29;
	v28 =	vor.u32 v20, v30;
	v27 =	vld [tilespmem:s13+$0x30]  }
0x2ad: {  	v31 =	vor.u32 v20, v32;
	v29 =	vld [tilespmem:s13+$0xFFFFFFB0];
	_ =	sdelay $0x1  }
0x2ae: {  	[tilespmem:v34+s18+$0x0] =	vst.idx.msk $0xffff, v51  }
0x2af: {  	v52 =	vor.u32 v18, v26;
	[tilespmem:v36+s18+$0x0] =	vst.idx.msk $0xffff, v35;
	v33 =	vld [tilespmem:s11+$0x10]  }
0x2b0: {  	v53 =	vor.u32 v18, v25;
	v35 =	vld [tilespmem:s11+$0xFFFFFF90];
	[tilespmem:v28+s18+$0x0] =	vst.idx.msk $0xffff, v27  }
0x2b1: {  	[tilespmem:v31+s18+$0x0] =	vst.idx.msk $0xffff, v29;
	v28 =	vor.u32 v21, v30;
	v27 =	vld [tilespmem:s13+$0x40]  }
0x2b2: {  	v31 =	vor.u32 v21, v32;
	v29 =	vld [tilespmem:s13+$0xFFFFFFC0];
	_ =	sdelay $0x1  }
0x2b3: {  	s21 =	simm.s32 $0x5;
	[tilespmem:v52+s18+$0x0] =	vst.idx.msk $0xffff, v33  }
0x2b4: {  	v54 =	vmov s21;
	s17 =	simm.s32 $0x4;
	v55 =	vor.u32 v19, v26;
	[tilespmem:v53+s18+$0x0] =	vst.idx.msk $0xffff, v35;
	v34 =	vld [tilespmem:s11+$0x20]  }
0x2b5: {  	v56 =	vmov s17;
	v38 =	vor.u32 v19, v25;
	v33 =	vand.u32 $0x7F, v54;
	v37 =	vld [tilespmem:s11+$0xFFFFFFA0];
	[tilespmem:v28+s18+$0x0] =	vst.idx.msk $0xffff, v27  }
0x2b6: {  	v28 =	vand.u32 $0x7E, v56;
	v27 =	vbroadcast v33, $0x0;
	[tilespmem:v31+s18+$0x0] =	vst.idx.msk $0xffff, v29;
	v31 =	vor.u32 v22, v30;
	v29 =	vld [tilespmem:s13+$0x50]  }
0x2b7: {  	s12 =	simm.s32 $0x980;
	v58 =	vor.u32 v22, v32;
	v28 =	vbroadcast v28, $0x0;
	v57 =	vld [tilespmem:s13+$0xFFFFFFD0]  }
0x2b8: {  	v39 =	vld [tilespmem:s12+$0x0];
	v40 =	vor.u32 v12, v27  }
0x2b9: {  	v41 =	vld [tilespmem:s12+$0xFFFFFF80];
	v42 =	vor.u32 v12, v28;
	[tilespmem:v55+s18+$0x0] =	vst.idx.msk $0xffff, v34  }
0x2ba: {  	v59 =	vor.u32 v20, v26;
	[tilespmem:v38+s18+$0x0] =	vst.idx.msk $0xffff, v37;
	v34 =	vld [tilespmem:s11+$0x30]  }
0x2bb: {  	v43 =	vor.u32 v20, v25;
	v38 =	vld [tilespmem:s11+$0xFFFFFFB0];
	[tilespmem:v31+s18+$0x0] =	vst.idx.msk $0xffff, v29  }
0x2bc: {  	[tilespmem:v58+s18+$0x0] =	vst.idx.msk $0xffff, v57  }
0x2bd: {  	v31 =	vor.u32 v23, v30;
	v29 =	vld [tilespmem:s13+$0x60];
	[tilespmem:v40+s18+$0x0] =	vst.idx.msk $0xffff, v39  }
0x2be: {  	v61 =	vor.u32 v23, v32;
	v60 =	vld [tilespmem:s13+$0xFFFFFFE0];
	[tilespmem:v42+s18+$0x0] =	vst.idx.msk $0xffff, v41  }
0x2bf: {  	v63 =	vor.u32 v18, v27;
	v62 =	vld [tilespmem:s12+$0x10];
	[tilespmem:v59+s18+$0x0] =	vst.idx.msk $0xffff, v34  }
0x2c0: {  	v37 =	vld [tilespmem:s12+$0xFFFFFF90];
	[tilespmem:v43+s18+$0x0] =	vst.idx.msk $0xffff, v38;
	v38 =	vor.u32 v18, v28  }
0x2c1: {  	v36 =	vor.u32 v21, v26;
	v34 =	vld [tilespmem:s11+$0x40]  }
0x2c2: {  	v35 =	vor.u32 v21, v25;
	v33 =	vld [tilespmem:s11+$0xFFFFFFC0];
	[tilespmem:v31+s18+$0x0] =	vst.idx.msk $0xffff, v29  }
0x2c3: {  	v30 =	vor.u32 v24, v30;
	[tilespmem:v61+s18+$0x0] =	vst.idx.msk $0xffff, v60;
	v29 =	vld [tilespmem:s13+$0x70]  }
0x2c4: {  	s21 =	simm.s32 $0x7;
	s20 =	simm.s32 $0x8;
	s17 =	simm.s32 $0x6;
	v32 =	vor.u32 v24, v32;
	[tilespmem:v63+s18+$0x0] =	vst.idx.msk $0xffff, v62;
	v31 =	vld [tilespmem:s13+$0xFFFFFFF0]  }
.LBB2_3:
0x2c5: {  	p1 =	slt.u32 s20, $0x7E;
	v39 =	vmov s21;
	[tilespmem:v38+s18+$0x0] =	vst.idx.msk $0xffff, v37;
	v37 =	vld [tilespmem:s12+$0x20];
	v38 =	vor.u32 v19, v27;
	s13 =	smov.u32 s12  }
0x2c6: {  	v40 =	vmov s17;
	v42 =	vor.u32 v19, v28;
	s17 =	smov.u32 s20;
	v39 =	vand.u32 $0x7F, v39;
	v41 =	vld [tilespmem:s12+$0xFFFFFFA0];
	[tilespmem:v36+s18+$0x0] =	vst.idx.msk $0xffff, v34  }
0x2c7: {  	v34 =	vand.u32 $0x7E, v40;
	v39 =	vbroadcast v39, $0x0;
	[tilespmem:v35+s18+$0x0] =	vst.idx.msk $0xffff, v33;
	v33 =	vld [tilespmem:s11+$0x50];
	v35 =	vor.u32 v22, v26  }
0x2c8: {  	s12 =	sadd.s32 $0x100, s12;
	v36 =	vor.u32 v22, v25;
	v40 =	vbroadcast v34, $0x0;
	v34 =	vld [tilespmem:s11+$0xFFFFFFD0];
	[tilespmem:v30+s18+$0x0] =	vst.idx.msk $0xffff, v29  }
0x2c9: {  	v29 =	vld [tilespmem:s12+$0x0];
	v30 =	vor.u32 v12, v39;
	[tilespmem:v32+s18+$0x0] =	vst.idx.msk $0xffff, v31  }
0x2ca: {  	v32 =	vor.u32 v12, v40;
	v31 =	vld [tilespmem:s12+$0xFFFFFF80];
	[tilespmem:v38+s18+$0x0] =	vst.idx.msk $0xffff, v37  }
0x2cb: {  	[tilespmem:v42+s18+$0x0] =	vst.idx.msk $0xffff, v41;
	v41 =	vld [tilespmem:s13+$0x30];
	v42 =	vor.u32 v20, v27  }
0x2cc: {  	v44 =	vor.u32 v20, v28;
	v43 =	vld [tilespmem:s13+$0xFFFFFFB0];
	[tilespmem:v35+s18+$0x0] =	vst.idx.msk $0xffff, v33  }
0x2cd: {  	v46 =	vor.u32 v23, v26;
	[tilespmem:v36+s18+$0x0] =	vst.idx.msk $0xffff, v34;
	v45 =	vld [tilespmem:s11+$0x60]  }
0x2ce: {  	[tilespmem:v30+s18+$0x0] =	vst.idx.msk $0xffff, v29;
	v29 =	vld [tilespmem:s11+$0xFFFFFFE0];
	v30 =	vor.u32 v23, v25  }
0x2cf: {  	[tilespmem:v32+s18+$0x0] =	vst.idx.msk $0xffff, v31;
	v31 =	vld [tilespmem:s12+$0x10];
	v32 =	vor.u32 v18, v39  }
.Ltmp4:
0x2d0: {  	v38 =	vor.u32 v18, v40;
	v37 =	vld [tilespmem:s12+$0xFFFFFF90];
	[tilespmem:v42+s18+$0x0] =	vst.idx.msk $0xffff, v41;
	(pc) =	sbr.rel @p1 .LBB2_3-.Ltmp4, $4  }
0x2d1: {  	v36 =	vor.u32 v21, v27;
	[tilespmem:v44+s18+$0x0] =	vst.idx.msk $0xffff, v43;
	v34 =	vld [tilespmem:s13+$0x40]  }
0x2d2: {  	v35 =	vor.u32 v21, v28;
	v33 =	vld [tilespmem:s13+$0xFFFFFFC0];
	[tilespmem:v46+s18+$0x0] =	vst.idx.msk $0xffff, v45  }
0x2d3: {  	[tilespmem:v30+s18+$0x0] =	vst.idx.msk $0xffff, v29;
	v29 =	vld [tilespmem:s11+$0x70];
	v30 =	vor.u32 v24, v26;
	v26 =	vmov v27;
	v27 =	vmov v39  }
0x2d4: {  	s20 =	sadd.s32 $0x2, s20;
	s21 =	sadd.s32 $0x1, s17;
	[tilespmem:v32+s18+$0x0] =	vst.idx.msk $0xffff, v31;
	v31 =	vld [tilespmem:s11+$0xFFFFFFF0];
	v32 =	vor.u32 v24, v25;
	v25 =	vmov v28;
	v28 =	vmov v40;
	s11 =	smov.u32 s13  }
0x2d5: {  	v39 =	vmov s21  }
0x2d6: {  	v40 =	vmov s17;
	v39 =	vand.u32 $0x7F, v39  }
0x2d7: {  	v40 =	vand.u32 $0x7E, v40;
	v39 =	vbroadcast v39, $0x0  }
0x2d8: {  	s13 =	sadd.s32 $0x100, s12;
	v40 =	vbroadcast v40, $0x0  }
0x2d9: {  	v41 =	vld [tilespmem:s13+$0x0];
	v42 =	vor.u32 v12, v39  }
0x2da: {  	v43 =	vld [tilespmem:s13+$0xFFFFFF80];
	v44 =	vor.u32 v12, v40;
	_ =	sdelay $0x3  }
0x2db: {  	[tilespmem:v42+s18+$0x0] =	vst.idx.msk $0xffff, v41  }
0x2dc: {  	v53 =	vor.u32 v18, v39;
	[tilespmem:v44+s18+$0x0] =	vst.idx.msk $0xffff, v43;
	v41 =	vld [tilespmem:s13+$0x10]  }
0x2dd: {  	v54 =	vor.u32 v18, v40;
	v43 =	vld [tilespmem:s13+$0xFFFFFF90];
	_ =	sdelay $0x2  }
0x2de: {  	[tilespmem:v38+s18+$0x0] =	vst.idx.msk $0xffff, v37;
	v55 =	vld [tilespmem:s12+$0x20];
	v56 =	vor.u32 v19, v27  }
0x2df: {  	v46 =	vor.u32 v19, v28;
	v45 =	vld [tilespmem:s12+$0xFFFFFFA0];
	[tilespmem:v53+s18+$0x0] =	vst.idx.msk $0xffff, v41  }
0x2e0: {  	v57 =	vor.u32 v19, v39;
	[tilespmem:v54+s18+$0x0] =	vst.idx.msk $0xffff, v43;
	v41 =	vld [tilespmem:s13+$0x20]  }
0x2e1: {  	v58 =	vor.u32 v19, v40;
	v43 =	vld [tilespmem:s13+$0xFFFFFFA0];
	_ =	sdelay $0x1  }
0x2e2: {  	[tilespmem:v56+s18+$0x0] =	vst.idx.msk $0xffff, v55  }
0x2e3: {  	v59 =	vor.u32 v20, v27;
	[tilespmem:v46+s18+$0x0] =	vst.idx.msk $0xffff, v45;
	v37 =	vld [tilespmem:s12+$0x30]  }
0x2e4: {  	v61 =	vor.u32 v20, v28;
	v60 =	vld [tilespmem:s12+$0xFFFFFFB0];
	[tilespmem:v57+s18+$0x0] =	vst.idx.msk $0xffff, v41  }
0x2e5: {  	v63 =	vor.u32 v20, v39;
	[tilespmem:v58+s18+$0x0] =	vst.idx.msk $0xffff, v43;
	v62 =	vld [tilespmem:s13+$0x30]  }
0x2e6: {  	[tilespmem:v36+s18+$0x0] =	vst.idx.msk $0xffff, v34;
	v49 =	vor.u32 v20, v40;
	v48 =	vld [tilespmem:s13+$0xFFFFFFB0]  }
0x2e7: {  	[tilespmem:v35+s18+$0x0] =	vst.idx.msk $0xffff, v33  }
0x2e8: {  	[tilespmem:v59+s18+$0x0] =	vst.idx.msk $0xffff, v37  }
0x2e9: {  	v51 =	vor.u32 v21, v27;
	[tilespmem:v61+s18+$0x0] =	vst.idx.msk $0xffff, v60;
	v50 =	vld [tilespmem:s12+$0x40]  }
0x2ea: {  	v52 =	vld [tilespmem:s12+$0xFFFFFFC0];
	v53 =	vor.u32 v21, v28;
	[tilespmem:v63+s18+$0x0] =	vst.idx.msk $0xffff, v62  }
0x2eb: {  	v55 =	vor.u32 v21, v39;
	[tilespmem:v49+s18+$0x0] =	vst.idx.msk $0xffff, v48;
	v54 =	vld [tilespmem:s13+$0x40]  }
0x2ec: {  	[tilespmem:v30+s18+$0x0] =	vst.idx.msk $0xffff, v29;
	v57 =	vor.u32 v21, v40;
	v56 =	vld [tilespmem:s13+$0xFFFFFFC0]  }
0x2ed: {  	[tilespmem:v32+s18+$0x0] =	vst.idx.msk $0xffff, v31;
	v59 =	vor.u32 v22, v26;
	v58 =	vld [tilespmem:s11+$0x50]  }
0x2ee: {  	v60 =	vld [tilespmem:s11+$0xFFFFFFD0];
	v61 =	vor.u32 v22, v25;
	[tilespmem:v51+s18+$0x0] =	vst.idx.msk $0xffff, v50  }
0x2ef: {  	v33 =	vld [tilespmem:s12+$0x50];
	[tilespmem:v53+s18+$0x0] =	vst.idx.msk $0xffff, v52;
	v62 =	vor.u32 v22, v27  }
0x2f0: {  	v37 =	vld [tilespmem:s12+$0xFFFFFFD0];
	v63 =	vor.u32 v22, v28;
	[tilespmem:v55+s18+$0x0] =	vst.idx.msk $0xffff, v54  }
0x2f1: {  	v46 =	vor.u32 v22, v39;
	[tilespmem:v57+s18+$0x0] =	vst.idx.msk $0xffff, v56;
	v45 =	vld [tilespmem:s13+$0x50]  }
0x2f2: {  	[tilespmem:v59+s18+$0x0] =	vst.idx.msk $0xffff, v58;
	v48 =	vor.u32 v22, v40;
	v47 =	vld [tilespmem:s13+$0xFFFFFFD0]  }
0x2f3: {  	[tilespmem:v61+s18+$0x0] =	vst.idx.msk $0xffff, v60;
	v50 =	vor.u32 v23, v26;
	v49 =	vld [tilespmem:s11+$0x60]  }
0x2f4: {  	v51 =	vld [tilespmem:s11+$0xFFFFFFE0];
	v52 =	vor.u32 v23, v25;
	[tilespmem:v62+s18+$0x0] =	vst.idx.msk $0xffff, v33  }
0x2f5: {  	v53 =	vor.u32 v23, v27;
	[tilespmem:v63+s18+$0x0] =	vst.idx.msk $0xffff, v37;
	v33 =	vld [tilespmem:s12+$0x60]  }
0x2f6: {  	v37 =	vld [tilespmem:s12+$0xFFFFFFE0];
	v54 =	vor.u32 v23, v28;
	[tilespmem:v46+s18+$0x0] =	vst.idx.msk $0xffff, v45  }
0x2f7: {  	v55 =	vor.u32 v23, v39;
	[tilespmem:v48+s18+$0x0] =	vst.idx.msk $0xffff, v47;
	v29 =	vld [tilespmem:s13+$0x60]  }
0x2f8: {  	[tilespmem:v50+s18+$0x0] =	vst.idx.msk $0xffff, v49;
	v57 =	vor.u32 v23, v40;
	v56 =	vld [tilespmem:s13+$0xFFFFFFE0]  }
0x2f9: {  	v26 =	vor.u32 v24, v26;
	[tilespmem:v52+s18+$0x0] =	vst.idx.msk $0xffff, v51;
	v58 =	vld [tilespmem:s11+$0x70]  }
0x2fa: {  	v25 =	vor.u32 v24, v25;
	v59 =	vld [tilespmem:s11+$0xFFFFFFF0];
	[tilespmem:v53+s18+$0x0] =	vst.idx.msk $0xffff, v33  }
0x2fb: {  	v27 =	vor.u32 v24, v27;
	[tilespmem:v54+s18+$0x0] =	vst.idx.msk $0xffff, v37;
	v33 =	vld [tilespmem:s12+$0x70]  }
0x2fc: {  	v61 =	vor.u32 v24, v28;
	v60 =	vld [tilespmem:s12+$0xFFFFFFF0];
	[tilespmem:v55+s18+$0x0] =	vst.idx.msk $0xffff, v29  }
0x2fd: {  	v62 =	vor.u32 v24, v39;
	[tilespmem:v57+s18+$0x0] =	vst.idx.msk $0xffff, v56;
	v29 =	vld [tilespmem:s13+$0x70]  }
0x2fe: {  	s20 =	smul.u32 $0x700000, s8;
	v63 =	vor.u32 v24, v40;
	[tilespmem:v26+s18+$0x0] =	vst.idx.msk $0xffff, v58;
	v26 =	vld [tilespmem:s13+$0xFFFFFFF0]  }
0x2ff: {  	p1 =	seq.s32 s4, $0x14;
	[tilespmem:v25+s18+$0x0] =	vst.idx.msk $0xffff, v59  }
.Ltmp5:
0x300: {  	s21 =	sshll.u32 s10, $0xA;
	s11 =	sadd.s32 s6, s20;
	[tilespmem:v27+s18+$0x0] =	vst.idx.msk $0xffff, v33;
	(pc) =	sbr.rel @p1 .LBB2_6-.Ltmp5, $4  }
0x301: {  	s11 =	sadd.s32 s21, s11;
	[tilespmem:v61+s18+$0x0] =	vst.idx.msk $0xffff, v60  }
0x302: {  	s11 =	sshrl.u32 s11, $0x3;
	[tilespmem:v62+s18+$0x0] =	vst.idx.msk $0xffff, v29  }
0x303: {  	s11 =	sadd.s32 s1, s11;
	[tilespmem:v63+s18+$0x0] =	vst.idx.msk $0xffff, v26  }
0x304: {  	[hbm4b:s11+s14] =	stream.strided.scatter [tilespmem:s18], [sflag:$0x3], $0x4000, s26, s14, $0x38;
	[tilespmem:$0x10700] =	vst v63  }
0x305: {  	s11 =	sshll.u32 s9, $0x9  }
0x306: {  	s12 =	sshra.s32 s11, $0x2  }
0x307: {  	v25 =	vld [tilespmem:s12+$0x0];
	_ =	sdelay $0x4  }
0x308: {  	v26 =	vshll.u32 v25, $0x5  }
0x309: {  	v25 =	vand.u32 $0x7, v25;
	v26 =	vand.u32 $0xFFFFFF00, v26  }
0x30a: {  	v25 =	vor.u32 v25, v26  }
0x30b: {  	v26 =	vperm.xlane v25, v2;
	_ =	sdelay $0x1  }
0x30c: {  	v27 =	vperm.xlane v25, v4;
	v26 =	vadd.s32 v3, v26  }
0x30d: {  	s17 =	smul.u32 $0x13A0000, s7  }
0x30e: {  	v28 =	vperm.xlane v25, v5;
	v27 =	vadd.s32 v3, v27  }
0x30f: {  	s11 =	sshrl.u32 s17, $0x3  }
0x310: {  	s13 =	simm.s32 $0x700;
	s11 =	sadd.s32 s11, s5;
	v29 =	vperm.xlane v25, v6;
	v28 =	vadd.s32 v3, v28  }
0x311: {  	[tilespmem:s13], [sflag:$0x1] =	stream.indirect_vreg.gather [hbm4b:s11+s3], $0x80, v26, vm0, $0xb8;
	[tilespmem:$0x10700] =	vst v63  }
0x312: {  	s20 =	simm.s32 $0x780;
	v58 =	vperm.xlane v25, v7;
	v26 =	vadd.s32 v3, v29  }
0x313: {  	[tilespmem:s20], [sflag:$0x1] =	stream.indirect_vreg.gather [hbm4b:s11+s3], $0x80, v27, vm0, $0xb8;
	[tilespmem:$0x10700] =	vst v63  }
0x314: {  	s21 =	simm.s32 $0x800;
	v59 =	vperm.xlane v25, v1;
	v27 =	vadd.s32 v3, v58  }
0x315: {  	[tilespmem:s21], [sflag:$0x1] =	stream.indirect_vreg.gather [hbm4b:s11+s3], $0x80, v28, vm0, $0xb8;
	[tilespmem:$0x10700] =	vst v63  }
0x316: {  	s17 =	simm.s32 $0x880;
	v61 =	vperm.xlane v25, v8;
	v60 =	vadd.s32 v3, v59  }
0x317: {  	[tilespmem:s17], [sflag:$0x1] =	stream.indirect_vreg.gather [hbm4b:s11+s3], $0x80, v26, vm0, $0xb8;
	[tilespmem:$0x10700] =	vst v63  }
0x318: {  	v62 =	vperm.xlane v25, v0;
	s20 =	simm.s32 $0x900;
	v26 =	vadd.s32 v3, v61  }
0x319: {  	[tilespmem:s20], [sflag:$0x1] =	stream.indirect_vreg.gather [hbm4b:s11+s3], $0x80, v27, vm0, $0xb8;
	[tilespmem:$0x10700] =	vst v63  }
0x31a: {  	v63 =	vperm.xlane v25, v9;
	s21 =	simm.s32 $0x980;
	v27 =	vadd.s32 v3, v62  }
0x31b: {  	[tilespmem:s21], [sflag:$0x1] =	stream.indirect_vreg.gather [hbm4b:s11+s3], $0x80, v60, vm0, $0xb8;
	[tilespmem:$0x10700] =	vst v63  }
0x31c: {  	v33 =	vperm.xlane v25, v10;
	v32 =	vadd.s32 v3, v63;
	s17 =	simm.s32 $0xA00  }
0x31d: {  	[tilespmem:s17], [sflag:$0x1] =	stream.indirect_vreg.gather [hbm4b:s11+s3], $0x80, v26, vm0, $0xb8;
	[tilespmem:$0x10700] =	vst v63  }
0x31e: {  	v34 =	vperm.xlane v25, v11;
	s20 =	simm.s32 $0xA80;
	v26 =	vadd.s32 v3, v33  }
0x31f: {  	[tilespmem:s20], [sflag:$0x1] =	stream.indirect_vreg.gather [hbm4b:s11+s3], $0x80, v27, vm0, $0xb8;
	[tilespmem:$0x10700] =	vst v63  }
0x320: {  	v35 =	vperm.xlane v25, v13;
	s21 =	simm.s32 $0xB00;
	v27 =	vadd.s32 v3, v34  }
0x321: {  	[tilespmem:s21], [sflag:$0x1] =	stream.indirect_vreg.gather [hbm4b:s11+s3], $0x80, v32, vm0, $0xb8;
	[tilespmem:$0x10700] =	vst v63  }
0x322: {  	v37 =	vperm.xlane v25, v14;
	v36 =	vadd.s32 v3, v35;
	s17 =	simm.s32 $0xB80  }
0x323: {  	[tilespmem:s17], [sflag:$0x1] =	stream.indirect_vreg.gather [hbm4b:s11+s3], $0x80, v26, vm0, $0xb8;
	[tilespmem:$0x10700] =	vst v63  }
0x324: {  	v38 =	vperm.xlane v25, v15;
	s20 =	simm.s32 $0xC00;
	v26 =	vadd.s32 v3, v37  }
0x325: {  	[tilespmem:s20], [sflag:$0x1] =	stream.indirect_vreg.gather [hbm4b:s11+s3], $0x80, v27, vm0, $0xb8;
	[tilespmem:$0x10700] =	vst v63  }
0x326: {  	v39 =	vperm.xlane v25, v16;
	s21 =	simm.s32 $0xC80;
	v27 =	vadd.s32 v3, v38  }
0x327: {  	[tilespmem:s21], [sflag:$0x1] =	stream.indirect_vreg.gather [hbm4b:s11+s3], $0x80, v36, vm0, $0xb8;
	[tilespmem:$0x10700] =	vst v63  }
0x328: {  	v25 =	vperm.xlane v25, v17;
	v40 =	vadd.s32 v3, v39;
	s17 =	simm.s32 $0xD00  }
0x329: {  	[tilespmem:s17], [sflag:$0x1] =	stream.indirect_vreg.gather [hbm4b:s11+s3], $0x80, v26, vm0, $0xb8;
	[tilespmem:$0x10700] =	vst v63  }
0x32a: {  	v25 =	vadd.s32 v3, v25;
	s20 =	simm.s32 $0xD80  }
0x32b: {  	[tilespmem:s20], [sflag:$0x1] =	stream.indirect_vreg.gather [hbm4b:s11+s3], $0x80, v27, vm0, $0xb8;
	[tilespmem:$0x10700] =	vst v63  }
0x32c: {  	s21 =	simm.s32 $0xE00  }
0x32d: {  	[tilespmem:s21], [sflag:$0x1] =	stream.indirect_vreg.gather [hbm4b:s11+s3], $0x80, v40, vm0, $0xb8;
	[tilespmem:$0x10700] =	vst v63  }
0x32e: {  	s17 =	simm.s32 $0xE80  }
0x32f: {  	[tilespmem:s17], [sflag:$0x1] =	stream.indirect_vreg.gather [hbm4b:s11+s3], $0x80, v25, vm0, $0xb8;
	[tilespmem:$0x10700] =	vst v63  }
0x330: {  	v25 =	vld [tilespmem:s12+$0x10];
	_ =	sdelay $0x4  }
0x331: {  	v26 =	vshll.u32 v25, $0x5  }
0x332: {  	v25 =	vand.u32 $0x7, v25;
	v26 =	vand.u32 $0xFFFFFF00, v26  }
0x333: {  	v25 =	vor.u32 v25, v26  }
0x334: {  	v26 =	vperm.xlane v25, v2;
	_ =	sdelay $0x1  }
0x335: {  	v27 =	vperm.xlane v25, v4;
	v26 =	vadd.s32 v3, v26;
	_ =	sdelay $0x1  }
0x336: {  	v41 =	vperm.xlane v25, v5;
	v27 =	vadd.s32 v3, v27;
	_ =	sdelay $0x1  }
0x337: {  	s20 =	simm.s32 $0xF00;
	v42 =	vperm.xlane v25, v6;
	v28 =	vadd.s32 v3, v41  }
0x338: {  	[tilespmem:s20], [sflag:$0x1] =	stream.indirect_vreg.gather [hbm4b:s11+s3], $0x80, v26, vm0, $0xb8;
	[tilespmem:$0x10700] =	vst v63  }
0x339: {  	s21 =	simm.s32 $0xF80;
	v43 =	vperm.xlane v25, v7;
	v26 =	vadd.s32 v3, v42  }
0x33a: {  	[tilespmem:s21], [sflag:$0x1] =	stream.indirect_vreg.gather [hbm4b:s11+s3], $0x80, v27, vm0, $0xb8;
	[tilespmem:$0x10700] =	vst v63  }
0x33b: {  	s17 =	simm.s32 $0x1000;
	v44 =	vperm.xlane v25, v1;
	v27 =	vadd.s32 v3, v43  }
0x33c: {  	[tilespmem:s17], [sflag:$0x1] =	stream.indirect_vreg.gather [hbm4b:s11+s3], $0x80, v28, vm0, $0xb8;
	[tilespmem:$0x10700] =	vst v63  }
0x33d: {  	v46 =	vperm.xlane v25, v8;
	v45 =	vadd.s32 v3, v44;
	s20 =	simm.s32 $0x1080  }
0x33e: {  	[tilespmem:s20], [sflag:$0x1] =	stream.indirect_vreg.gather [hbm4b:s11+s3], $0x80, v26, vm0, $0xb8;
	[tilespmem:$0x10700] =	vst v63  }
0x33f: {  	v47 =	vperm.xlane v25, v0;
	s21 =	simm.s32 $0x1100;
	v26 =	vadd.s32 v3, v46  }
0x340: {  	[tilespmem:s21], [sflag:$0x1] =	stream.indirect_vreg.gather [hbm4b:s11+s3], $0x80, v27, vm0, $0xb8;
	[tilespmem:$0x10700] =	vst v63  }
0x341: {  	v48 =	vperm.xlane v25, v9;
	s17 =	simm.s32 $0x1180;
	v27 =	vadd.s32 v3, v47  }
0x342: {  	[tilespmem:s17], [sflag:$0x1] =	stream.indirect_vreg.gather [hbm4b:s11+s3], $0x80, v45, vm0, $0xb8;
	[tilespmem:$0x10700] =	vst v63  }
0x343: {  	v50 =	vperm.xlane v25, v10;
	v49 =	vadd.s32 v3, v48;
	s20 =	simm.s32 $0x1200  }
0x344: {  	[tilespmem:s20], [sflag:$0x1] =	stream.indirect_vreg.gather [hbm4b:s11+s3], $0x80, v26, vm0, $0xb8;
	[tilespmem:$0x10700] =	vst v63  }
0x345: {  	v51 =	vperm.xlane v25, v11;
	s21 =	simm.s32 $0x1280;
	v26 =	vadd.s32 v3, v50  }
0x346: {  	[tilespmem:s21], [sflag:$0x1] =	stream.indirect_vreg.gather [hbm4b:s11+s3], $0x80, v27, vm0, $0xb8;
	[tilespmem:$0x10700] =	vst v63  }
0x347: {  	v52 =	vperm.xlane v25, v13;
	s17 =	simm.s32 $0x1300;
	v27 =	vadd.s32 v3, v51  }
0x348: {  	[tilespmem:s17], [sflag:$0x1] =	stream.indirect_vreg.gather [hbm4b:s11+s3], $0x80, v49, vm0, $0xb8;
	[tilespmem:$0x10700] =	vst v63  }
0x349: {  	v54 =	vperm.xlane v25, v14;
	v53 =	vadd.s32 v3, v52;
	s20 =	simm.s32 $0x1380  }
0x34a: {  	[tilespmem:s20], [sflag:$0x1] =	stream.indirect_vreg.gather [hbm4b:s11+s3], $0x80, v26, vm0, $0xb8;
	[tilespmem:$0x10700] =	vst v63  }
0x34b: {  	v55 =	vperm.xlane v25, v15;
	s21 =	simm.s32 $0x1400;
	v26 =	vadd.s32 v3, v54  }
0x34c: {  	[tilespmem:s21], [sflag:$0x1] =	stream.indirect_vreg.gather [hbm4b:s11+s3], $0x80, v27, vm0, $0xb8;
	[tilespmem:$0x10700] =	vst v63  }
0x34d: {  	v56 =	vperm.xlane v25, v16;
	s17 =	simm.s32 $0x1480;
	v27 =	vadd.s32 v3, v55  }
0x34e: {  	[tilespmem:s17], [sflag:$0x1] =	stream.indirect_vreg.gather [hbm4b:s11+s3], $0x80, v53, vm0, $0xb8;
	[tilespmem:$0x10700] =	vst v63  }
0x34f: {  	v25 =	vperm.xlane v25, v17;
	v57 =	vadd.s32 v3, v56;
	s20 =	simm.s32 $0x1500  }
0x350: {  	[tilespmem:s20], [sflag:$0x1] =	stream.indirect_vreg.gather [hbm4b:s11+s3], $0x80, v26, vm0, $0xb8;
	[tilespmem:$0x10700] =	vst v63  }
0x351: {  	v25 =	vadd.s32 v3, v25;
	s21 =	simm.s32 $0x1580  }
0x352: {  	[tilespmem:s21], [sflag:$0x1] =	stream.indirect_vreg.gather [hbm4b:s11+s3], $0x80, v27, vm0, $0xb8;
	[tilespmem:$0x10700] =	vst v63  }
0x353: {  	s17 =	simm.s32 $0x1600  }
0x354: {  	[tilespmem:s17], [sflag:$0x1] =	stream.indirect_vreg.gather [hbm4b:s11+s3], $0x80, v57, vm0, $0xb8;
	[tilespmem:$0x10700] =	vst v63  }
0x355: {  	s20 =	simm.s32 $0x1680  }
0x356: {  	[tilespmem:s20], [sflag:$0x1] =	stream.indirect_vreg.gather [hbm4b:s11+s3], $0x80, v25, vm0, $0xb8;
	[tilespmem:$0x10700] =	vst v63  }
0x357: {  	v25 =	vld [tilespmem:s12+$0x20];
	_ =	sdelay $0x4  }
0x358: {  	v26 =	vshll.u32 v25, $0x5  }
0x359: {  	v25 =	vand.u32 $0x7, v25;
	v26 =	vand.u32 $0xFFFFFF00, v26  }
0x35a: {  	v25 =	vor.u32 v25, v26  }
0x35b: {  	v26 =	vperm.xlane v25, v2;
	_ =	sdelay $0x1  }
0x35c: {  	v27 =	vperm.xlane v25, v4;
	v26 =	vadd.s32 v3, v26;
	_ =	sdelay $0x1  }
0x35d: {  	v58 =	vperm.xlane v25, v5;
	v27 =	vadd.s32 v3, v27;
	_ =	sdelay $0x1  }
0x35e: {  	s21 =	simm.s32 $0x1700;
	v59 =	vperm.xlane v25, v6;
	v28 =	vadd.s32 v3, v58  }
0x35f: {  	[tilespmem:s21], [sflag:$0x1] =	stream.indirect_vreg.gather [hbm4b:s11+s3], $0x80, v26, vm0, $0xb8;
	[tilespmem:$0x10700] =	vst v63  }
0x360: {  	s17 =	simm.s32 $0x1780;
	v60 =	vperm.xlane v25, v7;
	v26 =	vadd.s32 v3, v59  }
0x361: {  	[tilespmem:s17], [sflag:$0x1] =	stream.indirect_vreg.gather [hbm4b:s11+s3], $0x80, v27, vm0, $0xb8;
	[tilespmem:$0x10700] =	vst v63  }
0x362: {  	s20 =	simm.s32 $0x1800;
	v61 =	vperm.xlane v25, v1;
	v27 =	vadd.s32 v3, v60  }
0x363: {  	[tilespmem:s20], [sflag:$0x1] =	stream.indirect_vreg.gather [hbm4b:s11+s3], $0x80, v28, vm0, $0xb8;
	[tilespmem:$0x10700] =	vst v63  }
0x364: {  	v63 =	vperm.xlane v25, v8;
	v62 =	vadd.s32 v3, v61;
	s21 =	simm.s32 $0x1880  }
0x365: {  	[tilespmem:s21], [sflag:$0x1] =	stream.indirect_vreg.gather [hbm4b:s11+s3], $0x80, v26, vm0, $0xb8;
	[tilespmem:$0x10700] =	vst v63  }
0x366: {  	v32 =	vperm.xlane v25, v0;
	s17 =	simm.s32 $0x1900;
	v26 =	vadd.s32 v3, v63  }
0x367: {  	[tilespmem:s17], [sflag:$0x1] =	stream.indirect_vreg.gather [hbm4b:s11+s3], $0x80, v27, vm0, $0xb8;
	[tilespmem:$0x10700] =	vst v63  }
0x368: {  	v33 =	vperm.xlane v25, v9;
	s20 =	simm.s32 $0x1980;
	v27 =	vadd.s32 v3, v32  }
0x369: {  	[tilespmem:s20], [sflag:$0x1] =	stream.indirect_vreg.gather [hbm4b:s11+s3], $0x80, v62, vm0, $0xb8;
	[tilespmem:$0x10700] =	vst v63  }
0x36a: {  	v35 =	vperm.xlane v25, v10;
	v34 =	vadd.s32 v3, v33;
	s21 =	simm.s32 $0x1A00  }
0x36b: {  	[tilespmem:s21], [sflag:$0x1] =	stream.indirect_vreg.gather [hbm4b:s11+s3], $0x80, v26, vm0, $0xb8;
	[tilespmem:$0x10700] =	vst v63  }
0x36c: {  	v36 =	vperm.xlane v25, v11;
	s17 =	simm.s32 $0x1A80;
	v26 =	vadd.s32 v3, v35  }
0x36d: {  	[tilespmem:s17], [sflag:$0x1] =	stream.indirect_vreg.gather [hbm4b:s11+s3], $0x80, v27, vm0, $0xb8;
	[tilespmem:$0x10700] =	vst v63  }
0x36e: {  	v37 =	vperm.xlane v25, v13;
	s20 =	simm.s32 $0x1B00;
	v27 =	vadd.s32 v3, v36  }
0x36f: {  	[tilespmem:s20], [sflag:$0x1] =	stream.indirect_vreg.gather [hbm4b:s11+s3], $0x80, v34, vm0, $0xb8;
	[tilespmem:$0x10700] =	vst v63  }
0x370: {  	v39 =	vperm.xlane v25, v14;
	v38 =	vadd.s32 v3, v37;
	s21 =	simm.s32 $0x1B80  }
0x371: {  	[tilespmem:s21], [sflag:$0x1] =	stream.indirect_vreg.gather [hbm4b:s11+s3], $0x80, v26, vm0, $0xb8;
	[tilespmem:$0x10700] =	vst v63  }
0x372: {  	v40 =	vperm.xlane v25, v15;
	s17 =	simm.s32 $0x1C00;
	v26 =	vadd.s32 v3, v39  }
0x373: {  	[tilespmem:s17], [sflag:$0x1] =	stream.indirect_vreg.gather [hbm4b:s11+s3], $0x80, v27, vm0, $0xb8;
	[tilespmem:$0x10700] =	vst v63  }
0x374: {  	v41 =	vperm.xlane v25, v16;
	s20 =	simm.s32 $0x1C80;
	v27 =	vadd.s32 v3, v40  }
0x375: {  	[tilespmem:s20], [sflag:$0x1] =	stream.indirect_vreg.gather [hbm4b:s11+s3], $0x80, v38, vm0, $0xb8;
	[tilespmem:$0x10700] =	vst v63  }
0x376: {  	v25 =	vperm.xlane v25, v17;
	v42 =	vadd.s32 v3, v41;
	s21 =	simm.s32 $0x1D00  }
0x377: {  	[tilespmem:s21], [sflag:$0x1] =	stream.indirect_vreg.gather [hbm4b:s11+s3], $0x80, v26, vm0, $0xb8;
	[tilespmem:$0x10700] =	vst v63  }
0x378: {  	v25 =	vadd.s32 v3, v25;
	s17 =	simm.s32 $0x1D80  }
0x379: {  	[tilespmem:s17], [sflag:$0x1] =	stream.indirect_vreg.gather [hbm4b:s11+s3], $0x80, v27, vm0, $0xb8;
	[tilespmem:$0x10700] =	vst v63  }
0x37a: {  	s20 =	simm.s32 $0x1E00  }
0x37b: {  	[tilespmem:s20], [sflag:$0x1] =	stream.indirect_vreg.gather [hbm4b:s11+s3], $0x80, v42, vm0, $0xb8;
	[tilespmem:$0x10700] =	vst v63  }
0x37c: {  	s21 =	simm.s32 $0x1E80  }
0x37d: {  	[tilespmem:s21], [sflag:$0x1] =	stream.indirect_vreg.gather [hbm4b:s11+s3], $0x80, v25, vm0, $0xb8;
	[tilespmem:$0x10700] =	vst v63  }
0x37e: {  	v25 =	vld [tilespmem:s12+$0x30];
	_ =	sdelay $0x4  }
0x37f: {  	v26 =	vshll.u32 v25, $0x5  }
0x380: {  	v25 =	vand.u32 $0x7, v25;
	v26 =	vand.u32 $0xFFFFFF00, v26  }
0x381: {  	v25 =	vor.u32 v25, v26  }
0x382: {  	v26 =	vperm.xlane v25, v2;
	_ =	sdelay $0x1  }
0x383: {  	v27 =	vperm.xlane v25, v4;
	v26 =	vadd.s32 v3, v26;
	_ =	sdelay $0x1  }
0x384: {  	v43 =	vperm.xlane v25, v5;
	v27 =	vadd.s32 v3, v27;
	_ =	sdelay $0x1  }
0x385: {  	s17 =	simm.s32 $0x1F00;
	v44 =	vperm.xlane v25, v6;
	v28 =	vadd.s32 v3, v43  }
0x386: {  	[tilespmem:s17], [sflag:$0x1] =	stream.indirect_vreg.gather [hbm4b:s11+s3], $0x80, v26, vm0, $0xb8;
	[tilespmem:$0x10700] =	vst v63  }
0x387: {  	s20 =	simm.s32 $0x1F80;
	v45 =	vperm.xlane v25, v7;
	v26 =	vadd.s32 v3, v44  }
0x388: {  	[tilespmem:s20], [sflag:$0x1] =	stream.indirect_vreg.gather [hbm4b:s11+s3], $0x80, v27, vm0, $0xb8;
	[tilespmem:$0x10700] =	vst v63  }
0x389: {  	s21 =	simm.s32 $0x2000;
	v46 =	vperm.xlane v25, v1;
	v27 =	vadd.s32 v3, v45  }
0x38a: {  	[tilespmem:s21], [sflag:$0x1] =	stream.indirect_vreg.gather [hbm4b:s11+s3], $0x80, v28, vm0, $0xb8;
	[tilespmem:$0x10700] =	vst v63  }
0x38b: {  	v48 =	vperm.xlane v25, v8;
	v47 =	vadd.s32 v3, v46;
	s17 =	simm.s32 $0x2080  }
0x38c: {  	[tilespmem:s17], [sflag:$0x1] =	stream.indirect_vreg.gather [hbm4b:s11+s3], $0x80, v26, vm0, $0xb8;
	[tilespmem:$0x10700] =	vst v63  }
0x38d: {  	v49 =	vperm.xlane v25, v0;
	s20 =	simm.s32 $0x2100;
	v26 =	vadd.s32 v3, v48  }
0x38e: {  	[tilespmem:s20], [sflag:$0x1] =	stream.indirect_vreg.gather [hbm4b:s11+s3], $0x80, v27, vm0, $0xb8;
	[tilespmem:$0x10700] =	vst v63  }
0x38f: {  	v50 =	vperm.xlane v25, v9;
	s21 =	simm.s32 $0x2180;
	v27 =	vadd.s32 v3, v49  }
0x390: {  	[tilespmem:s21], [sflag:$0x1] =	stream.indirect_vreg.gather [hbm4b:s11+s3], $0x80, v47, vm0, $0xb8;
	[tilespmem:$0x10700] =	vst v63  }
0x391: {  	v52 =	vperm.xlane v25, v10;
	v51 =	vadd.s32 v3, v50;
	s17 =	simm.s32 $0x2200  }
0x392: {  	[tilespmem:s17], [sflag:$0x1] =	stream.indirect_vreg.gather [hbm4b:s11+s3], $0x80, v26, vm0, $0xb8;
	[tilespmem:$0x10700] =	vst v63  }
0x393: {  	v53 =	vperm.xlane v25, v11;
	s20 =	simm.s32 $0x2280;
	v26 =	vadd.s32 v3, v52  }
0x394: {  	[tilespmem:s20], [sflag:$0x1] =	stream.indirect_vreg.gather [hbm4b:s11+s3], $0x80, v27, vm0, $0xb8;
	[tilespmem:$0x10700] =	vst v63  }
0x395: {  	v54 =	vperm.xlane v25, v13;
	s21 =	simm.s32 $0x2300;
	v27 =	vadd.s32 v3, v53  }
0x396: {  	[tilespmem:s21], [sflag:$0x1] =	stream.indirect_vreg.gather [hbm4b:s11+s3], $0x80, v51, vm0, $0xb8;
	[tilespmem:$0x10700] =	vst v63  }
0x397: {  	v56 =	vperm.xlane v25, v14;
	v55 =	vadd.s32 v3, v54;
	s17 =	simm.s32 $0x2380  }
0x398: {  	[tilespmem:s17], [sflag:$0x1] =	stream.indirect_vreg.gather [hbm4b:s11+s3], $0x80, v26, vm0, $0xb8;
	[tilespmem:$0x10700] =	vst v63  }
0x399: {  	v57 =	vperm.xlane v25, v15;
	s20 =	simm.s32 $0x2400;
	v26 =	vadd.s32 v3, v56  }
0x39a: {  	[tilespmem:s20], [sflag:$0x1] =	stream.indirect_vreg.gather [hbm4b:s11+s3], $0x80, v27, vm0, $0xb8;
	[tilespmem:$0x10700] =	vst v63  }
0x39b: {  	v58 =	vperm.xlane v25, v16;
	s21 =	simm.s32 $0x2480;
	v27 =	vadd.s32 v3, v57  }
0x39c: {  	[tilespmem:s21], [sflag:$0x1] =	stream.indirect_vreg.gather [hbm4b:s11+s3], $0x80, v55, vm0, $0xb8;
	[tilespmem:$0x10700] =	vst v63  }
0x39d: {  	v25 =	vperm.xlane v25, v17;
	v59 =	vadd.s32 v3, v58;
	s17 =	simm.s32 $0x2500  }
0x39e: {  	[tilespmem:s17], [sflag:$0x1] =	stream.indirect_vreg.gather [hbm4b:s11+s3], $0x80, v26, vm0, $0xb8;
	[tilespmem:$0x10700] =	vst v63  }
0x39f: {  	v25 =	vadd.s32 v3, v25;
	s20 =	simm.s32 $0x2580  }
0x3a0: {  	[tilespmem:s20], [sflag:$0x1] =	stream.indirect_vreg.gather [hbm4b:s11+s3], $0x80, v27, vm0, $0xb8;
	[tilespmem:$0x10700] =	vst v63  }
0x3a1: {  	s21 =	simm.s32 $0x2600  }
0x3a2: {  	[tilespmem:s21], [sflag:$0x1] =	stream.indirect_vreg.gather [hbm4b:s11+s3], $0x80, v59, vm0, $0xb8;
	[tilespmem:$0x10700] =	vst v63  }
0x3a3: {  	s17 =	simm.s32 $0x2680  }
0x3a4: {  	[tilespmem:s17], [sflag:$0x1] =	stream.indirect_vreg.gather [hbm4b:s11+s3], $0x80, v25, vm0, $0xb8;
	[tilespmem:$0x10700] =	vst v63  }
0x3a5: {  	v25 =	vld [tilespmem:s12+$0x40];
	_ =	sdelay $0x4  }
0x3a6: {  	v26 =	vshll.u32 v25, $0x5  }
0x3a7: {  	v25 =	vand.u32 $0x7, v25;
	v26 =	vand.u32 $0xFFFFFF00, v26  }
0x3a8: {  	v25 =	vor.u32 v25, v26  }
0x3a9: {  	v26 =	vperm.xlane v25, v2;
	_ =	sdelay $0x1  }
0x3aa: {  	v27 =	vperm.xlane v25, v4;
	v26 =	vadd.s32 v3, v26;
	_ =	sdelay $0x1  }
0x3ab: {  	v60 =	vperm.xlane v25, v5;
	v27 =	vadd.s32 v3, v27;
	_ =	sdelay $0x1  }
0x3ac: {  	s20 =	simm.s32 $0x2700;
	v61 =	vperm.xlane v25, v6;
	v28 =	vadd.s32 v3, v60  }
0x3ad: {  	[tilespmem:s20], [sflag:$0x1] =	stream.indirect_vreg.gather [hbm4b:s11+s3], $0x80, v26, vm0, $0xb8;
	[tilespmem:$0x10700] =	vst v63  }
0x3ae: {  	s21 =	simm.s32 $0x2780;
	v62 =	vperm.xlane v25, v7;
	v26 =	vadd.s32 v3, v61  }
0x3af: {  	[tilespmem:s21], [sflag:$0x1] =	stream.indirect_vreg.gather [hbm4b:s11+s3], $0x80, v27, vm0, $0xb8;
	[tilespmem:$0x10700] =	vst v63  }
0x3b0: {  	s17 =	simm.s32 $0x2800;
	v63 =	vperm.xlane v25, v1;
	v27 =	vadd.s32 v3, v62  }
0x3b1: {  	[tilespmem:s17], [sflag:$0x1] =	stream.indirect_vreg.gather [hbm4b:s11+s3], $0x80, v28, vm0, $0xb8;
	[tilespmem:$0x10700] =	vst v63  }
0x3b2: {  	v33 =	vperm.xlane v25, v8;
	v32 =	vadd.s32 v3, v63;
	s20 =	simm.s32 $0x2880  }
0x3b3: {  	[tilespmem:s20], [sflag:$0x1] =	stream.indirect_vreg.gather [hbm4b:s11+s3], $0x80, v26, vm0, $0xb8;
	[tilespmem:$0x10700] =	vst v63  }
0x3b4: {  	v34 =	vperm.xlane v25, v0;
	s21 =	simm.s32 $0x2900;
	v26 =	vadd.s32 v3, v33  }
0x3b5: {  	[tilespmem:s21], [sflag:$0x1] =	stream.indirect_vreg.gather [hbm4b:s11+s3], $0x80, v27, vm0, $0xb8;
	[tilespmem:$0x10700] =	vst v63  }
0x3b6: {  	v35 =	vperm.xlane v25, v9;
	s17 =	simm.s32 $0x2980;
	v27 =	vadd.s32 v3, v34  }
0x3b7: {  	[tilespmem:s17], [sflag:$0x1] =	stream.indirect_vreg.gather [hbm4b:s11+s3], $0x80, v32, vm0, $0xb8;
	[tilespmem:$0x10700] =	vst v63  }
0x3b8: {  	v37 =	vperm.xlane v25, v10;
	v36 =	vadd.s32 v3, v35;
	s20 =	simm.s32 $0x2A00  }
0x3b9: {  	[tilespmem:s20], [sflag:$0x1] =	stream.indirect_vreg.gather [hbm4b:s11+s3], $0x80, v26, vm0, $0xb8;
	[tilespmem:$0x10700] =	vst v63  }
0x3ba: {  	v38 =	vperm.xlane v25, v11;
	s21 =	simm.s32 $0x2A80;
	v26 =	vadd.s32 v3, v37  }
0x3bb: {  	[tilespmem:s21], [sflag:$0x1] =	stream.indirect_vreg.gather [hbm4b:s11+s3], $0x80, v27, vm0, $0xb8;
	[tilespmem:$0x10700] =	vst v63  }
0x3bc: {  	v39 =	vperm.xlane v25, v13;
	s17 =	simm.s32 $0x2B00;
	v27 =	vadd.s32 v3, v38  }
0x3bd: {  	[tilespmem:s17], [sflag:$0x1] =	stream.indirect_vreg.gather [hbm4b:s11+s3], $0x80, v36, vm0, $0xb8;
	[tilespmem:$0x10700] =	vst v63  }
0x3be: {  	v41 =	vperm.xlane v25, v14;
	v40 =	vadd.s32 v3, v39;
	s20 =	simm.s32 $0x2B80  }
0x3bf: {  	[tilespmem:s20], [sflag:$0x1] =	stream.indirect_vreg.gather [hbm4b:s11+s3], $0x80, v26, vm0, $0xb8;
	[tilespmem:$0x10700] =	vst v63  }
0x3c0: {  	v42 =	vperm.xlane v25, v15;
	s21 =	simm.s32 $0x2C00;
	v26 =	vadd.s32 v3, v41  }
0x3c1: {  	[tilespmem:s21], [sflag:$0x1] =	stream.indirect_vreg.gather [hbm4b:s11+s3], $0x80, v27, vm0, $0xb8;
	[tilespmem:$0x10700] =	vst v63  }
0x3c2: {  	v43 =	vperm.xlane v25, v16;
	s17 =	simm.s32 $0x2C80;
	v27 =	vadd.s32 v3, v42  }
0x3c3: {  	[tilespmem:s17], [sflag:$0x1] =	stream.indirect_vreg.gather [hbm4b:s11+s3], $0x80, v40, vm0, $0xb8;
	[tilespmem:$0x10700] =	vst v63  }
0x3c4: {  	v25 =	vperm.xlane v25, v17;
	v44 =	vadd.s32 v3, v43;
	s20 =	simm.s32 $0x2D00  }
0x3c5: {  	[tilespmem:s20], [sflag:$0x1] =	stream.indirect_vreg.gather [hbm4b:s11+s3], $0x80, v26, vm0, $0xb8;
	[tilespmem:$0x10700] =	vst v63  }
0x3c6: {  	v25 =	vadd.s32 v3, v25;
	s21 =	simm.s32 $0x2D80  }
0x3c7: {  	[tilespmem:s21], [sflag:$0x1] =	stream.indirect_vreg.gather [hbm4b:s11+s3], $0x80, v27, vm0, $0xb8;
	[tilespmem:$0x10700] =	vst v63  }
0x3c8: {  	s17 =	simm.s32 $0x2E00  }
0x3c9: {  	[tilespmem:s17], [sflag:$0x1] =	stream.indirect_vreg.gather [hbm4b:s11+s3], $0x80, v44, vm0, $0xb8;
	[tilespmem:$0x10700] =	vst v63  }
0x3ca: {  	s20 =	simm.s32 $0x2E80  }
0x3cb: {  	[tilespmem:s20], [sflag:$0x1] =	stream.indirect_vreg.gather [hbm4b:s11+s3], $0x80, v25, vm0, $0xb8;
	[tilespmem:$0x10700] =	vst v63  }
0x3cc: {  	v25 =	vld [tilespmem:s12+$0x50];
	_ =	sdelay $0x4  }
0x3cd: {  	v26 =	vshll.u32 v25, $0x5  }
0x3ce: {  	v25 =	vand.u32 $0x7, v25;
	v26 =	vand.u32 $0xFFFFFF00, v26  }
0x3cf: {  	v25 =	vor.u32 v25, v26  }
0x3d0: {  	v26 =	vperm.xlane v25, v2;
	_ =	sdelay $0x1  }
0x3d1: {  	v27 =	vperm.xlane v25, v4;
	v26 =	vadd.s32 v3, v26;
	_ =	sdelay $0x1  }
0x3d2: {  	v45 =	vperm.xlane v25, v5;
	v27 =	vadd.s32 v3, v27;
	_ =	sdelay $0x1  }
0x3d3: {  	s21 =	simm.s32 $0x2F00;
	v46 =	vperm.xlane v25, v6;
	v28 =	vadd.s32 v3, v45  }
0x3d4: {  	[tilespmem:s21], [sflag:$0x1] =	stream.indirect_vreg.gather [hbm4b:s11+s3], $0x80, v26, vm0, $0xb8;
	[tilespmem:$0x10700] =	vst v63  }
0x3d5: {  	s17 =	simm.s32 $0x2F80;
	v47 =	vperm.xlane v25, v7;
	v26 =	vadd.s32 v3, v46  }
0x3d6: {  	[tilespmem:s17], [sflag:$0x1] =	stream.indirect_vreg.gather [hbm4b:s11+s3], $0x80, v27, vm0, $0xb8;
	[tilespmem:$0x10700] =	vst v63  }
0x3d7: {  	s20 =	simm.s32 $0x3000;
	v48 =	vperm.xlane v25, v1;
	v27 =	vadd.s32 v3, v47  }
0x3d8: {  	[tilespmem:s20], [sflag:$0x1] =	stream.indirect_vreg.gather [hbm4b:s11+s3], $0x80, v28, vm0, $0xb8;
	[tilespmem:$0x10700] =	vst v63  }
0x3d9: {  	v50 =	vperm.xlane v25, v8;
	v49 =	vadd.s32 v3, v48;
	s21 =	simm.s32 $0x3080  }
0x3da: {  	[tilespmem:s21], [sflag:$0x1] =	stream.indirect_vreg.gather [hbm4b:s11+s3], $0x80, v26, vm0, $0xb8;
	[tilespmem:$0x10700] =	vst v63  }
0x3db: {  	v51 =	vperm.xlane v25, v0;
	s17 =	simm.s32 $0x3100;
	v26 =	vadd.s32 v3, v50  }
0x3dc: {  	[tilespmem:s17], [sflag:$0x1] =	stream.indirect_vreg.gather [hbm4b:s11+s3], $0x80, v27, vm0, $0xb8;
	[tilespmem:$0x10700] =	vst v63  }
0x3dd: {  	v52 =	vperm.xlane v25, v9;
	s20 =	simm.s32 $0x3180;
	v27 =	vadd.s32 v3, v51  }
0x3de: {  	[tilespmem:s20], [sflag:$0x1] =	stream.indirect_vreg.gather [hbm4b:s11+s3], $0x80, v49, vm0, $0xb8;
	[tilespmem:$0x10700] =	vst v63  }
0x3df: {  	v54 =	vperm.xlane v25, v10;
	v53 =	vadd.s32 v3, v52;
	s21 =	simm.s32 $0x3200  }
0x3e0: {  	[tilespmem:s21], [sflag:$0x1] =	stream.indirect_vreg.gather [hbm4b:s11+s3], $0x80, v26, vm0, $0xb8;
	[tilespmem:$0x10700] =	vst v63  }
0x3e1: {  	v55 =	vperm.xlane v25, v11;
	s17 =	simm.s32 $0x3280;
	v26 =	vadd.s32 v3, v54  }
0x3e2: {  	[tilespmem:s17], [sflag:$0x1] =	stream.indirect_vreg.gather [hbm4b:s11+s3], $0x80, v27, vm0, $0xb8;
	[tilespmem:$0x10700] =	vst v63  }
0x3e3: {  	v56 =	vperm.xlane v25, v13;
	s20 =	simm.s32 $0x3300;
	v27 =	vadd.s32 v3, v55  }
0x3e4: {  	[tilespmem:s20], [sflag:$0x1] =	stream.indirect_vreg.gather [hbm4b:s11+s3], $0x80, v53, vm0, $0xb8;
	[tilespmem:$0x10700] =	vst v63  }
0x3e5: {  	v58 =	vperm.xlane v25, v14;
	v57 =	vadd.s32 v3, v56;
	s21 =	simm.s32 $0x3380  }
0x3e6: {  	[tilespmem:s21], [sflag:$0x1] =	stream.indirect_vreg.gather [hbm4b:s11+s3], $0x80, v26, vm0, $0xb8;
	[tilespmem:$0x10700] =	vst v63  }
0x3e7: {  	v59 =	vperm.xlane v25, v15;
	s17 =	simm.s32 $0x3400;
	v26 =	vadd.s32 v3, v58  }
0x3e8: {  	[tilespmem:s17], [sflag:$0x1] =	stream.indirect_vreg.gather [hbm4b:s11+s3], $0x80, v27, vm0, $0xb8;
	[tilespmem:$0x10700] =	vst v63  }
0x3e9: {  	v60 =	vperm.xlane v25, v16;
	s20 =	simm.s32 $0x3480;
	v27 =	vadd.s32 v3, v59  }
0x3ea: {  	[tilespmem:s20], [sflag:$0x1] =	stream.indirect_vreg.gather [hbm4b:s11+s3], $0x80, v57, vm0, $0xb8;
	[tilespmem:$0x10700] =	vst v63  }
0x3eb: {  	v25 =	vperm.xlane v25, v17;
	v61 =	vadd.s32 v3, v60;
	s21 =	simm.s32 $0x3500  }
0x3ec: {  	[tilespmem:s21], [sflag:$0x1] =	stream.indirect_vreg.gather [hbm4b:s11+s3], $0x80, v26, vm0, $0xb8;
	[tilespmem:$0x10700] =	vst v63  }
0x3ed: {  	v25 =	vadd.s32 v3, v25;
	s17 =	simm.s32 $0x3580  }
0x3ee: {  	[tilespmem:s17], [sflag:$0x1] =	stream.indirect_vreg.gather [hbm4b:s11+s3], $0x80, v27, vm0, $0xb8;
	[tilespmem:$0x10700] =	vst v63  }
0x3ef: {  	s20 =	simm.s32 $0x3600  }
0x3f0: {  	[tilespmem:s20], [sflag:$0x1] =	stream.indirect_vreg.gather [hbm4b:s11+s3], $0x80, v61, vm0, $0xb8;
	[tilespmem:$0x10700] =	vst v63  }
0x3f1: {  	s21 =	simm.s32 $0x3680  }
0x3f2: {  	[tilespmem:s21], [sflag:$0x1] =	stream.indirect_vreg.gather [hbm4b:s11+s3], $0x80, v25, vm0, $0xb8;
	[tilespmem:$0x10700] =	vst v63  }
0x3f3: {  	v25 =	vld [tilespmem:s12+$0x60];
	_ =	sdelay $0x4  }
0x3f4: {  	v26 =	vshll.u32 v25, $0x5  }
0x3f5: {  	v25 =	vand.u32 $0x7, v25;
	v26 =	vand.u32 $0xFFFFFF00, v26  }
0x3f6: {  	v25 =	vor.u32 v25, v26  }
0x3f7: {  	v26 =	vperm.xlane v25, v2;
	_ =	sdelay $0x1  }
0x3f8: {  	v27 =	vperm.xlane v25, v4;
	v26 =	vadd.s32 v3, v26;
	_ =	sdelay $0x1  }
0x3f9: {  	v62 =	vperm.xlane v25, v5;
	v27 =	vadd.s32 v3, v27;
	_ =	sdelay $0x1  }
0x3fa: {  	s17 =	simm.s32 $0x3700;
	v63 =	vperm.xlane v25, v6;
	v28 =	vadd.s32 v3, v62  }
0x3fb: {  	[tilespmem:s17], [sflag:$0x1] =	stream.indirect_vreg.gather [hbm4b:s11+s3], $0x80, v26, vm0, $0xb8;
	[tilespmem:$0x10700] =	vst v63  }
0x3fc: {  	s20 =	simm.s32 $0x3780;
	v32 =	vperm.xlane v25, v7;
	v26 =	vadd.s32 v3, v63  }
0x3fd: {  	[tilespmem:s20], [sflag:$0x1] =	stream.indirect_vreg.gather [hbm4b:s11+s3], $0x80, v27, vm0, $0xb8;
	[tilespmem:$0x10700] =	vst v63  }
0x3fe: {  	v33 =	vperm.xlane v25, v1;
	v27 =	vadd.s32 v3, v32  }
0x3ff: {  	[tilespmem:s26], [sflag:$0x1] =	stream.indirect_vreg.gather [hbm4b:s11+s3], $0x80, v28, vm0, $0xb8;
	[tilespmem:$0x10700] =	vst v63  }
0x400: {  	s21 =	simm.s32 $0x3880;
	v35 =	vperm.xlane v25, v8;
	v34 =	vadd.s32 v3, v33  }
0x401: {  	[tilespmem:s21], [sflag:$0x1] =	stream.indirect_vreg.gather [hbm4b:s11+s3], $0x80, v26, vm0, $0xb8;
	[tilespmem:$0x10700] =	vst v63  }
0x402: {  	v36 =	vperm.xlane v25, v0;
	s17 =	simm.s32 $0x3900;
	v26 =	vadd.s32 v3, v35  }
0x403: {  	[tilespmem:s17], [sflag:$0x1] =	stream.indirect_vreg.gather [hbm4b:s11+s3], $0x80, v27, vm0, $0xb8;
	[tilespmem:$0x10700] =	vst v63  }
0x404: {  	v37 =	vperm.xlane v25, v9;
	s20 =	simm.s32 $0x3980;
	v27 =	vadd.s32 v3, v36  }
0x405: {  	[tilespmem:s20], [sflag:$0x1] =	stream.indirect_vreg.gather [hbm4b:s11+s3], $0x80, v34, vm0, $0xb8;
	[tilespmem:$0x10700] =	vst v63  }
0x406: {  	v39 =	vperm.xlane v25, v10;
	v38 =	vadd.s32 v3, v37;
	s21 =	simm.s32 $0x3A00  }
0x407: {  	[tilespmem:s21], [sflag:$0x1] =	stream.indirect_vreg.gather [hbm4b:s11+s3], $0x80, v26, vm0, $0xb8;
	[tilespmem:$0x10700] =	vst v63  }
0x408: {  	v40 =	vperm.xlane v25, v11;
	s17 =	simm.s32 $0x3A80;
	v26 =	vadd.s32 v3, v39  }
0x409: {  	[tilespmem:s17], [sflag:$0x1] =	stream.indirect_vreg.gather [hbm4b:s11+s3], $0x80, v27, vm0, $0xb8;
	[tilespmem:$0x10700] =	vst v63  }
0x40a: {  	v41 =	vperm.xlane v25, v13;
	s20 =	simm.s32 $0x3B00;
	v27 =	vadd.s32 v3, v40  }
0x40b: {  	[tilespmem:s20], [sflag:$0x1] =	stream.indirect_vreg.gather [hbm4b:s11+s3], $0x80, v38, vm0, $0xb8;
	[tilespmem:$0x10700] =	vst v63  }
0x40c: {  	v43 =	vperm.xlane v25, v14;
	v42 =	vadd.s32 v3, v41;
	s21 =	simm.s32 $0x3B80  }
0x40d: {  	[tilespmem:s21], [sflag:$0x1] =	stream.indirect_vreg.gather [hbm4b:s11+s3], $0x80, v26, vm0, $0xb8;
	[tilespmem:$0x10700] =	vst v63  }
0x40e: {  	v44 =	vperm.xlane v25, v15;
	s17 =	simm.s32 $0x3C00;
	v26 =	vadd.s32 v3, v43  }
0x40f: {  	[tilespmem:s17], [sflag:$0x1] =	stream.indirect_vreg.gather [hbm4b:s11+s3], $0x80, v27, vm0, $0xb8;
	[tilespmem:$0x10700] =	vst v63  }
0x410: {  	v45 =	vperm.xlane v25, v16;
	s20 =	simm.s32 $0x3C80;
	v27 =	vadd.s32 v3, v44  }
0x411: {  	[tilespmem:s20], [sflag:$0x1] =	stream.indirect_vreg.gather [hbm4b:s11+s3], $0x80, v42, vm0, $0xb8;
	[tilespmem:$0x10700] =	vst v63  }
0x412: {  	v25 =	vperm.xlane v25, v17;
	v46 =	vadd.s32 v3, v45;
	s21 =	simm.s32 $0x3D00  }
0x413: {  	[tilespmem:s21], [sflag:$0x1] =	stream.indirect_vreg.gather [hbm4b:s11+s3], $0x80, v26, vm0, $0xb8;
	[tilespmem:$0x10700] =	vst v63  }
0x414: {  	v25 =	vadd.s32 v3, v25;
	s17 =	simm.s32 $0x3D80  }
0x415: {  	[tilespmem:s17], [sflag:$0x1] =	stream.indirect_vreg.gather [hbm4b:s11+s3], $0x80, v27, vm0, $0xb8;
	[tilespmem:$0x10700] =	vst v63  }
0x416: {  	s20 =	simm.s32 $0x3E00  }
0x417: {  	[tilespmem:s20], [sflag:$0x1] =	stream.indirect_vreg.gather [hbm4b:s11+s3], $0x80, v46, vm0, $0xb8;
	[tilespmem:$0x10700] =	vst v63  }
0x418: {  	s21 =	simm.s32 $0x3E80  }
0x419: {  	[tilespmem:s21], [sflag:$0x1] =	stream.indirect_vreg.gather [hbm4b:s11+s3], $0x80, v25, vm0, $0xb8;
	[tilespmem:$0x10700] =	vst v63  }
0x41a: {  	v25 =	vld [tilespmem:s12+$0x70];
	_ =	sdelay $0x4  }
0x41b: {  	v26 =	vshll.u32 v25, $0x5  }
0x41c: {  	v25 =	vand.u32 $0x7, v25;
	v26 =	vand.u32 $0xFFFFFF00, v26  }
0x41d: {  	v25 =	vor.u32 v25, v26  }
0x41e: {  	v26 =	vperm.xlane v25, v2;
	_ =	sdelay $0x1  }
0x41f: {  	v27 =	vperm.xlane v25, v4;
	v26 =	vadd.s32 v3, v26;
	_ =	sdelay $0x1  }
0x420: {  	v47 =	vperm.xlane v25, v5;
	v27 =	vadd.s32 v3, v27;
	_ =	sdelay $0x1  }
0x421: {  	s13 =	simm.s32 $0x3F00;
	v48 =	vperm.xlane v25, v6;
	v28 =	vadd.s32 v3, v47  }
0x422: {  	[tilespmem:s13], [sflag:$0x1] =	stream.indirect_vreg.gather [hbm4b:s11+s3], $0x80, v26, vm0, $0xb8;
	[tilespmem:$0x10700] =	vst v63  }
0x423: {  	s17 =	simm.s32 $0x3F80;
	v49 =	vperm.xlane v25, v7;
	v26 =	vadd.s32 v3, v48  }
0x424: {  	[tilespmem:s17], [sflag:$0x1] =	stream.indirect_vreg.gather [hbm4b:s11+s3], $0x80, v27, vm0, $0xb8;
	[tilespmem:$0x10700] =	vst v63  }
0x425: {  	s20 =	simm.s32 $0x4000;
	v50 =	vperm.xlane v25, v1;
	v27 =	vadd.s32 v3, v49  }
0x426: {  	[tilespmem:s20], [sflag:$0x1] =	stream.indirect_vreg.gather [hbm4b:s11+s3], $0x80, v28, vm0, $0xb8;
	[tilespmem:$0x10700] =	vst v63  }
0x427: {  	s21 =	simm.s32 $0x4080;
	v52 =	vperm.xlane v25, v8;
	v51 =	vadd.s32 v3, v50  }
0x428: {  	[tilespmem:s21], [sflag:$0x1] =	stream.indirect_vreg.gather [hbm4b:s11+s3], $0x80, v26, vm0, $0xb8;
	[tilespmem:$0x10700] =	vst v63  }
0x429: {  	v53 =	vperm.xlane v25, v0;
	s13 =	simm.s32 $0x4100;
	v26 =	vadd.s32 v3, v52  }
0x42a: {  	[tilespmem:s13], [sflag:$0x1] =	stream.indirect_vreg.gather [hbm4b:s11+s3], $0x80, v27, vm0, $0xb8;
	[tilespmem:$0x10700] =	vst v63  }
0x42b: {  	v54 =	vperm.xlane v25, v9;
	s17 =	simm.s32 $0x4180;
	v27 =	vadd.s32 v3, v53  }
0x42c: {  	[tilespmem:s17], [sflag:$0x1] =	stream.indirect_vreg.gather [hbm4b:s11+s3], $0x80, v51, vm0, $0xb8;
	[tilespmem:$0x10700] =	vst v63  }
0x42d: {  	v56 =	vperm.xlane v25, v10;
	v55 =	vadd.s32 v3, v54;
	s20 =	simm.s32 $0x4200  }
0x42e: {  	[tilespmem:s20], [sflag:$0x1] =	stream.indirect_vreg.gather [hbm4b:s11+s3], $0x80, v26, vm0, $0xb8;
	[tilespmem:$0x10700] =	vst v63  }
0x42f: {  	v57 =	vperm.xlane v25, v11;
	s21 =	simm.s32 $0x4280;
	v26 =	vadd.s32 v3, v56  }
0x430: {  	[tilespmem:s21], [sflag:$0x1] =	stream.indirect_vreg.gather [hbm4b:s11+s3], $0x80, v27, vm0, $0xb8;
	[tilespmem:$0x10700] =	vst v63  }
0x431: {  	v58 =	vperm.xlane v25, v13;
	s13 =	simm.s32 $0x4300;
	v27 =	vadd.s32 v3, v57  }
0x432: {  	[tilespmem:s13], [sflag:$0x1] =	stream.indirect_vreg.gather [hbm4b:s11+s3], $0x80, v55, vm0, $0xb8;
	[tilespmem:$0x10700] =	vst v63  }
0x433: {  	v60 =	vperm.xlane v25, v14;
	v59 =	vadd.s32 v3, v58;
	s17 =	simm.s32 $0x4380  }
0x434: {  	[tilespmem:s17], [sflag:$0x1] =	stream.indirect_vreg.gather [hbm4b:s11+s3], $0x80, v26, vm0, $0xb8;
	[tilespmem:$0x10700] =	vst v63  }
0x435: {  	v61 =	vperm.xlane v25, v15;
	s20 =	simm.s32 $0x4400;
	v26 =	vadd.s32 v3, v60  }
0x436: {  	[tilespmem:s20], [sflag:$0x1] =	stream.indirect_vreg.gather [hbm4b:s11+s3], $0x80, v27, vm0, $0xb8;
	[tilespmem:$0x10700] =	vst v63  }
0x437: {  	v62 =	vperm.xlane v25, v16;
	s21 =	simm.s32 $0x4480;
	v27 =	vadd.s32 v3, v61  }
0x438: {  	[tilespmem:s21], [sflag:$0x1] =	stream.indirect_vreg.gather [hbm4b:s11+s3], $0x80, v59, vm0, $0xb8;
	[tilespmem:$0x10700] =	vst v63  }
0x439: {  	v25 =	vperm.xlane v25, v17;
	v63 =	vadd.s32 v3, v62;
	s13 =	simm.s32 $0x4500  }
0x43a: {  	[tilespmem:s13], [sflag:$0x1] =	stream.indirect_vreg.gather [hbm4b:s11+s3], $0x80, v26, vm0, $0xb8;
	[tilespmem:$0x10700] =	vst v63  }
0x43b: {  	v25 =	vadd.s32 v3, v25;
	s17 =	simm.s32 $0x4580  }
0x43c: {  	[tilespmem:s17], [sflag:$0x1] =	stream.indirect_vreg.gather [hbm4b:s11+s3], $0x80, v27, vm0, $0xb8;
	[tilespmem:$0x10700] =	vst v63  }
0x43d: {  	s20 =	simm.s32 $0x4600  }
0x43e: {  	[tilespmem:s20], [sflag:$0x1] =	stream.indirect_vreg.gather [hbm4b:s11+s3], $0x80, v63, vm0, $0xb8;
	[tilespmem:$0x10700] =	vst v63  }
0x43f: {  	s21 =	simm.s32 $0x4680  }
0x440: {  	[tilespmem:s21], [sflag:$0x1] =	stream.indirect_vreg.gather [hbm4b:s11+s3], $0x80, v25, vm0, $0xb8;
	[tilespmem:$0x10700] =	vst v63  }
.LBB2_6:
0x441: {  	_ =	swait.ge [sflag:s15], $0x4000  }
0x442: {  	s11 =	simm.s32 $0x1;
	[sflag:s15] =	ssyncset.done $0x0  }
0x443: {  	s12 =	simm.s32 @!p0 $0x4;
	s13 =	simm.s32 $0x0;
	v25 =	vmov s11;
	[sflag:s15] =	ssyncadd.s32 $0xFFFFC000  }
0x444: {  	v26 =	vmov s13;
	v25 =	vand.u32 $0x7F, v25;
	_ =	swait.ge @!p0 [sflag:s12], $0x4000  }
0x445: {  	v26 =	vand.u32 $0x7E, v26;
	v30 =	vbroadcast v25, $0x0;
	[sflag:s12] =	ssyncset.done @!p0 $0x0  }
0x446: {  	s13 =	simm.s32 $0x47F0;
	v34 =	vbroadcast v26, $0x0;
	[sflag:s12] =	ssyncadd.s32 @!p0 $0xFFFFC000  }
0x447: {  	v26 =	vor.u32 v12, v30;
	v25 =	vld [tilespmem:s13+$0xFFFFFF90]  }
0x448: {  	v28 =	vor.u32 v12, v34;
	v27 =	vld [tilespmem:s13+$0xFFFFFF10];
	_ =	sdelay $0x3  }
0x449: {  	[tilespmem:v26+s16+$0x0] =	vst.idx.msk $0xffff, v25  }
0x44a: {  	[tilespmem:v28+s16+$0x0] =	vst.idx.msk $0xffff, v27;
	v26 =	vor.u32 v18, v30;
	v25 =	vld [tilespmem:s13+$0xFFFFFFA0]  }
0x44b: {  	v28 =	vor.u32 v18, v34;
	v27 =	vld [tilespmem:s13+$0xFFFFFF20];
	_ =	sdelay $0x3  }
0x44c: {  	s17 =	simm.s32 $0x3;
	[tilespmem:v26+s16+$0x0] =	vst.idx.msk $0xffff, v25  }
0x44d: {  	s20 =	simm.s32 $0x2;
	v25 =	vmov s17;
	[tilespmem:v28+s16+$0x0] =	vst.idx.msk $0xffff, v27;
	v28 =	vor.u32 v19, v30;
	v27 =	vld [tilespmem:s13+$0xFFFFFFB0]  }
0x44e: {  	v31 =	vor.u32 v19, v34;
	v26 =	vmov s20;
	v25 =	vand.u32 $0x7F, v25;
	v29 =	vld [tilespmem:s13+$0xFFFFFF30]  }
0x44f: {  	v32 =	vand.u32 $0x7E, v26;
	v26 =	vbroadcast v25, $0x0  }
0x450: {  	s11 =	simm.s32 $0x48F0;
	v25 =	vbroadcast v32, $0x0  }
0x451: {  	v51 =	vld [tilespmem:s11+$0xFFFFFF90];
	v33 =	vor.u32 v12, v26  }
0x452: {  	v35 =	vld [tilespmem:s11+$0xFFFFFF10];
	v36 =	vor.u32 v12, v25;
	[tilespmem:v28+s16+$0x0] =	vst.idx.msk $0xffff, v27  }
0x453: {  	[tilespmem:v31+s16+$0x0] =	vst.idx.msk $0xffff, v29;
	v28 =	vor.u32 v20, v30;
	v27 =	vld [tilespmem:s13+$0xFFFFFFC0]  }
0x454: {  	v31 =	vor.u32 v20, v34;
	v29 =	vld [tilespmem:s13+$0xFFFFFF40];
	_ =	sdelay $0x1  }
0x455: {  	[tilespmem:v33+s16+$0x0] =	vst.idx.msk $0xffff, v51  }
0x456: {  	v52 =	vor.u32 v18, v26;
	[tilespmem:v36+s16+$0x0] =	vst.idx.msk $0xffff, v35;
	v32 =	vld [tilespmem:s11+$0xFFFFFFA0]  }
0x457: {  	v53 =	vor.u32 v18, v25;
	v35 =	vld [tilespmem:s11+$0xFFFFFF20];
	[tilespmem:v28+s16+$0x0] =	vst.idx.msk $0xffff, v27  }
0x458: {  	[tilespmem:v31+s16+$0x0] =	vst.idx.msk $0xffff, v29;
	v28 =	vor.u32 v21, v30;
	v27 =	vld [tilespmem:s13+$0xFFFFFFD0]  }
0x459: {  	v31 =	vor.u32 v21, v34;
	v29 =	vld [tilespmem:s13+$0xFFFFFF50];
	_ =	sdelay $0x1  }
0x45a: {  	s21 =	simm.s32 $0x5;
	[tilespmem:v52+s16+$0x0] =	vst.idx.msk $0xffff, v32  }
0x45b: {  	v54 =	vmov s21;
	s17 =	simm.s32 $0x4;
	v55 =	vor.u32 v19, v26;
	[tilespmem:v53+s16+$0x0] =	vst.idx.msk $0xffff, v35;
	v33 =	vld [tilespmem:s11+$0xFFFFFFB0]  }
0x45c: {  	v56 =	vmov s17;
	v38 =	vor.u32 v19, v25;
	v32 =	vand.u32 $0x7F, v54;
	v37 =	vld [tilespmem:s11+$0xFFFFFF30];
	[tilespmem:v28+s16+$0x0] =	vst.idx.msk $0xffff, v27  }
0x45d: {  	v28 =	vand.u32 $0x7E, v56;
	v27 =	vbroadcast v32, $0x0;
	[tilespmem:v31+s16+$0x0] =	vst.idx.msk $0xffff, v29;
	v31 =	vor.u32 v22, v30;
	v29 =	vld [tilespmem:s13+$0xFFFFFFE0]  }
0x45e: {  	s12 =	simm.s32 $0x49F0;
	v58 =	vor.u32 v22, v34;
	v28 =	vbroadcast v28, $0x0;
	v57 =	vld [tilespmem:s13+$0xFFFFFF60]  }
0x45f: {  	v39 =	vld [tilespmem:s12+$0xFFFFFF90];
	v40 =	vor.u32 v12, v27  }
0x460: {  	v41 =	vld [tilespmem:s12+$0xFFFFFF10];
	v42 =	vor.u32 v12, v28;
	[tilespmem:v55+s16+$0x0] =	vst.idx.msk $0xffff, v33  }
0x461: {  	v59 =	vor.u32 v20, v26;
	[tilespmem:v38+s16+$0x0] =	vst.idx.msk $0xffff, v37;
	v33 =	vld [tilespmem:s11+$0xFFFFFFC0]  }
0x462: {  	v43 =	vor.u32 v20, v25;
	v38 =	vld [tilespmem:s11+$0xFFFFFF40];
	[tilespmem:v31+s16+$0x0] =	vst.idx.msk $0xffff, v29  }
0x463: {  	[tilespmem:v58+s16+$0x0] =	vst.idx.msk $0xffff, v57  }
0x464: {  	v31 =	vor.u32 v23, v30;
	v29 =	vld [tilespmem:s13+$0xFFFFFFF0];
	[tilespmem:v40+s16+$0x0] =	vst.idx.msk $0xffff, v39  }
0x465: {  	v61 =	vor.u32 v23, v34;
	v60 =	vld [tilespmem:s13+$0xFFFFFF70];
	[tilespmem:v42+s16+$0x0] =	vst.idx.msk $0xffff, v41  }
0x466: {  	s9 =	sadd.s32 $0x1, s9;
	v63 =	vor.u32 v18, v27;
	v62 =	vld [tilespmem:s12+$0xFFFFFFA0];
	[tilespmem:v59+s16+$0x0] =	vst.idx.msk $0xffff, v33  }
0x467: {  	s10 =	sadd.s32 $0x1, s10;
	p2 =	seq.s32 s9, $0xE;
	v37 =	vld [tilespmem:s12+$0xFFFFFF20];
	[tilespmem:v43+s16+$0x0] =	vst.idx.msk $0xffff, v38;
	v38 =	vor.u32 v18, v28  }
0x468: {  	s21 =	simm.s32 $0x7;
	s9 =	simm.s32 @p2 $0x0;
	s20 =	simm.s32 $0x1;
	v36 =	vor.u32 v21, v26;
	v33 =	vld [tilespmem:s11+$0xFFFFFFD0]  }
0x469: {  	p0 =	seq.s32 s10, $0xE;
	s17 =	simm.s32 $0x1;
	s20 =	simm.s32 @!p2 $0x0;
	v35 =	vor.u32 v21, v25;
	v32 =	vld [tilespmem:s11+$0xFFFFFF50];
	[tilespmem:v31+s16+$0x0] =	vst.idx.msk $0xffff, v29  }
0x46a: {  	s10 =	simm.s32 @p0 $0x0;
	s17 =	simm.s32 @!p0 $0x0;
	s7 =	sadd.s32 s20, s7;
	v30 =	vor.u32 v24, v30;
	[tilespmem:v61+s16+$0x0] =	vst.idx.msk $0xffff, v60;
	v29 =	vld [tilespmem:s13+$0x0]  }
0x46b: {  	s20 =	simm.s32 $0x8;
	s8 =	sadd.s32 s17, s8;
	s17 =	simm.s32 $0x6;
	v34 =	vor.u32 v24, v34;
	[tilespmem:v63+s16+$0x0] =	vst.idx.msk $0xffff, v62;
	v31 =	vld [tilespmem:s13+$0xFFFFFF80]  }
.LBB2_7:
0x46c: {  	p0 =	slt.u32 s20, $0x7E;
	v39 =	vmov s21;
	[tilespmem:v38+s16+$0x0] =	vst.idx.msk $0xffff, v37;
	v37 =	vld [tilespmem:s12+$0xFFFFFFB0];
	v38 =	vor.u32 v19, v27;
	s13 =	smov.u32 s12  }
0x46d: {  	v40 =	vmov s17;
	v42 =	vor.u32 v19, v28;
	s17 =	smov.u32 s20;
	v39 =	vand.u32 $0x7F, v39;
	v41 =	vld [tilespmem:s12+$0xFFFFFF30];
	[tilespmem:v36+s16+$0x0] =	vst.idx.msk $0xffff, v33  }
0x46e: {  	v33 =	vand.u32 $0x7E, v40;
	v39 =	vbroadcast v39, $0x0;
	[tilespmem:v35+s16+$0x0] =	vst.idx.msk $0xffff, v32;
	v32 =	vld [tilespmem:s11+$0xFFFFFFE0];
	v35 =	vor.u32 v22, v26  }
0x46f: {  	s12 =	sadd.s32 $0x100, s12;
	v36 =	vor.u32 v22, v25;
	v40 =	vbroadcast v33, $0x0;
	v33 =	vld [tilespmem:s11+$0xFFFFFF60];
	[tilespmem:v30+s16+$0x0] =	vst.idx.msk $0xffff, v29  }
0x470: {  	v29 =	vld [tilespmem:s12+$0xFFFFFF90];
	v30 =	vor.u32 v12, v39;
	[tilespmem:v34+s16+$0x0] =	vst.idx.msk $0xffff, v31  }
0x471: {  	v34 =	vor.u32 v12, v40;
	v31 =	vld [tilespmem:s12+$0xFFFFFF10];
	[tilespmem:v38+s16+$0x0] =	vst.idx.msk $0xffff, v37  }
0x472: {  	[tilespmem:v42+s16+$0x0] =	vst.idx.msk $0xffff, v41;
	v41 =	vld [tilespmem:s13+$0xFFFFFFC0];
	v42 =	vor.u32 v20, v27  }
0x473: {  	v44 =	vor.u32 v20, v28;
	v43 =	vld [tilespmem:s13+$0xFFFFFF40];
	[tilespmem:v35+s16+$0x0] =	vst.idx.msk $0xffff, v32  }
0x474: {  	v46 =	vor.u32 v23, v26;
	[tilespmem:v36+s16+$0x0] =	vst.idx.msk $0xffff, v33;
	v45 =	vld [tilespmem:s11+$0xFFFFFFF0]  }
0x475: {  	[tilespmem:v30+s16+$0x0] =	vst.idx.msk $0xffff, v29;
	v29 =	vld [tilespmem:s11+$0xFFFFFF70];
	v30 =	vor.u32 v23, v25  }
0x476: {  	[tilespmem:v34+s16+$0x0] =	vst.idx.msk $0xffff, v31;
	v31 =	vld [tilespmem:s12+$0xFFFFFFA0];
	v34 =	vor.u32 v18, v39  }
.Ltmp6:
0x477: {  	v38 =	vor.u32 v18, v40;
	v37 =	vld [tilespmem:s12+$0xFFFFFF20];
	[tilespmem:v42+s16+$0x0] =	vst.idx.msk $0xffff, v41;
	(pc) =	sbr.rel @p0 .LBB2_7-.Ltmp6, $4  }
0x478: {  	v36 =	vor.u32 v21, v27;
	[tilespmem:v44+s16+$0x0] =	vst.idx.msk $0xffff, v43;
	v33 =	vld [tilespmem:s13+$0xFFFFFFD0]  }
0x479: {  	v35 =	vor.u32 v21, v28;
	v32 =	vld [tilespmem:s13+$0xFFFFFF50];
	[tilespmem:v46+s16+$0x0] =	vst.idx.msk $0xffff, v45  }
0x47a: {  	[tilespmem:v30+s16+$0x0] =	vst.idx.msk $0xffff, v29;
	v29 =	vld [tilespmem:s11+$0x0];
	v30 =	vor.u32 v24, v26;
	v26 =	vmov v27;
	v27 =	vmov v39  }
0x47b: {  	s20 =	sadd.s32 $0x2, s20;
	s21 =	sadd.s32 $0x1, s17;
	[tilespmem:v34+s16+$0x0] =	vst.idx.msk $0xffff, v31;
	v31 =	vld [tilespmem:s11+$0xFFFFFF80];
	v34 =	vor.u32 v24, v25;
	v25 =	vmov v28;
	v28 =	vmov v40;
	s11 =	smov.u32 s13  }
0x47c: {  	v39 =	vmov s21  }
0x47d: {  	v40 =	vmov s17;
	v39 =	vand.u32 $0x7F, v39  }
0x47e: {  	v40 =	vand.u32 $0x7E, v40;
	v39 =	vbroadcast v39, $0x0  }
0x47f: {  	s13 =	sadd.s32 $0x100, s12;
	v40 =	vbroadcast v40, $0x0  }
0x480: {  	v41 =	vld [tilespmem:s13+$0xFFFFFF90];
	v42 =	vor.u32 v12, v39  }
0x481: {  	v43 =	vld [tilespmem:s13+$0xFFFFFF10];
	v44 =	vor.u32 v12, v40;
	_ =	sdelay $0x3  }
0x482: {  	[tilespmem:v42+s16+$0x0] =	vst.idx.msk $0xffff, v41  }
0x483: {  	v54 =	vor.u32 v18, v39;
	[tilespmem:v44+s16+$0x0] =	vst.idx.msk $0xffff, v43;
	v41 =	vld [tilespmem:s13+$0xFFFFFFA0]  }
0x484: {  	v55 =	vor.u32 v18, v40;
	v43 =	vld [tilespmem:s13+$0xFFFFFF20];
	_ =	sdelay $0x2  }
0x485: {  	[tilespmem:v38+s16+$0x0] =	vst.idx.msk $0xffff, v37;
	v56 =	vld [tilespmem:s12+$0xFFFFFFB0];
	v57 =	vor.u32 v19, v27  }
0x486: {  	v46 =	vor.u32 v19, v28;
	v45 =	vld [tilespmem:s12+$0xFFFFFF30];
	[tilespmem:v54+s16+$0x0] =	vst.idx.msk $0xffff, v41  }
0x487: {  	v58 =	vor.u32 v19, v39;
	[tilespmem:v55+s16+$0x0] =	vst.idx.msk $0xffff, v43;
	v41 =	vld [tilespmem:s13+$0xFFFFFFB0]  }
0x488: {  	v59 =	vor.u32 v19, v40;
	v43 =	vld [tilespmem:s13+$0xFFFFFF30];
	_ =	sdelay $0x1  }
0x489: {  	[tilespmem:v57+s16+$0x0] =	vst.idx.msk $0xffff, v56  }
0x48a: {  	v60 =	vor.u32 v20, v27;
	[tilespmem:v46+s16+$0x0] =	vst.idx.msk $0xffff, v45;
	v37 =	vld [tilespmem:s12+$0xFFFFFFC0]  }
0x48b: {  	v62 =	vor.u32 v20, v28;
	v61 =	vld [tilespmem:s12+$0xFFFFFF40];
	[tilespmem:v58+s16+$0x0] =	vst.idx.msk $0xffff, v41  }
0x48c: {  	v48 =	vor.u32 v20, v39;
	[tilespmem:v59+s16+$0x0] =	vst.idx.msk $0xffff, v43;
	v63 =	vld [tilespmem:s13+$0xFFFFFFC0]  }
0x48d: {  	[tilespmem:v36+s16+$0x0] =	vst.idx.msk $0xffff, v33;
	v50 =	vor.u32 v20, v40;
	v49 =	vld [tilespmem:s13+$0xFFFFFF40]  }
0x48e: {  	[tilespmem:v35+s16+$0x0] =	vst.idx.msk $0xffff, v32  }
0x48f: {  	[tilespmem:v60+s16+$0x0] =	vst.idx.msk $0xffff, v37  }
0x490: {  	v52 =	vor.u32 v21, v27;
	[tilespmem:v62+s16+$0x0] =	vst.idx.msk $0xffff, v61;
	v51 =	vld [tilespmem:s12+$0xFFFFFFD0]  }
0x491: {  	v53 =	vld [tilespmem:s12+$0xFFFFFF50];
	v54 =	vor.u32 v21, v28;
	[tilespmem:v48+s16+$0x0] =	vst.idx.msk $0xffff, v63  }
0x492: {  	v56 =	vor.u32 v21, v39;
	[tilespmem:v50+s16+$0x0] =	vst.idx.msk $0xffff, v49;
	v55 =	vld [tilespmem:s13+$0xFFFFFFD0]  }
0x493: {  	[tilespmem:v30+s16+$0x0] =	vst.idx.msk $0xffff, v29;
	v58 =	vor.u32 v21, v40;
	v57 =	vld [tilespmem:s13+$0xFFFFFF50]  }
0x494: {  	[tilespmem:v34+s16+$0x0] =	vst.idx.msk $0xffff, v31;
	v60 =	vor.u32 v22, v26;
	v59 =	vld [tilespmem:s11+$0xFFFFFFE0]  }
0x495: {  	v61 =	vld [tilespmem:s11+$0xFFFFFF60];
	v62 =	vor.u32 v22, v25;
	[tilespmem:v52+s16+$0x0] =	vst.idx.msk $0xffff, v51  }
0x496: {  	v32 =	vld [tilespmem:s12+$0xFFFFFFE0];
	[tilespmem:v54+s16+$0x0] =	vst.idx.msk $0xffff, v53;
	v63 =	vor.u32 v22, v27  }
0x497: {  	v45 =	vor.u32 v22, v28;
	v37 =	vld [tilespmem:s12+$0xFFFFFF60];
	[tilespmem:v56+s16+$0x0] =	vst.idx.msk $0xffff, v55  }
0x498: {  	v47 =	vor.u32 v22, v39;
	[tilespmem:v58+s16+$0x0] =	vst.idx.msk $0xffff, v57;
	v46 =	vld [tilespmem:s13+$0xFFFFFFE0]  }
0x499: {  	[tilespmem:v60+s16+$0x0] =	vst.idx.msk $0xffff, v59;
	v49 =	vor.u32 v22, v40;
	v48 =	vld [tilespmem:s13+$0xFFFFFF60]  }
0x49a: {  	[tilespmem:v62+s16+$0x0] =	vst.idx.msk $0xffff, v61;
	v51 =	vor.u32 v23, v26;
	v50 =	vld [tilespmem:s11+$0xFFFFFFF0]  }
0x49b: {  	v52 =	vld [tilespmem:s11+$0xFFFFFF70];
	v53 =	vor.u32 v23, v25;
	[tilespmem:v63+s16+$0x0] =	vst.idx.msk $0xffff, v32  }
0x49c: {  	v54 =	vor.u32 v23, v27;
	[tilespmem:v45+s16+$0x0] =	vst.idx.msk $0xffff, v37;
	v32 =	vld [tilespmem:s12+$0xFFFFFFF0]  }
0x49d: {  	v37 =	vld [tilespmem:s12+$0xFFFFFF70];
	v55 =	vor.u32 v23, v28;
	[tilespmem:v47+s16+$0x0] =	vst.idx.msk $0xffff, v46  }
0x49e: {  	v56 =	vor.u32 v23, v39;
	[tilespmem:v49+s16+$0x0] =	vst.idx.msk $0xffff, v48;
	v29 =	vld [tilespmem:s13+$0xFFFFFFF0]  }
0x49f: {  	[tilespmem:v51+s16+$0x0] =	vst.idx.msk $0xffff, v50;
	v58 =	vor.u32 v23, v40;
	v57 =	vld [tilespmem:s13+$0xFFFFFF70]  }
0x4a0: {  	v26 =	vor.u32 v24, v26;
	[tilespmem:v53+s16+$0x0] =	vst.idx.msk $0xffff, v52;
	v34 =	vld [tilespmem:s11+$0x0]  }
0x4a1: {  	v25 =	vor.u32 v24, v25;
	v59 =	vld [tilespmem:s11+$0xFFFFFF80];
	[tilespmem:v54+s16+$0x0] =	vst.idx.msk $0xffff, v32  }
0x4a2: {  	v27 =	vor.u32 v24, v27;
	[tilespmem:v55+s16+$0x0] =	vst.idx.msk $0xffff, v37;
	v32 =	vld [tilespmem:s12+$0x0]  }
0x4a3: {  	v61 =	vor.u32 v24, v28;
	v60 =	vld [tilespmem:s12+$0xFFFFFF80];
	[tilespmem:v56+s16+$0x0] =	vst.idx.msk $0xffff, v29  }
0x4a4: {  	v62 =	vor.u32 v24, v39;
	[tilespmem:v58+s16+$0x0] =	vst.idx.msk $0xffff, v57;
	v29 =	vld [tilespmem:s13+$0x0]  }
0x4a5: {  	v63 =	vor.u32 v24, v40;
	[tilespmem:v26+s16+$0x0] =	vst.idx.msk $0xffff, v34;
	v26 =	vld [tilespmem:s13+$0xFFFFFF80]  }
0x4a6: {  	s20 =	smul.u32 $0x700000, s8;
	s21 =	sshll.u32 s10, $0xA;
	[tilespmem:v25+s16+$0x0] =	vst.idx.msk $0xffff, v59  }
.Ltmp7:
0x4a7: {  	s12 =	sadd.s32 s6, s21;
	[tilespmem:v27+s16+$0x0] =	vst.idx.msk $0xffff, v32;
	(pc) =	sbr.rel @p1 .LBB2_10-.Ltmp7, $4  }
0x4a8: {  	s11 =	sadd.s32 s20, s12;
	[tilespmem:v61+s16+$0x0] =	vst.idx.msk $0xffff, v60  }
0x4a9: {  	s11 =	sshrl.u32 s11, $0x3;
	[tilespmem:v62+s16+$0x0] =	vst.idx.msk $0xffff, v29  }
0x4aa: {  	s11 =	sadd.s32 s1, s11;
	[tilespmem:v63+s16+$0x0] =	vst.idx.msk $0xffff, v26  }
0x4ab: {  	[hbm4b:s11+s14] =	stream.strided.scatter [tilespmem:s16], [sflag:$0x4], $0x4000, s26, s14, $0x38;
	[tilespmem:$0x10700] =	vst v63  }
0x4ac: {  	s11 =	sshll.u32 s9, $0x9  }
0x4ad: {  	s12 =	sshra.s32 s11, $0x2  }
0x4ae: {  	v25 =	vld [tilespmem:s12+$0x0];
	_ =	sdelay $0x4  }
0x4af: {  	v26 =	vshll.u32 v25, $0x5  }
0x4b0: {  	v25 =	vand.u32 $0x7, v25;
	v26 =	vand.u32 $0xFFFFFF00, v26  }
0x4b1: {  	v25 =	vor.u32 v25, v26  }
0x4b2: {  	v26 =	vperm.xlane v25, v2;
	_ =	sdelay $0x1  }
0x4b3: {  	v27 =	vperm.xlane v25, v4;
	v26 =	vadd.s32 v3, v26  }
0x4b4: {  	s17 =	smul.u32 $0x13A0000, s7  }
0x4b5: {  	v28 =	vperm.xlane v25, v5;
	v27 =	vadd.s32 v3, v27  }
0x4b6: {  	s11 =	sshrl.u32 s17, $0x3  }
0x4b7: {  	s13 =	simm.s32 $0x4700;
	s11 =	sadd.s32 s11, s5;
	v29 =	vperm.xlane v25, v6;
	v28 =	vadd.s32 v3, v28  }
0x4b8: {  	[tilespmem:s13], [sflag:$0x2] =	stream.indirect_vreg.gather [hbm4b:s11+s3], $0x80, v26, vm0, $0xb8;
	[tilespmem:$0x10700] =	vst v63  }
0x4b9: {  	s20 =	simm.s32 $0x4780;
	v58 =	vperm.xlane v25, v7;
	v26 =	vadd.s32 v3, v29  }
0x4ba: {  	[tilespmem:s20], [sflag:$0x2] =	stream.indirect_vreg.gather [hbm4b:s11+s3], $0x80, v27, vm0, $0xb8;
	[tilespmem:$0x10700] =	vst v63  }
0x4bb: {  	s21 =	simm.s32 $0x4800;
	v59 =	vperm.xlane v25, v1;
	v27 =	vadd.s32 v3, v58  }
0x4bc: {  	[tilespmem:s21], [sflag:$0x2] =	stream.indirect_vreg.gather [hbm4b:s11+s3], $0x80, v28, vm0, $0xb8;
	[tilespmem:$0x10700] =	vst v63  }
0x4bd: {  	s17 =	simm.s32 $0x4880;
	v61 =	vperm.xlane v25, v8;
	v60 =	vadd.s32 v3, v59  }
0x4be: {  	[tilespmem:s17], [sflag:$0x2] =	stream.indirect_vreg.gather [hbm4b:s11+s3], $0x80, v26, vm0, $0xb8;
	[tilespmem:$0x10700] =	vst v63  }
0x4bf: {  	v62 =	vperm.xlane v25, v0;
	s20 =	simm.s32 $0x4900;
	v26 =	vadd.s32 v3, v61  }
0x4c0: {  	[tilespmem:s20], [sflag:$0x2] =	stream.indirect_vreg.gather [hbm4b:s11+s3], $0x80, v27, vm0, $0xb8;
	[tilespmem:$0x10700] =	vst v63  }
0x4c1: {  	v63 =	vperm.xlane v25, v9;
	s21 =	simm.s32 $0x4980;
	v27 =	vadd.s32 v3, v62  }
0x4c2: {  	[tilespmem:s21], [sflag:$0x2] =	stream.indirect_vreg.gather [hbm4b:s11+s3], $0x80, v60, vm0, $0xb8;
	[tilespmem:$0x10700] =	vst v63  }
0x4c3: {  	v33 =	vperm.xlane v25, v10;
	v32 =	vadd.s32 v3, v63;
	s17 =	simm.s32 $0x4A00  }
0x4c4: {  	[tilespmem:s17], [sflag:$0x2] =	stream.indirect_vreg.gather [hbm4b:s11+s3], $0x80, v26, vm0, $0xb8;
	[tilespmem:$0x10700] =	vst v63  }
0x4c5: {  	v34 =	vperm.xlane v25, v11;
	s20 =	simm.s32 $0x4A80;
	v26 =	vadd.s32 v3, v33  }
0x4c6: {  	[tilespmem:s20], [sflag:$0x2] =	stream.indirect_vreg.gather [hbm4b:s11+s3], $0x80, v27, vm0, $0xb8;
	[tilespmem:$0x10700] =	vst v63  }
0x4c7: {  	v35 =	vperm.xlane v25, v13;
	s21 =	simm.s32 $0x4B00;
	v27 =	vadd.s32 v3, v34  }
0x4c8: {  	[tilespmem:s21], [sflag:$0x2] =	stream.indirect_vreg.gather [hbm4b:s11+s3], $0x80, v32, vm0, $0xb8;
	[tilespmem:$0x10700] =	vst v63  }
0x4c9: {  	v37 =	vperm.xlane v25, v14;
	v36 =	vadd.s32 v3, v35;
	s17 =	simm.s32 $0x4B80  }
0x4ca: {  	[tilespmem:s17], [sflag:$0x2] =	stream.indirect_vreg.gather [hbm4b:s11+s3], $0x80, v26, vm0, $0xb8;
	[tilespmem:$0x10700] =	vst v63  }
0x4cb: {  	v38 =	vperm.xlane v25, v15;
	s20 =	simm.s32 $0x4C00;
	v26 =	vadd.s32 v3, v37  }
0x4cc: {  	[tilespmem:s20], [sflag:$0x2] =	stream.indirect_vreg.gather [hbm4b:s11+s3], $0x80, v27, vm0, $0xb8;
	[tilespmem:$0x10700] =	vst v63  }
0x4cd: {  	v39 =	vperm.xlane v25, v16;
	s21 =	simm.s32 $0x4C80;
	v27 =	vadd.s32 v3, v38  }
0x4ce: {  	[tilespmem:s21], [sflag:$0x2] =	stream.indirect_vreg.gather [hbm4b:s11+s3], $0x80, v36, vm0, $0xb8;
	[tilespmem:$0x10700] =	vst v63  }
0x4cf: {  	v25 =	vperm.xlane v25, v17;
	v40 =	vadd.s32 v3, v39;
	s17 =	simm.s32 $0x4D00  }
0x4d0: {  	[tilespmem:s17], [sflag:$0x2] =	stream.indirect_vreg.gather [hbm4b:s11+s3], $0x80, v26, vm0, $0xb8;
	[tilespmem:$0x10700] =	vst v63  }
0x4d1: {  	v25 =	vadd.s32 v3, v25;
	s20 =	simm.s32 $0x4D80  }
0x4d2: {  	[tilespmem:s20], [sflag:$0x2] =	stream.indirect_vreg.gather [hbm4b:s11+s3], $0x80, v27, vm0, $0xb8;
	[tilespmem:$0x10700] =	vst v63  }
0x4d3: {  	s21 =	simm.s32 $0x4E00  }
0x4d4: {  	[tilespmem:s21], [sflag:$0x2] =	stream.indirect_vreg.gather [hbm4b:s11+s3], $0x80, v40, vm0, $0xb8;
	[tilespmem:$0x10700] =	vst v63  }
0x4d5: {  	s17 =	simm.s32 $0x4E80  }
0x4d6: {  	[tilespmem:s17], [sflag:$0x2] =	stream.indirect_vreg.gather [hbm4b:s11+s3], $0x80, v25, vm0, $0xb8;
	[tilespmem:$0x10700] =	vst v63  }
0x4d7: {  	v25 =	vld [tilespmem:s12+$0x10];
	_ =	sdelay $0x4  }
0x4d8: {  	v26 =	vshll.u32 v25, $0x5  }
0x4d9: {  	v25 =	vand.u32 $0x7, v25;
	v26 =	vand.u32 $0xFFFFFF00, v26  }
0x4da: {  	v25 =	vor.u32 v25, v26  }
0x4db: {  	v26 =	vperm.xlane v25, v2;
	_ =	sdelay $0x1  }
0x4dc: {  	v27 =	vperm.xlane v25, v4;
	v26 =	vadd.s32 v3, v26;
	_ =	sdelay $0x1  }
0x4dd: {  	v41 =	vperm.xlane v25, v5;
	v27 =	vadd.s32 v3, v27;
	_ =	sdelay $0x1  }
0x4de: {  	s20 =	simm.s32 $0x4F00;
	v42 =	vperm.xlane v25, v6;
	v28 =	vadd.s32 v3, v41  }
0x4df: {  	[tilespmem:s20], [sflag:$0x2] =	stream.indirect_vreg.gather [hbm4b:s11+s3], $0x80, v26, vm0, $0xb8;
	[tilespmem:$0x10700] =	vst v63  }
0x4e0: {  	s21 =	simm.s32 $0x4F80;
	v43 =	vperm.xlane v25, v7;
	v26 =	vadd.s32 v3, v42  }
0x4e1: {  	[tilespmem:s21], [sflag:$0x2] =	stream.indirect_vreg.gather [hbm4b:s11+s3], $0x80, v27, vm0, $0xb8;
	[tilespmem:$0x10700] =	vst v63  }
0x4e2: {  	s17 =	simm.s32 $0x5000;
	v44 =	vperm.xlane v25, v1;
	v27 =	vadd.s32 v3, v43  }
0x4e3: {  	[tilespmem:s17], [sflag:$0x2] =	stream.indirect_vreg.gather [hbm4b:s11+s3], $0x80, v28, vm0, $0xb8;
	[tilespmem:$0x10700] =	vst v63  }
0x4e4: {  	v46 =	vperm.xlane v25, v8;
	v45 =	vadd.s32 v3, v44;
	s20 =	simm.s32 $0x5080  }
0x4e5: {  	[tilespmem:s20], [sflag:$0x2] =	stream.indirect_vreg.gather [hbm4b:s11+s3], $0x80, v26, vm0, $0xb8;
	[tilespmem:$0x10700] =	vst v63  }
0x4e6: {  	v47 =	vperm.xlane v25, v0;
	s21 =	simm.s32 $0x5100;
	v26 =	vadd.s32 v3, v46  }
0x4e7: {  	[tilespmem:s21], [sflag:$0x2] =	stream.indirect_vreg.gather [hbm4b:s11+s3], $0x80, v27, vm0, $0xb8;
	[tilespmem:$0x10700] =	vst v63  }
0x4e8: {  	v48 =	vperm.xlane v25, v9;
	s17 =	simm.s32 $0x5180;
	v27 =	vadd.s32 v3, v47  }
0x4e9: {  	[tilespmem:s17], [sflag:$0x2] =	stream.indirect_vreg.gather [hbm4b:s11+s3], $0x80, v45, vm0, $0xb8;
	[tilespmem:$0x10700] =	vst v63  }
0x4ea: {  	v50 =	vperm.xlane v25, v10;
	v49 =	vadd.s32 v3, v48;
	s20 =	simm.s32 $0x5200  }
0x4eb: {  	[tilespmem:s20], [sflag:$0x2] =	stream.indirect_vreg.gather [hbm4b:s11+s3], $0x80, v26, vm0, $0xb8;
	[tilespmem:$0x10700] =	vst v63  }
0x4ec: {  	v51 =	vperm.xlane v25, v11;
	s21 =	simm.s32 $0x5280;
	v26 =	vadd.s32 v3, v50  }
0x4ed: {  	[tilespmem:s21], [sflag:$0x2] =	stream.indirect_vreg.gather [hbm4b:s11+s3], $0x80, v27, vm0, $0xb8;
	[tilespmem:$0x10700] =	vst v63  }
0x4ee: {  	v52 =	vperm.xlane v25, v13;
	s17 =	simm.s32 $0x5300;
	v27 =	vadd.s32 v3, v51  }
0x4ef: {  	[tilespmem:s17], [sflag:$0x2] =	stream.indirect_vreg.gather [hbm4b:s11+s3], $0x80, v49, vm0, $0xb8;
	[tilespmem:$0x10700] =	vst v63  }
0x4f0: {  	v54 =	vperm.xlane v25, v14;
	v53 =	vadd.s32 v3, v52;
	s20 =	simm.s32 $0x5380  }
0x4f1: {  	[tilespmem:s20], [sflag:$0x2] =	stream.indirect_vreg.gather [hbm4b:s11+s3], $0x80, v26, vm0, $0xb8;
	[tilespmem:$0x10700] =	vst v63  }
0x4f2: {  	v55 =	vperm.xlane v25, v15;
	s21 =	simm.s32 $0x5400;
	v26 =	vadd.s32 v3, v54  }
0x4f3: {  	[tilespmem:s21], [sflag:$0x2] =	stream.indirect_vreg.gather [hbm4b:s11+s3], $0x80, v27, vm0, $0xb8;
	[tilespmem:$0x10700] =	vst v63  }
0x4f4: {  	v56 =	vperm.xlane v25, v16;
	s17 =	simm.s32 $0x5480;
	v27 =	vadd.s32 v3, v55  }
0x4f5: {  	[tilespmem:s17], [sflag:$0x2] =	stream.indirect_vreg.gather [hbm4b:s11+s3], $0x80, v53, vm0, $0xb8;
	[tilespmem:$0x10700] =	vst v63  }
0x4f6: {  	v25 =	vperm.xlane v25, v17;
	v57 =	vadd.s32 v3, v56;
	s20 =	simm.s32 $0x5500  }
0x4f7: {  	[tilespmem:s20], [sflag:$0x2] =	stream.indirect_vreg.gather [hbm4b:s11+s3], $0x80, v26, vm0, $0xb8;
	[tilespmem:$0x10700] =	vst v63  }
0x4f8: {  	v25 =	vadd.s32 v3, v25;
	s21 =	simm.s32 $0x5580  }
0x4f9: {  	[tilespmem:s21], [sflag:$0x2] =	stream.indirect_vreg.gather [hbm4b:s11+s3], $0x80, v27, vm0, $0xb8;
	[tilespmem:$0x10700] =	vst v63  }
0x4fa: {  	s17 =	simm.s32 $0x5600  }
0x4fb: {  	[tilespmem:s17], [sflag:$0x2] =	stream.indirect_vreg.gather [hbm4b:s11+s3], $0x80, v57, vm0, $0xb8;
	[tilespmem:$0x10700] =	vst v63  }
0x4fc: {  	s20 =	simm.s32 $0x5680  }
0x4fd: {  	[tilespmem:s20], [sflag:$0x2] =	stream.indirect_vreg.gather [hbm4b:s11+s3], $0x80, v25, vm0, $0xb8;
	[tilespmem:$0x10700] =	vst v63  }
0x4fe: {  	v25 =	vld [tilespmem:s12+$0x20];
	_ =	sdelay $0x4  }
0x4ff: {  	v26 =	vshll.u32 v25, $0x5  }
0x500: {  	v25 =	vand.u32 $0x7, v25;
	v26 =	vand.u32 $0xFFFFFF00, v26  }
0x501: {  	v25 =	vor.u32 v25, v26  }
0x502: {  	v26 =	vperm.xlane v25, v2;
	_ =	sdelay $0x1  }
0x503: {  	v27 =	vperm.xlane v25, v4;
	v26 =	vadd.s32 v3, v26;
	_ =	sdelay $0x1  }
0x504: {  	v58 =	vperm.xlane v25, v5;
	v27 =	vadd.s32 v3, v27;
	_ =	sdelay $0x1  }
0x505: {  	s21 =	simm.s32 $0x5700;
	v59 =	vperm.xlane v25, v6;
	v28 =	vadd.s32 v3, v58  }
0x506: {  	[tilespmem:s21], [sflag:$0x2] =	stream.indirect_vreg.gather [hbm4b:s11+s3], $0x80, v26, vm0, $0xb8;
	[tilespmem:$0x10700] =	vst v63  }
0x507: {  	s17 =	simm.s32 $0x5780;
	v60 =	vperm.xlane v25, v7;
	v26 =	vadd.s32 v3, v59  }
0x508: {  	[tilespmem:s17], [sflag:$0x2] =	stream.indirect_vreg.gather [hbm4b:s11+s3], $0x80, v27, vm0, $0xb8;
	[tilespmem:$0x10700] =	vst v63  }
0x509: {  	s20 =	simm.s32 $0x5800;
	v61 =	vperm.xlane v25, v1;
	v27 =	vadd.s32 v3, v60  }
0x50a: {  	[tilespmem:s20], [sflag:$0x2] =	stream.indirect_vreg.gather [hbm4b:s11+s3], $0x80, v28, vm0, $0xb8;
	[tilespmem:$0x10700] =	vst v63  }
0x50b: {  	v63 =	vperm.xlane v25, v8;
	v62 =	vadd.s32 v3, v61;
	s21 =	simm.s32 $0x5880  }
0x50c: {  	[tilespmem:s21], [sflag:$0x2] =	stream.indirect_vreg.gather [hbm4b:s11+s3], $0x80, v26, vm0, $0xb8;
	[tilespmem:$0x10700] =	vst v63  }
0x50d: {  	v32 =	vperm.xlane v25, v0;
	s17 =	simm.s32 $0x5900;
	v26 =	vadd.s32 v3, v63  }
0x50e: {  	[tilespmem:s17], [sflag:$0x2] =	stream.indirect_vreg.gather [hbm4b:s11+s3], $0x80, v27, vm0, $0xb8;
	[tilespmem:$0x10700] =	vst v63  }
0x50f: {  	v33 =	vperm.xlane v25, v9;
	s20 =	simm.s32 $0x5980;
	v27 =	vadd.s32 v3, v32  }
0x510: {  	[tilespmem:s20], [sflag:$0x2] =	stream.indirect_vreg.gather [hbm4b:s11+s3], $0x80, v62, vm0, $0xb8;
	[tilespmem:$0x10700] =	vst v63  }
0x511: {  	v35 =	vperm.xlane v25, v10;
	v34 =	vadd.s32 v3, v33;
	s21 =	simm.s32 $0x5A00  }
0x512: {  	[tilespmem:s21], [sflag:$0x2] =	stream.indirect_vreg.gather [hbm4b:s11+s3], $0x80, v26, vm0, $0xb8;
	[tilespmem:$0x10700] =	vst v63  }
0x513: {  	v36 =	vperm.xlane v25, v11;
	s17 =	simm.s32 $0x5A80;
	v26 =	vadd.s32 v3, v35  }
0x514: {  	[tilespmem:s17], [sflag:$0x2] =	stream.indirect_vreg.gather [hbm4b:s11+s3], $0x80, v27, vm0, $0xb8;
	[tilespmem:$0x10700] =	vst v63  }
0x515: {  	v37 =	vperm.xlane v25, v13;
	s20 =	simm.s32 $0x5B00;
	v27 =	vadd.s32 v3, v36  }
0x516: {  	[tilespmem:s20], [sflag:$0x2] =	stream.indirect_vreg.gather [hbm4b:s11+s3], $0x80, v34, vm0, $0xb8;
	[tilespmem:$0x10700] =	vst v63  }
0x517: {  	v39 =	vperm.xlane v25, v14;
	v38 =	vadd.s32 v3, v37;
	s21 =	simm.s32 $0x5B80  }
0x518: {  	[tilespmem:s21], [sflag:$0x2] =	stream.indirect_vreg.gather [hbm4b:s11+s3], $0x80, v26, vm0, $0xb8;
	[tilespmem:$0x10700] =	vst v63  }
0x519: {  	v40 =	vperm.xlane v25, v15;
	s17 =	simm.s32 $0x5C00;
	v26 =	vadd.s32 v3, v39  }
0x51a: {  	[tilespmem:s17], [sflag:$0x2] =	stream.indirect_vreg.gather [hbm4b:s11+s3], $0x80, v27, vm0, $0xb8;
	[tilespmem:$0x10700] =	vst v63  }
0x51b: {  	v41 =	vperm.xlane v25, v16;
	s20 =	simm.s32 $0x5C80;
	v27 =	vadd.s32 v3, v40  }
0x51c: {  	[tilespmem:s20], [sflag:$0x2] =	stream.indirect_vreg.gather [hbm4b:s11+s3], $0x80, v38, vm0, $0xb8;
	[tilespmem:$0x10700] =	vst v63  }
0x51d: {  	v25 =	vperm.xlane v25, v17;
	v42 =	vadd.s32 v3, v41;
	s21 =	simm.s32 $0x5D00  }
0x51e: {  	[tilespmem:s21], [sflag:$0x2] =	stream.indirect_vreg.gather [hbm4b:s11+s3], $0x80, v26, vm0, $0xb8;
	[tilespmem:$0x10700] =	vst v63  }
0x51f: {  	v25 =	vadd.s32 v3, v25;
	s17 =	simm.s32 $0x5D80  }
0x520: {  	[tilespmem:s17], [sflag:$0x2] =	stream.indirect_vreg.gather [hbm4b:s11+s3], $0x80, v27, vm0, $0xb8;
	[tilespmem:$0x10700] =	vst v63  }
0x521: {  	s20 =	simm.s32 $0x5E00  }
0x522: {  	[tilespmem:s20], [sflag:$0x2] =	stream.indirect_vreg.gather [hbm4b:s11+s3], $0x80, v42, vm0, $0xb8;
	[tilespmem:$0x10700] =	vst v63  }
0x523: {  	s21 =	simm.s32 $0x5E80  }
0x524: {  	[tilespmem:s21], [sflag:$0x2] =	stream.indirect_vreg.gather [hbm4b:s11+s3], $0x80, v25, vm0, $0xb8;
	[tilespmem:$0x10700] =	vst v63  }
0x525: {  	v25 =	vld [tilespmem:s12+$0x30];
	_ =	sdelay $0x4  }
0x526: {  	v26 =	vshll.u32 v25, $0x5  }
0x527: {  	v25 =	vand.u32 $0x7, v25;
	v26 =	vand.u32 $0xFFFFFF00, v26  }
0x528: {  	v25 =	vor.u32 v25, v26  }
0x529: {  	v26 =	vperm.xlane v25, v2;
	_ =	sdelay $0x1  }
0x52a: {  	v27 =	vperm.xlane v25, v4;
	v26 =	vadd.s32 v3, v26;
	_ =	sdelay $0x1  }
0x52b: {  	v43 =	vperm.xlane v25, v5;
	v27 =	vadd.s32 v3, v27;
	_ =	sdelay $0x1  }
0x52c: {  	s17 =	simm.s32 $0x5F00;
	v44 =	vperm.xlane v25, v6;
	v28 =	vadd.s32 v3, v43  }
0x52d: {  	[tilespmem:s17], [sflag:$0x2] =	stream.indirect_vreg.gather [hbm4b:s11+s3], $0x80, v26, vm0, $0xb8;
	[tilespmem:$0x10700] =	vst v63  }
0x52e: {  	s20 =	simm.s32 $0x5F80;
	v45 =	vperm.xlane v25, v7;
	v26 =	vadd.s32 v3, v44  }
0x52f: {  	[tilespmem:s20], [sflag:$0x2] =	stream.indirect_vreg.gather [hbm4b:s11+s3], $0x80, v27, vm0, $0xb8;
	[tilespmem:$0x10700] =	vst v63  }
0x530: {  	s21 =	simm.s32 $0x6000;
	v46 =	vperm.xlane v25, v1;
	v27 =	vadd.s32 v3, v45  }
0x531: {  	[tilespmem:s21], [sflag:$0x2] =	stream.indirect_vreg.gather [hbm4b:s11+s3], $0x80, v28, vm0, $0xb8;
	[tilespmem:$0x10700] =	vst v63  }
0x532: {  	v48 =	vperm.xlane v25, v8;
	v47 =	vadd.s32 v3, v46;
	s17 =	simm.s32 $0x6080  }
0x533: {  	[tilespmem:s17], [sflag:$0x2] =	stream.indirect_vreg.gather [hbm4b:s11+s3], $0x80, v26, vm0, $0xb8;
	[tilespmem:$0x10700] =	vst v63  }
0x534: {  	v49 =	vperm.xlane v25, v0;
	s20 =	simm.s32 $0x6100;
	v26 =	vadd.s32 v3, v48  }
0x535: {  	[tilespmem:s20], [sflag:$0x2] =	stream.indirect_vreg.gather [hbm4b:s11+s3], $0x80, v27, vm0, $0xb8;
	[tilespmem:$0x10700] =	vst v63  }
0x536: {  	v50 =	vperm.xlane v25, v9;
	s21 =	simm.s32 $0x6180;
	v27 =	vadd.s32 v3, v49  }
0x537: {  	[tilespmem:s21], [sflag:$0x2] =	stream.indirect_vreg.gather [hbm4b:s11+s3], $0x80, v47, vm0, $0xb8;
	[tilespmem:$0x10700] =	vst v63  }
0x538: {  	v52 =	vperm.xlane v25, v10;
	v51 =	vadd.s32 v3, v50;
	s17 =	simm.s32 $0x6200  }
0x539: {  	[tilespmem:s17], [sflag:$0x2] =	stream.indirect_vreg.gather [hbm4b:s11+s3], $0x80, v26, vm0, $0xb8;
	[tilespmem:$0x10700] =	vst v63  }
0x53a: {  	v53 =	vperm.xlane v25, v11;
	s20 =	simm.s32 $0x6280;
	v26 =	vadd.s32 v3, v52  }
0x53b: {  	[tilespmem:s20], [sflag:$0x2] =	stream.indirect_vreg.gather [hbm4b:s11+s3], $0x80, v27, vm0, $0xb8;
	[tilespmem:$0x10700] =	vst v63  }
0x53c: {  	v54 =	vperm.xlane v25, v13;
	s21 =	simm.s32 $0x6300;
	v27 =	vadd.s32 v3, v53  }
0x53d: {  	[tilespmem:s21], [sflag:$0x2] =	stream.indirect_vreg.gather [hbm4b:s11+s3], $0x80, v51, vm0, $0xb8;
	[tilespmem:$0x10700] =	vst v63  }
0x53e: {  	v56 =	vperm.xlane v25, v14;
	v55 =	vadd.s32 v3, v54;
	s17 =	simm.s32 $0x6380  }
0x53f: {  	[tilespmem:s17], [sflag:$0x2] =	stream.indirect_vreg.gather [hbm4b:s11+s3], $0x80, v26, vm0, $0xb8;
	[tilespmem:$0x10700] =	vst v63  }
0x540: {  	v57 =	vperm.xlane v25, v15;
	s20 =	simm.s32 $0x6400;
	v26 =	vadd.s32 v3, v56  }
0x541: {  	[tilespmem:s20], [sflag:$0x2] =	stream.indirect_vreg.gather [hbm4b:s11+s3], $0x80, v27, vm0, $0xb8;
	[tilespmem:$0x10700] =	vst v63  }
0x542: {  	v58 =	vperm.xlane v25, v16;
	s21 =	simm.s32 $0x6480;
	v27 =	vadd.s32 v3, v57  }
0x543: {  	[tilespmem:s21], [sflag:$0x2] =	stream.indirect_vreg.gather [hbm4b:s11+s3], $0x80, v55, vm0, $0xb8;
	[tilespmem:$0x10700] =	vst v63  }
0x544: {  	v25 =	vperm.xlane v25, v17;
	v59 =	vadd.s32 v3, v58;
	s17 =	simm.s32 $0x6500  }
0x545: {  	[tilespmem:s17], [sflag:$0x2] =	stream.indirect_vreg.gather [hbm4b:s11+s3], $0x80, v26, vm0, $0xb8;
	[tilespmem:$0x10700] =	vst v63  }
0x546: {  	v25 =	vadd.s32 v3, v25;
	s20 =	simm.s32 $0x6580  }
0x547: {  	[tilespmem:s20], [sflag:$0x2] =	stream.indirect_vreg.gather [hbm4b:s11+s3], $0x80, v27, vm0, $0xb8;
	[tilespmem:$0x10700] =	vst v63  }
0x548: {  	s21 =	simm.s32 $0x6600  }
0x549: {  	[tilespmem:s21], [sflag:$0x2] =	stream.indirect_vreg.gather [hbm4b:s11+s3], $0x80, v59, vm0, $0xb8;
	[tilespmem:$0x10700] =	vst v63  }
0x54a: {  	s17 =	simm.s32 $0x6680  }
0x54b: {  	[tilespmem:s17], [sflag:$0x2] =	stream.indirect_vreg.gather [hbm4b:s11+s3], $0x80, v25, vm0, $0xb8;
	[tilespmem:$0x10700] =	vst v63  }
0x54c: {  	v25 =	vld [tilespmem:s12+$0x40];
	_ =	sdelay $0x4  }
0x54d: {  	v26 =	vshll.u32 v25, $0x5  }
0x54e: {  	v25 =	vand.u32 $0x7, v25;
	v26 =	vand.u32 $0xFFFFFF00, v26  }
0x54f: {  	v25 =	vor.u32 v25, v26  }
0x550: {  	v26 =	vperm.xlane v25, v2;
	_ =	sdelay $0x1  }
0x551: {  	v27 =	vperm.xlane v25, v4;
	v26 =	vadd.s32 v3, v26;
	_ =	sdelay $0x1  }
0x552: {  	v60 =	vperm.xlane v25, v5;
	v27 =	vadd.s32 v3, v27;
	_ =	sdelay $0x1  }
0x553: {  	s20 =	simm.s32 $0x6700;
	v61 =	vperm.xlane v25, v6;
	v28 =	vadd.s32 v3, v60  }
0x554: {  	[tilespmem:s20], [sflag:$0x2] =	stream.indirect_vreg.gather [hbm4b:s11+s3], $0x80, v26, vm0, $0xb8;
	[tilespmem:$0x10700] =	vst v63  }
0x555: {  	s21 =	simm.s32 $0x6780;
	v62 =	vperm.xlane v25, v7;
	v26 =	vadd.s32 v3, v61  }
0x556: {  	[tilespmem:s21], [sflag:$0x2] =	stream.indirect_vreg.gather [hbm4b:s11+s3], $0x80, v27, vm0, $0xb8;
	[tilespmem:$0x10700] =	vst v63  }
0x557: {  	s17 =	simm.s32 $0x6800;
	v63 =	vperm.xlane v25, v1;
	v27 =	vadd.s32 v3, v62  }
0x558: {  	[tilespmem:s17], [sflag:$0x2] =	stream.indirect_vreg.gather [hbm4b:s11+s3], $0x80, v28, vm0, $0xb8;
	[tilespmem:$0x10700] =	vst v63  }
0x559: {  	v33 =	vperm.xlane v25, v8;
	v32 =	vadd.s32 v3, v63;
	s20 =	simm.s32 $0x6880  }
0x55a: {  	[tilespmem:s20], [sflag:$0x2] =	stream.indirect_vreg.gather [hbm4b:s11+s3], $0x80, v26, vm0, $0xb8;
	[tilespmem:$0x10700] =	vst v63  }
0x55b: {  	v34 =	vperm.xlane v25, v0;
	s21 =	simm.s32 $0x6900;
	v26 =	vadd.s32 v3, v33  }
0x55c: {  	[tilespmem:s21], [sflag:$0x2] =	stream.indirect_vreg.gather [hbm4b:s11+s3], $0x80, v27, vm0, $0xb8;
	[tilespmem:$0x10700] =	vst v63  }
0x55d: {  	v35 =	vperm.xlane v25, v9;
	s17 =	simm.s32 $0x6980;
	v27 =	vadd.s32 v3, v34  }
0x55e: {  	[tilespmem:s17], [sflag:$0x2] =	stream.indirect_vreg.gather [hbm4b:s11+s3], $0x80, v32, vm0, $0xb8;
	[tilespmem:$0x10700] =	vst v63  }
0x55f: {  	v37 =	vperm.xlane v25, v10;
	v36 =	vadd.s32 v3, v35;
	s20 =	simm.s32 $0x6A00  }
0x560: {  	[tilespmem:s20], [sflag:$0x2] =	stream.indirect_vreg.gather [hbm4b:s11+s3], $0x80, v26, vm0, $0xb8;
	[tilespmem:$0x10700] =	vst v63  }
0x561: {  	v38 =	vperm.xlane v25, v11;
	s21 =	simm.s32 $0x6A80;
	v26 =	vadd.s32 v3, v37  }
0x562: {  	[tilespmem:s21], [sflag:$0x2] =	stream.indirect_vreg.gather [hbm4b:s11+s3], $0x80, v27, vm0, $0xb8;
	[tilespmem:$0x10700] =	vst v63  }
0x563: {  	v39 =	vperm.xlane v25, v13;
	s17 =	simm.s32 $0x6B00;
	v27 =	vadd.s32 v3, v38  }
0x564: {  	[tilespmem:s17], [sflag:$0x2] =	stream.indirect_vreg.gather [hbm4b:s11+s3], $0x80, v36, vm0, $0xb8;
	[tilespmem:$0x10700] =	vst v63  }
0x565: {  	v41 =	vperm.xlane v25, v14;
	v40 =	vadd.s32 v3, v39;
	s20 =	simm.s32 $0x6B80  }
0x566: {  	[tilespmem:s20], [sflag:$0x2] =	stream.indirect_vreg.gather [hbm4b:s11+s3], $0x80, v26, vm0, $0xb8;
	[tilespmem:$0x10700] =	vst v63  }
0x567: {  	v42 =	vperm.xlane v25, v15;
	s21 =	simm.s32 $0x6C00;
	v26 =	vadd.s32 v3, v41  }
0x568: {  	[tilespmem:s21], [sflag:$0x2] =	stream.indirect_vreg.gather [hbm4b:s11+s3], $0x80, v27, vm0, $0xb8;
	[tilespmem:$0x10700] =	vst v63  }
0x569: {  	v43 =	vperm.xlane v25, v16;
	s17 =	simm.s32 $0x6C80;
	v27 =	vadd.s32 v3, v42  }
0x56a: {  	[tilespmem:s17], [sflag:$0x2] =	stream.indirect_vreg.gather [hbm4b:s11+s3], $0x80, v40, vm0, $0xb8;
	[tilespmem:$0x10700] =	vst v63  }
0x56b: {  	v25 =	vperm.xlane v25, v17;
	v44 =	vadd.s32 v3, v43;
	s20 =	simm.s32 $0x6D00  }
0x56c: {  	[tilespmem:s20], [sflag:$0x2] =	stream.indirect_vreg.gather [hbm4b:s11+s3], $0x80, v26, vm0, $0xb8;
	[tilespmem:$0x10700] =	vst v63  }
0x56d: {  	v25 =	vadd.s32 v3, v25;
	s21 =	simm.s32 $0x6D80  }
0x56e: {  	[tilespmem:s21], [sflag:$0x2] =	stream.indirect_vreg.gather [hbm4b:s11+s3], $0x80, v27, vm0, $0xb8;
	[tilespmem:$0x10700] =	vst v63  }
0x56f: {  	s17 =	simm.s32 $0x6E00  }
0x570: {  	[tilespmem:s17], [sflag:$0x2] =	stream.indirect_vreg.gather [hbm4b:s11+s3], $0x80, v44, vm0, $0xb8;
	[tilespmem:$0x10700] =	vst v63  }
0x571: {  	s20 =	simm.s32 $0x6E80  }
0x572: {  	[tilespmem:s20], [sflag:$0x2] =	stream.indirect_vreg.gather [hbm4b:s11+s3], $0x80, v25, vm0, $0xb8;
	[tilespmem:$0x10700] =	vst v63  }
0x573: {  	v25 =	vld [tilespmem:s12+$0x50];
	_ =	sdelay $0x4  }
0x574: {  	v26 =	vshll.u32 v25, $0x5  }
0x575: {  	v25 =	vand.u32 $0x7, v25;
	v26 =	vand.u32 $0xFFFFFF00, v26  }
0x576: {  	v25 =	vor.u32 v25, v26  }
0x577: {  	v26 =	vperm.xlane v25, v2;
	_ =	sdelay $0x1  }
0x578: {  	v27 =	vperm.xlane v25, v4;
	v26 =	vadd.s32 v3, v26;
	_ =	sdelay $0x1  }
0x579: {  	v45 =	vperm.xlane v25, v5;
	v27 =	vadd.s32 v3, v27;
	_ =	sdelay $0x1  }
0x57a: {  	s21 =	simm.s32 $0x6F00;
	v46 =	vperm.xlane v25, v6;
	v28 =	vadd.s32 v3, v45  }
0x57b: {  	[tilespmem:s21], [sflag:$0x2] =	stream.indirect_vreg.gather [hbm4b:s11+s3], $0x80, v26, vm0, $0xb8;
	[tilespmem:$0x10700] =	vst v63  }
0x57c: {  	s17 =	simm.s32 $0x6F80;
	v47 =	vperm.xlane v25, v7;
	v26 =	vadd.s32 v3, v46  }
0x57d: {  	[tilespmem:s17], [sflag:$0x2] =	stream.indirect_vreg.gather [hbm4b:s11+s3], $0x80, v27, vm0, $0xb8;
	[tilespmem:$0x10700] =	vst v63  }
0x57e: {  	s20 =	simm.s32 $0x7000;
	v48 =	vperm.xlane v25, v1;
	v27 =	vadd.s32 v3, v47  }
0x57f: {  	[tilespmem:s20], [sflag:$0x2] =	stream.indirect_vreg.gather [hbm4b:s11+s3], $0x80, v28, vm0, $0xb8;
	[tilespmem:$0x10700] =	vst v63  }
0x580: {  	v50 =	vperm.xlane v25, v8;
	v49 =	vadd.s32 v3, v48;
	s21 =	simm.s32 $0x7080  }
0x581: {  	[tilespmem:s21], [sflag:$0x2] =	stream.indirect_vreg.gather [hbm4b:s11+s3], $0x80, v26, vm0, $0xb8;
	[tilespmem:$0x10700] =	vst v63  }
0x582: {  	v51 =	vperm.xlane v25, v0;
	s17 =	simm.s32 $0x7100;
	v26 =	vadd.s32 v3, v50  }
0x583: {  	[tilespmem:s17], [sflag:$0x2] =	stream.indirect_vreg.gather [hbm4b:s11+s3], $0x80, v27, vm0, $0xb8;
	[tilespmem:$0x10700] =	vst v63  }
0x584: {  	v52 =	vperm.xlane v25, v9;
	s20 =	simm.s32 $0x7180;
	v27 =	vadd.s32 v3, v51  }
0x585: {  	[tilespmem:s20], [sflag:$0x2] =	stream.indirect_vreg.gather [hbm4b:s11+s3], $0x80, v49, vm0, $0xb8;
	[tilespmem:$0x10700] =	vst v63  }
0x586: {  	v54 =	vperm.xlane v25, v10;
	v53 =	vadd.s32 v3, v52;
	s21 =	simm.s32 $0x7200  }
0x587: {  	[tilespmem:s21], [sflag:$0x2] =	stream.indirect_vreg.gather [hbm4b:s11+s3], $0x80, v26, vm0, $0xb8;
	[tilespmem:$0x10700] =	vst v63  }
0x588: {  	v55 =	vperm.xlane v25, v11;
	s17 =	simm.s32 $0x7280;
	v26 =	vadd.s32 v3, v54  }
0x589: {  	[tilespmem:s17], [sflag:$0x2] =	stream.indirect_vreg.gather [hbm4b:s11+s3], $0x80, v27, vm0, $0xb8;
	[tilespmem:$0x10700] =	vst v63  }
0x58a: {  	v56 =	vperm.xlane v25, v13;
	s20 =	simm.s32 $0x7300;
	v27 =	vadd.s32 v3, v55  }
0x58b: {  	[tilespmem:s20], [sflag:$0x2] =	stream.indirect_vreg.gather [hbm4b:s11+s3], $0x80, v53, vm0, $0xb8;
	[tilespmem:$0x10700] =	vst v63  }
0x58c: {  	v58 =	vperm.xlane v25, v14;
	v57 =	vadd.s32 v3, v56;
	s21 =	simm.s32 $0x7380  }
0x58d: {  	[tilespmem:s21], [sflag:$0x2] =	stream.indirect_vreg.gather [hbm4b:s11+s3], $0x80, v26, vm0, $0xb8;
	[tilespmem:$0x10700] =	vst v63  }
0x58e: {  	v59 =	vperm.xlane v25, v15;
	s17 =	simm.s32 $0x7400;
	v26 =	vadd.s32 v3, v58  }
0x58f: {  	[tilespmem:s17], [sflag:$0x2] =	stream.indirect_vreg.gather [hbm4b:s11+s3], $0x80, v27, vm0, $0xb8;
	[tilespmem:$0x10700] =	vst v63  }
0x590: {  	v60 =	vperm.xlane v25, v16;
	s20 =	simm.s32 $0x7480;
	v27 =	vadd.s32 v3, v59  }
0x591: {  	[tilespmem:s20], [sflag:$0x2] =	stream.indirect_vreg.gather [hbm4b:s11+s3], $0x80, v57, vm0, $0xb8;
	[tilespmem:$0x10700] =	vst v63  }
0x592: {  	v25 =	vperm.xlane v25, v17;
	v61 =	vadd.s32 v3, v60;
	s21 =	simm.s32 $0x7500  }
0x593: {  	[tilespmem:s21], [sflag:$0x2] =	stream.indirect_vreg.gather [hbm4b:s11+s3], $0x80, v26, vm0, $0xb8;
	[tilespmem:$0x10700] =	vst v63  }
0x594: {  	v25 =	vadd.s32 v3, v25;
	s17 =	simm.s32 $0x7580  }
0x595: {  	[tilespmem:s17], [sflag:$0x2] =	stream.indirect_vreg.gather [hbm4b:s11+s3], $0x80, v27, vm0, $0xb8;
	[tilespmem:$0x10700] =	vst v63  }
0x596: {  	s20 =	simm.s32 $0x7600  }
0x597: {  	[tilespmem:s20], [sflag:$0x2] =	stream.indirect_vreg.gather [hbm4b:s11+s3], $0x80, v61, vm0, $0xb8;
	[tilespmem:$0x10700] =	vst v63  }
0x598: {  	s21 =	simm.s32 $0x7680  }
0x599: {  	[tilespmem:s21], [sflag:$0x2] =	stream.indirect_vreg.gather [hbm4b:s11+s3], $0x80, v25, vm0, $0xb8;
	[tilespmem:$0x10700] =	vst v63  }
0x59a: {  	v25 =	vld [tilespmem:s12+$0x60];
	_ =	sdelay $0x4  }
0x59b: {  	v26 =	vshll.u32 v25, $0x5  }
0x59c: {  	v25 =	vand.u32 $0x7, v25;
	v26 =	vand.u32 $0xFFFFFF00, v26  }
0x59d: {  	v25 =	vor.u32 v25, v26  }
0x59e: {  	v26 =	vperm.xlane v25, v2;
	_ =	sdelay $0x1  }
0x59f: {  	v27 =	vperm.xlane v25, v4;
	v26 =	vadd.s32 v3, v26;
	_ =	sdelay $0x1  }
0x5a0: {  	v62 =	vperm.xlane v25, v5;
	v27 =	vadd.s32 v3, v27;
	_ =	sdelay $0x1  }
0x5a1: {  	s17 =	simm.s32 $0x7700;
	v63 =	vperm.xlane v25, v6;
	v28 =	vadd.s32 v3, v62  }
0x5a2: {  	[tilespmem:s17], [sflag:$0x2] =	stream.indirect_vreg.gather [hbm4b:s11+s3], $0x80, v26, vm0, $0xb8;
	[tilespmem:$0x10700] =	vst v63  }
0x5a3: {  	s20 =	simm.s32 $0x7780;
	v32 =	vperm.xlane v25, v7;
	v26 =	vadd.s32 v3, v63  }
0x5a4: {  	[tilespmem:s20], [sflag:$0x2] =	stream.indirect_vreg.gather [hbm4b:s11+s3], $0x80, v27, vm0, $0xb8;
	[tilespmem:$0x10700] =	vst v63  }
0x5a5: {  	s21 =	simm.s32 $0x7800;
	v33 =	vperm.xlane v25, v1;
	v27 =	vadd.s32 v3, v32  }
0x5a6: {  	[tilespmem:s21], [sflag:$0x2] =	stream.indirect_vreg.gather [hbm4b:s11+s3], $0x80, v28, vm0, $0xb8;
	[tilespmem:$0x10700] =	vst v63  }
0x5a7: {  	v35 =	vperm.xlane v25, v8;
	v34 =	vadd.s32 v3, v33;
	s17 =	simm.s32 $0x7880  }
0x5a8: {  	[tilespmem:s17], [sflag:$0x2] =	stream.indirect_vreg.gather [hbm4b:s11+s3], $0x80, v26, vm0, $0xb8;
	[tilespmem:$0x10700] =	vst v63  }
0x5a9: {  	v36 =	vperm.xlane v25, v0;
	s20 =	simm.s32 $0x7900;
	v26 =	vadd.s32 v3, v35  }
0x5aa: {  	[tilespmem:s20], [sflag:$0x2] =	stream.indirect_vreg.gather [hbm4b:s11+s3], $0x80, v27, vm0, $0xb8;
	[tilespmem:$0x10700] =	vst v63  }
0x5ab: {  	v37 =	vperm.xlane v25, v9;
	s21 =	simm.s32 $0x7980;
	v27 =	vadd.s32 v3, v36  }
0x5ac: {  	[tilespmem:s21], [sflag:$0x2] =	stream.indirect_vreg.gather [hbm4b:s11+s3], $0x80, v34, vm0, $0xb8;
	[tilespmem:$0x10700] =	vst v63  }
0x5ad: {  	v39 =	vperm.xlane v25, v10;
	v38 =	vadd.s32 v3, v37;
	s17 =	simm.s32 $0x7A00  }
0x5ae: {  	[tilespmem:s17], [sflag:$0x2] =	stream.indirect_vreg.gather [hbm4b:s11+s3], $0x80, v26, vm0, $0xb8;
	[tilespmem:$0x10700] =	vst v63  }
0x5af: {  	v40 =	vperm.xlane v25, v11;
	s20 =	simm.s32 $0x7A80;
	v26 =	vadd.s32 v3, v39  }
0x5b0: {  	[tilespmem:s20], [sflag:$0x2] =	stream.indirect_vreg.gather [hbm4b:s11+s3], $0x80, v27, vm0, $0xb8;
	[tilespmem:$0x10700] =	vst v63  }
0x5b1: {  	v41 =	vperm.xlane v25, v13;
	s21 =	simm.s32 $0x7B00;
	v27 =	vadd.s32 v3, v40  }
0x5b2: {  	[tilespmem:s21], [sflag:$0x2] =	stream.indirect_vreg.gather [hbm4b:s11+s3], $0x80, v38, vm0, $0xb8;
	[tilespmem:$0x10700] =	vst v63  }
0x5b3: {  	v43 =	vperm.xlane v25, v14;
	v42 =	vadd.s32 v3, v41;
	s17 =	simm.s32 $0x7B80  }
0x5b4: {  	[tilespmem:s17], [sflag:$0x2] =	stream.indirect_vreg.gather [hbm4b:s11+s3], $0x80, v26, vm0, $0xb8;
	[tilespmem:$0x10700] =	vst v63  }
0x5b5: {  	v44 =	vperm.xlane v25, v15;
	s20 =	simm.s32 $0x7C00;
	v26 =	vadd.s32 v3, v43  }
0x5b6: {  	[tilespmem:s20], [sflag:$0x2] =	stream.indirect_vreg.gather [hbm4b:s11+s3], $0x80, v27, vm0, $0xb8;
	[tilespmem:$0x10700] =	vst v63  }
0x5b7: {  	v45 =	vperm.xlane v25, v16;
	s21 =	simm.s32 $0x7C80;
	v27 =	vadd.s32 v3, v44  }
0x5b8: {  	[tilespmem:s21], [sflag:$0x2] =	stream.indirect_vreg.gather [hbm4b:s11+s3], $0x80, v42, vm0, $0xb8;
	[tilespmem:$0x10700] =	vst v63  }
0x5b9: {  	v25 =	vperm.xlane v25, v17;
	v46 =	vadd.s32 v3, v45;
	s17 =	simm.s32 $0x7D00  }
0x5ba: {  	[tilespmem:s17], [sflag:$0x2] =	stream.indirect_vreg.gather [hbm4b:s11+s3], $0x80, v26, vm0, $0xb8;
	[tilespmem:$0x10700] =	vst v63  }
0x5bb: {  	v25 =	vadd.s32 v3, v25;
	s20 =	simm.s32 $0x7D80  }
0x5bc: {  	[tilespmem:s20], [sflag:$0x2] =	stream.indirect_vreg.gather [hbm4b:s11+s3], $0x80, v27, vm0, $0xb8;
	[tilespmem:$0x10700] =	vst v63  }
0x5bd: {  	s21 =	simm.s32 $0x7E00  }
0x5be: {  	[tilespmem:s21], [sflag:$0x2] =	stream.indirect_vreg.gather [hbm4b:s11+s3], $0x80, v46, vm0, $0xb8;
	[tilespmem:$0x10700] =	vst v63  }
0x5bf: {  	s17 =	simm.s32 $0x7E80  }
0x5c0: {  	[tilespmem:s17], [sflag:$0x2] =	stream.indirect_vreg.gather [hbm4b:s11+s3], $0x80, v25, vm0, $0xb8;
	[tilespmem:$0x10700] =	vst v63  }
0x5c1: {  	v25 =	vld [tilespmem:s12+$0x70];
	_ =	sdelay $0x4  }
0x5c2: {  	v26 =	vshll.u32 v25, $0x5  }
0x5c3: {  	v25 =	vand.u32 $0x7, v25;
	v26 =	vand.u32 $0xFFFFFF00, v26  }
0x5c4: {  	v25 =	vor.u32 v25, v26  }
0x5c5: {  	v26 =	vperm.xlane v25, v2;
	_ =	sdelay $0x1  }
0x5c6: {  	v27 =	vperm.xlane v25, v4;
	v26 =	vadd.s32 v3, v26;
	_ =	sdelay $0x1  }
0x5c7: {  	v47 =	vperm.xlane v25, v5;
	v27 =	vadd.s32 v3, v27;
	_ =	sdelay $0x1  }
0x5c8: {  	s20 =	simm.s32 $0x7F00;
	v48 =	vperm.xlane v25, v6;
	v28 =	vadd.s32 v3, v47  }
0x5c9: {  	[tilespmem:s20], [sflag:$0x2] =	stream.indirect_vreg.gather [hbm4b:s11+s3], $0x80, v26, vm0, $0xb8;
	[tilespmem:$0x10700] =	vst v63  }
0x5ca: {  	s21 =	simm.s32 $0x7F80;
	v49 =	vperm.xlane v25, v7;
	v26 =	vadd.s32 v3, v48  }
0x5cb: {  	[tilespmem:s21], [sflag:$0x2] =	stream.indirect_vreg.gather [hbm4b:s11+s3], $0x80, v27, vm0, $0xb8;
	[tilespmem:$0x10700] =	vst v63  }
0x5cc: {  	s13 =	simm.s32 $0x8000;
	v50 =	vperm.xlane v25, v1;
	v27 =	vadd.s32 v3, v49  }
0x5cd: {  	[tilespmem:s13], [sflag:$0x2] =	stream.indirect_vreg.gather [hbm4b:s11+s3], $0x80, v28, vm0, $0xb8;
	[tilespmem:$0x10700] =	vst v63  }
0x5ce: {  	v52 =	vperm.xlane v25, v8;
	v51 =	vadd.s32 v3, v50  }
0x5cf: {  	[tilespmem:s0], [sflag:$0x2] =	stream.indirect_vreg.gather [hbm4b:s11+s3], $0x80, v26, vm0, $0xb8;
	[tilespmem:$0x10700] =	vst v63  }
0x5d0: {  	v53 =	vperm.xlane v25, v0;
	v26 =	vadd.s32 v3, v52  }
0x5d1: {  	[tilespmem:s2], [sflag:$0x2] =	stream.indirect_vreg.gather [hbm4b:s11+s3], $0x80, v27, vm0, $0xb8;
	[tilespmem:$0x10700] =	vst v63  }
0x5d2: {  	v54 =	vperm.xlane v25, v9;
	v27 =	vadd.s32 v3, v53  }
0x5d3: {  	[tilespmem:s31], [sflag:$0x2] =	stream.indirect_vreg.gather [hbm4b:s11+s3], $0x80, v51, vm0, $0xb8;
	[tilespmem:$0x10700] =	vst v63  }
0x5d4: {  	s17 =	simm.s32 $0x8200;
	v56 =	vperm.xlane v25, v10;
	v55 =	vadd.s32 v3, v54  }
0x5d5: {  	[tilespmem:s17], [sflag:$0x2] =	stream.indirect_vreg.gather [hbm4b:s11+s3], $0x80, v26, vm0, $0xb8;
	[tilespmem:$0x10700] =	vst v63  }
0x5d6: {  	v57 =	vperm.xlane v25, v11;
	v26 =	vadd.s32 v3, v56  }
0x5d7: {  	[tilespmem:s23], [sflag:$0x2] =	stream.indirect_vreg.gather [hbm4b:s11+s3], $0x80, v27, vm0, $0xb8;
	[tilespmem:$0x10700] =	vst v63  }
0x5d8: {  	v58 =	vperm.xlane v25, v13;
	v27 =	vadd.s32 v3, v57  }
0x5d9: {  	[tilespmem:s29], [sflag:$0x2] =	stream.indirect_vreg.gather [hbm4b:s11+s3], $0x80, v55, vm0, $0xb8;
	[tilespmem:$0x10700] =	vst v63  }
0x5da: {  	v60 =	vperm.xlane v25, v14;
	v59 =	vadd.s32 v3, v58  }
0x5db: {  	[tilespmem:s30], [sflag:$0x2] =	stream.indirect_vreg.gather [hbm4b:s11+s3], $0x80, v26, vm0, $0xb8;
	[tilespmem:$0x10700] =	vst v63  }
0x5dc: {  	v61 =	vperm.xlane v25, v15;
	v26 =	vadd.s32 v3, v60  }
0x5dd: {  	[tilespmem:s28], [sflag:$0x2] =	stream.indirect_vreg.gather [hbm4b:s11+s3], $0x80, v27, vm0, $0xb8;
	[tilespmem:$0x10700] =	vst v63  }
0x5de: {  	v27 =	vadd.s32 v3, v61  }
0x5df: {  	v62 =	vperm.xlane v25, v16;
	[tilespmem:s25], [sflag:$0x2] =	stream.indirect_vreg.gather [hbm4b:s11+s3], $0x80, v59, vm0, $0xb8;
	[tilespmem:$0x10700] =	vst v63  }
0x5e0: {  	_ = 	snop  }
0x5e1: {  	v25 =	vperm.xlane v25, v17;
	v63 =	vadd.s32 v3, v62;
	[tilespmem:s24], [sflag:$0x2] =	stream.indirect_vreg.gather [hbm4b:s11+s3], $0x80, v26, vm0, $0xb8;
	[tilespmem:$0x10700] =	vst v63  }
0x5e2: {  	s20 =	simm.s32 $0x8580  }
0x5e3: {  	v25 =	vadd.s32 v3, v25;
	[tilespmem:s20], [sflag:$0x2] =	stream.indirect_vreg.gather [hbm4b:s11+s3], $0x80, v27, vm0, $0xb8;
	[tilespmem:$0x10700] =	vst v63  }
.Ltmp8:
0x5e4: {  	_ = 	snop;
	(pc) =	sbr.rel .LBB2_10-.Ltmp8, $4  }
0x5e5: {  	_ = 	snop  }
0x5e6: {  	[tilespmem:s22], [sflag:$0x2] =	stream.indirect_vreg.gather [hbm4b:s11+s3], $0x80, v63, vm0, $0xb8;
	[tilespmem:$0x10700] =	vst v63  }
0x5e7: {  	s21 =	simm.s32 $0x8680  }
0x5e8: {  	[tilespmem:s21], [sflag:$0x2] =	stream.indirect_vreg.gather [hbm4b:s11+s3], $0x80, v25, vm0, $0xb8;
	[tilespmem:$0x10700] =	vst v63  }
.LBB2_12:
0x5e9: {  	_ =	sfence.sel $0x180000  }
0x5ea: {  	[bflag:$0x0] =	sbarrier.arrive $0xFFFF  }
0x5eb: {  	_ =	strace $0x90000047  }
0x5ec: {  	s0 =	stileid.u32;
	[bflag:$0x2] =	sbarrier.arrive $0xFFFF  }
0x5ed: {  	p0 =	sne.s32 s0, $0x0;
	s0 =	rddreg [dreg:$0x3]  }
0x5ee: {  	s0 =	sadd.s32 @!p0 $0x100000, s0  }
0x5ef: {  	[sflag:s0] =	ssyncadd.tile.s32 @!p0 $0x1;
	_ =	shalt  }
.Lfunc_end2:
_tile_overlayer_lowered:
.L_overlay_start_2:
0x5f0: {  	(tag) =	ssettag $0x2  }
0x5f1: {  	s0 =	rddreg [dreg:$0x0];
	s2 =	stileid.u32  }
0x5f2: {  	s1 =	rddreg [dreg:$0x1];
	p0 =	sne.s32 s2, $0x0  }
0x5f3: {  	s3 =	rddreg [dreg:$0x2];
	[bflag:$0x3] =	sbarrier.arrive $0xFFFF;
	s2 =	simm.s32 @!p0 $0x1C05  }
0x5f4: {  	[timem:s3], [sflag:s2] =	dma.local @!p0 [hbm:s0], s1  }
0x5f5: {  	s0 =	simm.s32 @!p0 $0x5  }
0x5f6: {  	_ =	swait.ge @!p0 [sflag:s0], s1  }
0x5f7: {  	s1 =	ssub.s32 @!p0 $0x0, s1;
	[sflag:s0] =	ssyncset.done @!p0 $0x0  }
0x5f8: {  	[sflag:s0] =	ssyncadd.s32 @!p0 s1  }
0x5f9: {  	[bflag:$0x3] =	sbarrier.arrive $0xFFFF  }
0x5fa: {  	_ =	shalt  }

</sc_bundles>
